<compile_context>
chip_gen: v7x
topology: tpu7x:2x2x1
jax: 0.10.2.dev20260603
libtpu: 0.0.44.dev20260713+nightly
codegen_flags: <defaults>
</compile_context>

<pallas_src>
import functools
import math

import jax
import jax.numpy as jnp
from jax import lax
from jax.experimental import pallas as pl
from jax.experimental.pallas import tpu as pltpu
from jax.experimental.pallas import tpu_sc as plsc

N = 10000
E = 320000
DIN = 128
DH = 64
DOUT = 2

NPAD = 10240
NC, NS = 2, 16
NW = NC * NS
CHUNK = 104
CPW = 100
K = 4
ROUNDS = CPW // K
TAIL = CPW - ROUNDS * K
DEGK = 10
ROWS_PER_TILE = NPAD // NS

BNS = 1.0 / math.sqrt(1.0 + 1e-5)


def _sc_propagate(table, init, src3, dst3):
    mesh = plsc.VectorSubcoreMesh(
        core_axis_name="c", subcore_axis_name="s", num_cores=NC, num_subcores=NS
    )

    @functools.partial(
        pl.kernel,
        mesh=mesh,
        compiler_params=pltpu.CompilerParams(use_tc_tiling_on_sc=False),
        out_type=jax.ShapeDtypeStruct((NC, NPAD, DH), jnp.float32),
        scratch_types=[
            pltpu.VMEM((CPW, CHUNK), jnp.int32),
            pltpu.VMEM((CPW, CHUNK), jnp.int32),
            pltpu.VMEM((K, CHUNK, DH), jnp.float32),
            pltpu.VMEM_SHARED((NPAD, DH), jnp.float32),
            pltpu.VMEM_SHARED((NPAD, DH), jnp.float32),
            pltpu.SemaphoreType.DMA,
            pltpu.SemaphoreType.DMA,
        ],
    )
    def k(table_hbm, init_hbm, src_hbm, dst_hbm, out_hbm,
          srcv, dstv, rows, utab, acc, sem_g, sem_s):
        cid = lax.axis_index("c")
        sid = lax.axis_index("s")
        w = cid * NS + sid
        base = sid * ROWS_PER_TILE
        pltpu.sync_copy(table_hbm.at[pl.ds(base, ROWS_PER_TILE)],
                        utab.at[pl.ds(base, ROWS_PER_TILE)])
        pltpu.sync_copy(init_hbm.at[pl.ds(base, ROWS_PER_TILE)],
                        acc.at[pl.ds(base, ROWS_PER_TILE)])
        pltpu.sync_copy(src_hbm.at[w], srcv)
        pltpu.sync_copy(dst_hbm.at[w], dstv)
        plsc.subcore_barrier()

        def run_round(j0, n):
            gd = [pltpu.async_copy(utab.at[srcv.at[j0 + i]], rows.at[i],
                                   sem_g) for i in range(n)]
            sd = []
            for i in range(n):
                gd[i].wait()
                sd.append(pltpu.async_copy(rows.at[i], acc.at[dstv.at[j0 + i]],
                                           sem_s, add=True))
            for d in sd:
                d.wait()

        def round_body(r, carry):
            run_round(r * K, K)
            return carry

        lax.fori_loop(0, ROUNDS, round_body, 0)
        if TAIL:
            run_round(ROUNDS * K, TAIL)
        plsc.subcore_barrier()
        pltpu.sync_copy(acc.at[pl.ds(base, ROWS_PER_TILE)],
                        out_hbm.at[cid, pl.ds(base, ROWS_PER_TILE)])

    return k(table, init, src3, dst3)


def _sc_degree(init, dst3):
    mesh = plsc.VectorSubcoreMesh(
        core_axis_name="c", subcore_axis_name="s", num_cores=NC, num_subcores=NS
    )

    @functools.partial(
        pl.kernel,
        mesh=mesh,
        compiler_params=pltpu.CompilerParams(use_tc_tiling_on_sc=False),
        out_type=jax.ShapeDtypeStruct((NC, NPAD, DH), jnp.float32),
        scratch_types=[
            pltpu.VMEM((CPW, CHUNK), jnp.int32),
            pltpu.VMEM((CHUNK, DH), jnp.float32),
            pltpu.VMEM_SHARED((NPAD, DH), jnp.float32),
            pltpu.SemaphoreType.DMA,
        ],
    )
    def k(init_hbm, dst_hbm, out_hbm, dstv, ones_v, acc, sem_s):
        cid = lax.axis_index("c")
        sid = lax.axis_index("s")
        w = cid * NS + sid
        base = sid * ROWS_PER_TILE
        pltpu.sync_copy(init_hbm.at[pl.ds(base, ROWS_PER_TILE)],
                        acc.at[pl.ds(base, ROWS_PER_TILE)])
        pltpu.sync_copy(init_hbm.at[pl.ds(0, CHUNK)], ones_v)
        pltpu.sync_copy(dst_hbm.at[w], dstv)
        plsc.subcore_barrier()

        def body(r, carry):
            j0 = r * DEGK
            sd = [pltpu.async_copy(ones_v, acc.at[dstv.at[j0 + i]], sem_s,
                                   add=True) for i in range(DEGK)]
            for d in sd:
                d.wait()
            return carry

        lax.fori_loop(0, CPW // DEGK, body, 0)
        plsc.subcore_barrier()
        pltpu.sync_copy(acc.at[pl.ds(base, ROWS_PER_TILE)],
                        out_hbm.at[cid, pl.ds(base, ROWS_PER_TILE)])

    return k(init, dst3)


_GRID = 8
_BR = NPAD // _GRID


def _row_spec(d):
    return pl.BlockSpec((_BR, d), lambda i: (i, 0))


def _pair_spec(d):
    return pl.BlockSpec((NC, _BR, d), lambda i: (0, i, 0))


def _full_spec(r, d):
    return pl.BlockSpec((r, d), lambda i: (0, 0))


def _tc_first_body(pd_ref, x_ref, w1_ref, v_ref, u1_ref):
    deg = pd_ref[0] + pd_ref[1] - 1.0
    v = lax.rsqrt(deg)
    v_ref[...] = v
    u1_ref[...] = jnp.dot(x_ref[...], w1_ref[...],
                          preferred_element_type=jnp.float32) * v


def _tc_first(pd, xpad, w1):
    return pl.pallas_call(
        _tc_first_body,
        grid=(_GRID,),
        in_specs=[_pair_spec(DH), _row_spec(DIN), _full_spec(DIN, DH)],
        out_specs=[_row_spec(DH), _row_spec(DH)],
        out_shape=[jax.ShapeDtypeStruct((NPAD, DH), jnp.float32),
                   jax.ShapeDtypeStruct((NPAD, DH), jnp.float32)],
    )(pd, xpad, w1)


def _tc_mid_body(s_ref, u_ref, v_ref, b_ref, g_ref, be_ref, w_ref, out_ref):
    v = v_ref[...]
    t = v * (s_ref[0] + s_ref[1] - u_ref[...]) + b_ref[...]
    h = jnp.maximum(g_ref[...] * BNS * t + be_ref[...], 0.0)
    out_ref[...] = jnp.dot(h, w_ref[...], preferred_element_type=jnp.float32) * v


def _tc_mid(s, u, v, b, g, be, w_next):
    return pl.pallas_call(
        _tc_mid_body,
        grid=(_GRID,),
        in_specs=[_pair_spec(DH), _row_spec(DH), _row_spec(DH),
                  _full_spec(1, DH), _full_spec(1, DH), _full_spec(1, DH),
                  _full_spec(DH, DH)],
        out_specs=_row_spec(DH),
        out_shape=jax.ShapeDtypeStruct((NPAD, DH), jnp.float32),
    )(s, u, v, b, g, be, w_next)


def _tc_last_body(s_ref, u_ref, v_ref, b_ref, g_ref, be_ref, wc_ref, bc_ref, y_ref):
    t = v_ref[...] * (s_ref[0] + s_ref[1] - u_ref[...]) + b_ref[...]
    h = jnp.maximum(g_ref[...] * BNS * t + be_ref[...], 0.0)
    y_ref[...] = jnp.dot(h, wc_ref[...], preferred_element_type=jnp.float32) + bc_ref[...]


def _tc_last(s, u, v, b, g, be, wc_pad, bc_pad):
    return pl.pallas_call(
        _tc_last_body,
        grid=(_GRID,),
        in_specs=[_pair_spec(DH), _row_spec(DH), _row_spec(DH),
                  _full_spec(1, DH), _full_spec(1, DH), _full_spec(1, DH),
                  _full_spec(DH, 128), _full_spec(1, 128)],
        out_specs=_row_spec(128),
        out_shape=jax.ShapeDtypeStruct((NPAD, 128), jnp.float32),
    )(s, u, v, b, g, be, wc_pad, bc_pad)


def kernel(x, edge_index, W1, b1, W2, b2, W3, b3,
           g1, be1, g2, be2, g3, be3, Wc, bc):
    src = edge_index[0]
    dst = edge_index[1]
    epw = E // NW
    pad_cols = CPW * CHUNK - epw

    def slab(idx):
        s = idx.reshape(NW, epw)
        s = jnp.pad(s, ((0, 0), (0, pad_cols)), constant_values=N)
        return s.reshape(NW, CPW, CHUNK)

    src3 = slab(src)
    dst3 = slab(dst)

    xpad = jnp.pad(x, ((0, NPAD - N), (0, 0)))
    ones_t = jnp.ones((NPAD, DH), jnp.float32)
    wc_pad = jnp.pad(Wc, ((0, 0), (0, 128 - DOUT)))
    bc_pad = jnp.pad(bc, (0, 128 - DOUT)).reshape(1, 128)
    b1r, b2r, b3r = b1.reshape(1, DH), b2.reshape(1, DH), b3.reshape(1, DH)
    g1r, g2r, g3r = g1.reshape(1, DH), g2.reshape(1, DH), g3.reshape(1, DH)
    be1r, be2r, be3r = be1.reshape(1, DH), be2.reshape(1, DH), be3.reshape(1, DH)

    pd = _sc_degree(ones_t, dst3)
    v, u1 = _tc_first(pd, xpad, W1)

    s1 = _sc_propagate(u1, u1, src3, dst3)
    u2 = _tc_mid(s1, u1, v, b1r, g1r, be1r, W2)

    s2 = _sc_propagate(u2, u2, src3, dst3)
    u3 = _tc_mid(s2, u2, v, b2r, g2r, be2r, W3)

    s3 = _sc_propagate(u3, u3, src3, dst3)
    y = _tc_last(s3, u3, v, b3r, g3r, be3r, wc_pad, bc_pad)

    return y[:N, :DOUT]

# --- scband reference (transcript-rebuilt; emitter-appended) ---
"""Pipeline reference for scband-gcnmodel-59004260713102 (READ-ONLY COPY).

The authoritative reference and input builder live on the scoring server;
editing this copy changes nothing except your own understanding.
"""

import jax, jax.numpy as jnp
import numpy as np

N = 10000
E = 320000
DIN = 128
DH = 64
DOUT = 2


def setup_inputs(seed: int = 0) -> dict:
    key = jax.random.key(seed)
    ks = jax.random.split(key, 16)
    x = jax.random.normal(ks[0], (N, DIN), dtype=jnp.float32)
    edge_index = jax.random.randint(ks[1], (2, E), 0, N, dtype=jnp.int32)
    W1 = jax.random.normal(ks[2], (DIN, DH), dtype=jnp.float32) * 0.05
    b1 = jnp.zeros((DH,), dtype=jnp.float32)
    W2 = jax.random.normal(ks[3], (DH, DH), dtype=jnp.float32) * 0.05
    b2 = jnp.zeros((DH,), dtype=jnp.float32)
    W3 = jax.random.normal(ks[4], (DH, DH), dtype=jnp.float32) * 0.05
    b3 = jnp.zeros((DH,), dtype=jnp.float32)
    g1 = jnp.ones((DH,), dtype=jnp.float32)
    be1 = jnp.zeros((DH,), dtype=jnp.float32)
    g2 = jnp.ones((DH,), dtype=jnp.float32)
    be2 = jnp.zeros((DH,), dtype=jnp.float32)
    g3 = jnp.ones((DH,), dtype=jnp.float32)
    be3 = jnp.zeros((DH,), dtype=jnp.float32)
    Wc = jax.random.normal(ks[5], (DH, DOUT), dtype=jnp.float32) * 0.05
    bc = jnp.zeros((DOUT,), dtype=jnp.float32)
    return {"x": x, "edge_index": edge_index, "W1": W1, "b1": b1, "W2": W2, "b2": b2,
            "W3": W3, "b3": b3, "g1": g1, "be1": be1, "g2": g2, "be2": be2,
            "g3": g3, "be3": be3, "Wc": Wc, "bc": bc}


def gcn_conv(x, W, b, src, dst, n):
    # linear transform then symmetric-normalized propagation with self-loops (Kipf & Welling)
    h = x @ W
    loop = jnp.arange(n, dtype=src.dtype)
    s = jnp.concatenate([src, loop])
    d = jnp.concatenate([dst, loop])
    deg = jax.ops.segment_sum(jnp.ones(s.shape, dtype=h.dtype), d, num_segments=n)
    dinv = jnp.where(deg > 0, deg ** -0.5, 0.0)
    norm = dinv[s] * dinv[d]
    msg = h[s] * norm[:, None]
    out = jax.ops.segment_sum(msg, d, num_segments=n)
    return out + b


def bn_eval(x, g, be, eps=1e-5):
    # BatchNorm1d in eval mode: running_mean=0, running_var=1
    return g * (x / jnp.sqrt(1.0 + eps)) + be


def reference(x, edge_index, W1, b1, W2, b2, W3, b3, g1, be1, g2, be2, g3, be3, Wc, bc):
    src = edge_index[0]
    dst = edge_index[1]
    n = x.shape[0]
    h = gcn_conv(x, W1, b1, src, dst, n)
    h = jax.nn.relu(bn_eval(h, g1, be1))
    h = gcn_conv(h, W2, b2, src, dst, n)
    h = jax.nn.relu(bn_eval(h, g2, be2))
    h = gcn_conv(h, W3, b3, src, dst, n)
    h = jax.nn.relu(bn_eval(h, g3, be3))
    return h @ Wc + bc

if __name__ == "__main__":
    import jax
    _d = setup_inputs()
    print(jax.jit(kernel)(*tuple(_d.values())))

</pallas_src>

<mosaic_0001>
#map = affine_map<(d0, d1) -> (0, 0)>
#map1 = affine_map<(d0, d1) -> (0, 0, 0)>
module attributes {stable_mosaic.version = 14 : i64} {
  func.func @k(%arg0: i32, %arg1: i32, %arg2: memref<10240x64xf32, #tpu.memory_space<hbm>>, %arg3: memref<10240x64xf32, #tpu.memory_space<hbm>>, %arg4: memref<32x100x104xi32, #tpu.memory_space<hbm>>, %arg5: memref<32x100x104xi32, #tpu.memory_space<hbm>>, %arg6: memref<2x10240x64xf32, #tpu.memory_space<hbm>>, %arg7: memref<100x104xi32, #tpu.memory_space<vmem>>, %arg8: memref<100x104xi32, #tpu.memory_space<vmem>>, %arg9: memref<4x104x64xf32, #tpu.memory_space<vmem>>, %arg10: memref<10240x64xf32, #tpu.memory_space<vmem_shared>>, %arg11: memref<10240x64xf32, #tpu.memory_space<vmem_shared>>, %arg12: memref<!tpu.dma_semaphore, #tpu.memory_space<semaphore_mem>>, %arg13: memref<!tpu.dma_semaphore, #tpu.memory_space<semaphore_mem>>) attributes {dimension_semantics = [#tpu.dimension_semantics<core_parallel>, #tpu.dimension_semantics<subcore_parallel>], iteration_bounds = array<i64: 2, 16>, scalar_prefetch = 0 : i64, scratch_operands = 7 : i64, tpu.core_type = #tpu.core_type<sc_vector_subcore>, window_params = [{transform_indices = #map}, {transform_indices = #map}, {transform_indices = #map1}, {transform_indices = #map1}, {transform_indices = #map1}]} {
    %mul3A = arith.constant 16 : i32
    %mul3A_0 = arith.muli %arg0, %mul3A : i32
    %add3A = arith.addi %mul3A_0, %arg1 : i32
    %mul3A_1 = arith.constant 640 : i32
    %mul3A_2 = arith.muli %arg1, %mul3A_1 : i32
    "tpu.region"() ({
      %run_scoped3A = tpu.sem_alloc : memref<!tpu.dma_semaphore, #tpu.memory_space<semaphore_mem>>
      %dma_start3A = arith.constant 0 : i32
      %dma_start3A_9 = tpu.memref_slice %arg10[%mul3A_2, %dma_start3A] : memref<10240x64xf32, #tpu.memory_space<vmem_shared>> -> memref<640x64xf32, #tpu.memory_space<vmem_shared>>
      %dma_start3A_10 = arith.constant 0 : i32
      %dma_start3A_11 = tpu.memref_slice %arg2[%mul3A_2, %dma_start3A_10] : memref<10240x64xf32, #tpu.memory_space<hbm>> -> memref<640x64xf32, #tpu.memory_space<hbm>>
      tpu.enqueue_dma source(%dma_start3A_11 : memref<640x64xf32, #tpu.memory_space<hbm>>) target(%dma_start3A_9 : memref<640x64xf32, #tpu.memory_space<vmem_shared>>) target_semaphore(%run_scoped3A : memref<!tpu.dma_semaphore, #tpu.memory_space<semaphore_mem>>)
      %dma_wait3A = arith.constant 0 : i32
      %dma_wait3A_12 = tpu.memref_slice %arg10[%mul3A_2, %dma_wait3A] : memref<10240x64xf32, #tpu.memory_space<vmem_shared>> -> memref<640x64xf32, #tpu.memory_space<vmem_shared>>
      %dma_wait3A_13 = arith.constant 0 : i32
      %dma_wait3A_14 = tpu.memref_slice %arg2[%mul3A_2, %dma_wait3A_13] : memref<10240x64xf32, #tpu.memory_space<hbm>> -> memref<640x64xf32, #tpu.memory_space<hbm>>
      tpu.wait_dma2 semaphore(%run_scoped3A : memref<!tpu.dma_semaphore, #tpu.memory_space<semaphore_mem>>) src(%dma_wait3A_14 : memref<640x64xf32, #tpu.memory_space<hbm>>) dst(%dma_wait3A_12 : memref<640x64xf32, #tpu.memory_space<vmem_shared>>)
      tpu.yield
    }) : () -> ()
    "tpu.region"() ({
      %run_scoped3A = tpu.sem_alloc : memref<!tpu.dma_semaphore, #tpu.memory_space<semaphore_mem>>
      %dma_start3A = arith.constant 0 : i32
      %dma_start3A_9 = tpu.memref_slice %arg11[%mul3A_2, %dma_start3A] : memref<10240x64xf32, #tpu.memory_space<vmem_shared>> -> memref<640x64xf32, #tpu.memory_space<vmem_shared>>
      %dma_start3A_10 = arith.constant 0 : i32
      %dma_start3A_11 = tpu.memref_slice %arg3[%mul3A_2, %dma_start3A_10] : memref<10240x64xf32, #tpu.memory_space<hbm>> -> memref<640x64xf32, #tpu.memory_space<hbm>>
      tpu.enqueue_dma source(%dma_start3A_11 : memref<640x64xf32, #tpu.memory_space<hbm>>) target(%dma_start3A_9 : memref<640x64xf32, #tpu.memory_space<vmem_shared>>) target_semaphore(%run_scoped3A : memref<!tpu.dma_semaphore, #tpu.memory_space<semaphore_mem>>)
      %dma_wait3A = arith.constant 0 : i32
      %dma_wait3A_12 = tpu.memref_slice %arg11[%mul3A_2, %dma_wait3A] : memref<10240x64xf32, #tpu.memory_space<vmem_shared>> -> memref<640x64xf32, #tpu.memory_space<vmem_shared>>
      %dma_wait3A_13 = arith.constant 0 : i32
      %dma_wait3A_14 = tpu.memref_slice %arg3[%mul3A_2, %dma_wait3A_13] : memref<10240x64xf32, #tpu.memory_space<hbm>> -> memref<640x64xf32, #tpu.memory_space<hbm>>
      tpu.wait_dma2 semaphore(%run_scoped3A : memref<!tpu.dma_semaphore, #tpu.memory_space<semaphore_mem>>) src(%dma_wait3A_14 : memref<640x64xf32, #tpu.memory_space<hbm>>) dst(%dma_wait3A_12 : memref<640x64xf32, #tpu.memory_space<vmem_shared>>)
      tpu.yield
    }) : () -> ()
    "tpu.region"() ({
      %run_scoped3A = tpu.sem_alloc : memref<!tpu.dma_semaphore, #tpu.memory_space<semaphore_mem>>
      %dma_start3A = arith.constant 0 : i32
      %dma_start3A_9 = arith.constant 0 : i32
      %dma_start3A_10 = tpu.memref_slice %arg4[%add3A, %dma_start3A, %dma_start3A_9] : memref<32x100x104xi32, #tpu.memory_space<hbm>> -> memref<1x100x104xi32, #tpu.memory_space<hbm>>
      %dma_start3A_11 = tpu.memref_squeeze %dma_start3A_10 : memref<1x100x104xi32, #tpu.memory_space<hbm>> -> memref<100x104xi32, #tpu.memory_space<hbm>>
      %dma_start3A_12 = arith.constant 0 : i32
      %dma_start3A_13 = arith.constant 0 : i32
      %dma_start3A_14 = tpu.memref_slice %arg4[%add3A, %dma_start3A_12, %dma_start3A_13] : memref<32x100x104xi32, #tpu.memory_space<hbm>> -> memref<1x100x104xi32, #tpu.memory_space<hbm>>
      %dma_start3A_15 = tpu.memref_squeeze %dma_start3A_14 : memref<1x100x104xi32, #tpu.memory_space<hbm>> -> memref<100x104xi32, #tpu.memory_space<hbm>>
      tpu.enqueue_dma source(%dma_start3A_15 : memref<100x104xi32, #tpu.memory_space<hbm>>) target(%arg7 : memref<100x104xi32, #tpu.memory_space<vmem>>) target_semaphore(%run_scoped3A : memref<!tpu.dma_semaphore, #tpu.memory_space<semaphore_mem>>)
      %dma_wait3A = arith.constant 0 : i32
      %dma_wait3A_16 = arith.constant 0 : i32
      %dma_wait3A_17 = tpu.memref_slice %arg4[%add3A, %dma_wait3A, %dma_wait3A_16] : memref<32x100x104xi32, #tpu.memory_space<hbm>> -> memref<1x100x104xi32, #tpu.memory_space<hbm>>
      %dma_wait3A_18 = tpu.memref_squeeze %dma_wait3A_17 : memref<1x100x104xi32, #tpu.memory_space<hbm>> -> memref<100x104xi32, #tpu.memory_space<hbm>>
      %dma_wait3A_19 = arith.constant 0 : i32
      %dma_wait3A_20 = arith.constant 0 : i32
      %dma_wait3A_21 = tpu.memref_slice %arg4[%add3A, %dma_wait3A_19, %dma_wait3A_20] : memref<32x100x104xi32, #tpu.memory_space<hbm>> -> memref<1x100x104xi32, #tpu.memory_space<hbm>>
      %dma_wait3A_22 = tpu.memref_squeeze %dma_wait3A_21 : memref<1x100x104xi32, #tpu.memory_space<hbm>> -> memref<100x104xi32, #tpu.memory_space<hbm>>
      tpu.wait_dma2 semaphore(%run_scoped3A : memref<!tpu.dma_semaphore, #tpu.memory_space<semaphore_mem>>) src(%dma_wait3A_22 : memref<100x104xi32, #tpu.memory_space<hbm>>) dst(%arg7 : memref<100x104xi32, #tpu.memory_space<vmem>>)
      tpu.yield
    }) : () -> ()
    "tpu.region"() ({
      %run_scoped3A = tpu.sem_alloc : memref<!tpu.dma_semaphore, #tpu.memory_space<semaphore_mem>>
      %dma_start3A = arith.constant 0 : i32
      %dma_start3A_9 = arith.constant 0 : i32
      %dma_start3A_10 = tpu.memref_slice %arg5[%add3A, %dma_start3A, %dma_start3A_9] : memref<32x100x104xi32, #tpu.memory_space<hbm>> -> memref<1x100x104xi32, #tpu.memory_space<hbm>>
      %dma_start3A_11 = tpu.memref_squeeze %dma_start3A_10 : memref<1x100x104xi32, #tpu.memory_space<hbm>> -> memref<100x104xi32, #tpu.memory_space<hbm>>
      %dma_start3A_12 = arith.constant 0 : i32
      %dma_start3A_13 = arith.constant 0 : i32
      %dma_start3A_14 = tpu.memref_slice %arg5[%add3A, %dma_start3A_12, %dma_start3A_13] : memref<32x100x104xi32, #tpu.memory_space<hbm>> -> memref<1x100x104xi32, #tpu.memory_space<hbm>>
      %dma_start3A_15 = tpu.memref_squeeze %dma_start3A_14 : memref<1x100x104xi32, #tpu.memory_space<hbm>> -> memref<100x104xi32, #tpu.memory_space<hbm>>
      tpu.enqueue_dma source(%dma_start3A_15 : memref<100x104xi32, #tpu.memory_space<hbm>>) target(%arg8 : memref<100x104xi32, #tpu.memory_space<vmem>>) target_semaphore(%run_scoped3A : memref<!tpu.dma_semaphore, #tpu.memory_space<semaphore_mem>>)
      %dma_wait3A = arith.constant 0 : i32
      %dma_wait3A_16 = arith.constant 0 : i32
      %dma_wait3A_17 = tpu.memref_slice %arg5[%add3A, %dma_wait3A, %dma_wait3A_16] : memref<32x100x104xi32, #tpu.memory_space<hbm>> -> memref<1x100x104xi32, #tpu.memory_space<hbm>>
      %dma_wait3A_18 = tpu.memref_squeeze %dma_wait3A_17 : memref<1x100x104xi32, #tpu.memory_space<hbm>> -> memref<100x104xi32, #tpu.memory_space<hbm>>
      %dma_wait3A_19 = arith.constant 0 : i32
      %dma_wait3A_20 = arith.constant 0 : i32
      %dma_wait3A_21 = tpu.memref_slice %arg5[%add3A, %dma_wait3A_19, %dma_wait3A_20] : memref<32x100x104xi32, #tpu.memory_space<hbm>> -> memref<1x100x104xi32, #tpu.memory_space<hbm>>
      %dma_wait3A_22 = tpu.memref_squeeze %dma_wait3A_21 : memref<1x100x104xi32, #tpu.memory_space<hbm>> -> memref<100x104xi32, #tpu.memory_space<hbm>>
      tpu.wait_dma2 semaphore(%run_scoped3A : memref<!tpu.dma_semaphore, #tpu.memory_space<semaphore_mem>>) src(%dma_wait3A_22 : memref<100x104xi32, #tpu.memory_space<hbm>>) dst(%arg8 : memref<100x104xi32, #tpu.memory_space<vmem>>)
      tpu.yield
    }) : () -> ()
    %barrier3A = arith.constant 0 : index
    tpu.barrier barrier_id(%barrier3A)
    %scan3A = arith.constant 0 : i32
    %scan3A_3 = arith.constant 0 : i32
    %scan3A_4 = arith.constant 25 : i32
    %scan3A_5 = arith.addi %scan3A_3, %scan3A_4 : i32
    %scan3A_6 = arith.constant 1 : i32
    scf.for %scan3A_9 = %scan3A_3 to %scan3A_5 step %scan3A_6  : i32 {
      %mul3A_10 = arith.constant 4 : i32
      %mul3A_11 = arith.muli %scan3A_9, %mul3A_10 : i32
      %add3A_12 = arith.constant 0 : i32
      %add3A_13 = arith.addi %mul3A_11, %add3A_12 : i32
      %dma_start3A = arith.constant 0 : i32
      %dma_start3A_14 = arith.constant 0 : i32
      %dma_start3A_15 = arith.constant 0 : i32
      %dma_start3A_16 = tpu.memref_slice %arg9[%dma_start3A, %dma_start3A_14, %dma_start3A_15] : memref<4x104x64xf32, #tpu.memory_space<vmem>> -> memref<1x104x64xf32, #tpu.memory_space<vmem>>
      %dma_start3A_17 = tpu.memref_squeeze %dma_start3A_16 : memref<1x104x64xf32, #tpu.memory_space<vmem>> -> memref<104x64xf32, #tpu.memory_space<vmem>>
      %dma_start3A_18 = arith.constant 0 : i32
      %dma_start3A_19 = tpu.memref_slice %arg7[%add3A_13, %dma_start3A_18] : memref<100x104xi32, #tpu.memory_space<vmem>> -> memref<1x104xi32, #tpu.memory_space<vmem>>
      %dma_start3A_20 = tpu.memref_squeeze %dma_start3A_19 : memref<1x104xi32, #tpu.memory_space<vmem>> -> memref<104xi32, #tpu.memory_space<vmem>>
      %dma_start3A_21 = arith.constant 0 : i32
      %dma_start3A_22 = arith.constant 0 : i32
      %dma_start3A_23 = tpu.memref_slice %arg10[%dma_start3A_21, %dma_start3A_22] : memref<10240x64xf32, #tpu.memory_space<vmem_shared>> -> memref<10240x64xf32, #tpu.memory_space<vmem_shared>>
      tpu.enqueue_indirect_dma source(%dma_start3A_23 : memref<10240x64xf32, #tpu.memory_space<vmem_shared>>) target(%dma_start3A_17 : memref<104x64xf32, #tpu.memory_space<vmem>>) offsets(%dma_start3A_20 : memref<104xi32, #tpu.memory_space<vmem>>) semaphore(%arg12 : memref<!tpu.dma_semaphore, #tpu.memory_space<semaphore_mem>>)
      %add3A_24 = arith.constant 1 : i32
      %add3A_25 = arith.addi %mul3A_11, %add3A_24 : i32
      %dma_start3A_26 = arith.constant 1 : i32
      %dma_start3A_27 = arith.constant 0 : i32
      %dma_start3A_28 = arith.constant 0 : i32
      %dma_start3A_29 = tpu.memref_slice %arg9[%dma_start3A_26, %dma_start3A_27, %dma_start3A_28] : memref<4x104x64xf32, #tpu.memory_space<vmem>> -> memref<1x104x64xf32, #tpu.memory_space<vmem>>
      %dma_start3A_30 = tpu.memref_squeeze %dma_start3A_29 : memref<1x104x64xf32, #tpu.memory_space<vmem>> -> memref<104x64xf32, #tpu.memory_space<vmem>>
      %dma_start3A_31 = arith.constant 0 : i32
      %dma_start3A_32 = tpu.memref_slice %arg7[%add3A_25, %dma_start3A_31] : memref<100x104xi32, #tpu.memory_space<vmem>> -> memref<1x104xi32, #tpu.memory_space<vmem>>
      %dma_start3A_33 = tpu.memref_squeeze %dma_start3A_32 : memref<1x104xi32, #tpu.memory_space<vmem>> -> memref<104xi32, #tpu.memory_space<vmem>>
      %dma_start3A_34 = arith.constant 0 : i32
      %dma_start3A_35 = arith.constant 0 : i32
      %dma_start3A_36 = tpu.memref_slice %arg10[%dma_start3A_34, %dma_start3A_35] : memref<10240x64xf32, #tpu.memory_space<vmem_shared>> -> memref<10240x64xf32, #tpu.memory_space<vmem_shared>>
      tpu.enqueue_indirect_dma source(%dma_start3A_36 : memref<10240x64xf32, #tpu.memory_space<vmem_shared>>) target(%dma_start3A_30 : memref<104x64xf32, #tpu.memory_space<vmem>>) offsets(%dma_start3A_33 : memref<104xi32, #tpu.memory_space<vmem>>) semaphore(%arg12 : memref<!tpu.dma_semaphore, #tpu.memory_space<semaphore_mem>>)
      %add3A_37 = arith.constant 2 : i32
      %add3A_38 = arith.addi %mul3A_11, %add3A_37 : i32
      %dma_start3A_39 = arith.constant 2 : i32
      %dma_start3A_40 = arith.constant 0 : i32
      %dma_start3A_41 = arith.constant 0 : i32
      %dma_start3A_42 = tpu.memref_slice %arg9[%dma_start3A_39, %dma_start3A_40, %dma_start3A_41] : memref<4x104x64xf32, #tpu.memory_space<vmem>> -> memref<1x104x64xf32, #tpu.memory_space<vmem>>
      %dma_start3A_43 = tpu.memref_squeeze %dma_start3A_42 : memref<1x104x64xf32, #tpu.memory_space<vmem>> -> memref<104x64xf32, #tpu.memory_space<vmem>>
      %dma_start3A_44 = arith.constant 0 : i32
      %dma_start3A_45 = tpu.memref_slice %arg7[%add3A_38, %dma_start3A_44] : memref<100x104xi32, #tpu.memory_space<vmem>> -> memref<1x104xi32, #tpu.memory_space<vmem>>
      %dma_start3A_46 = tpu.memref_squeeze %dma_start3A_45 : memref<1x104xi32, #tpu.memory_space<vmem>> -> memref<104xi32, #tpu.memory_space<vmem>>
      %dma_start3A_47 = arith.constant 0 : i32
      %dma_start3A_48 = arith.constant 0 : i32
      %dma_start3A_49 = tpu.memref_slice %arg10[%dma_start3A_47, %dma_start3A_48] : memref<10240x64xf32, #tpu.memory_space<vmem_shared>> -> memref<10240x64xf32, #tpu.memory_space<vmem_shared>>
      tpu.enqueue_indirect_dma source(%dma_start3A_49 : memref<10240x64xf32, #tpu.memory_space<vmem_shared>>) target(%dma_start3A_43 : memref<104x64xf32, #tpu.memory_space<vmem>>) offsets(%dma_start3A_46 : memref<104xi32, #tpu.memory_space<vmem>>) semaphore(%arg12 : memref<!tpu.dma_semaphore, #tpu.memory_space<semaphore_mem>>)
      %add3A_50 = arith.constant 3 : i32
      %add3A_51 = arith.addi %mul3A_11, %add3A_50 : i32
      %dma_start3A_52 = arith.constant 3 : i32
      %dma_start3A_53 = arith.constant 0 : i32
      %dma_start3A_54 = arith.constant 0 : i32
      %dma_start3A_55 = tpu.memref_slice %arg9[%dma_start3A_52, %dma_start3A_53, %dma_start3A_54] : memref<4x104x64xf32, #tpu.memory_space<vmem>> -> memref<1x104x64xf32, #tpu.memory_space<vmem>>
      %dma_start3A_56 = tpu.memref_squeeze %dma_start3A_55 : memref<1x104x64xf32, #tpu.memory_space<vmem>> -> memref<104x64xf32, #tpu.memory_space<vmem>>
      %dma_start3A_57 = arith.constant 0 : i32
      %dma_start3A_58 = tpu.memref_slice %arg7[%add3A_51, %dma_start3A_57] : memref<100x104xi32, #tpu.memory_space<vmem>> -> memref<1x104xi32, #tpu.memory_space<vmem>>
      %dma_start3A_59 = tpu.memref_squeeze %dma_start3A_58 : memref<1x104xi32, #tpu.memory_space<vmem>> -> memref<104xi32, #tpu.memory_space<vmem>>
      %dma_start3A_60 = arith.constant 0 : i32
      %dma_start3A_61 = arith.constant 0 : i32
      %dma_start3A_62 = tpu.memref_slice %arg10[%dma_start3A_60, %dma_start3A_61] : memref<10240x64xf32, #tpu.memory_space<vmem_shared>> -> memref<10240x64xf32, #tpu.memory_space<vmem_shared>>
      tpu.enqueue_indirect_dma source(%dma_start3A_62 : memref<10240x64xf32, #tpu.memory_space<vmem_shared>>) target(%dma_start3A_56 : memref<104x64xf32, #tpu.memory_space<vmem>>) offsets(%dma_start3A_59 : memref<104xi32, #tpu.memory_space<vmem>>) semaphore(%arg12 : memref<!tpu.dma_semaphore, #tpu.memory_space<semaphore_mem>>)
      %dma_wait3A = arith.constant 0 : i32
      %dma_wait3A_63 = arith.constant 0 : i32
      %dma_wait3A_64 = arith.constant 0 : i32
      %dma_wait3A_65 = tpu.memref_slice %arg9[%dma_wait3A, %dma_wait3A_63, %dma_wait3A_64] : memref<4x104x64xf32, #tpu.memory_space<vmem>> -> memref<1x104x64xf32, #tpu.memory_space<vmem>>
      %dma_wait3A_66 = tpu.memref_squeeze %dma_wait3A_65 : memref<1x104x64xf32, #tpu.memory_space<vmem>> -> memref<104x64xf32, #tpu.memory_space<vmem>>
      %dma_wait3A_67 = arith.constant 0 : i32
      %dma_wait3A_68 = tpu.memref_slice %arg7[%add3A_13, %dma_wait3A_67] : memref<100x104xi32, #tpu.memory_space<vmem>> -> memref<1x104xi32, #tpu.memory_space<vmem>>
      %dma_wait3A_69 = tpu.memref_squeeze %dma_wait3A_68 : memref<1x104xi32, #tpu.memory_space<vmem>> -> memref<104xi32, #tpu.memory_space<vmem>>
      %dma_wait3A_70 = arith.constant 0 : i32
      %dma_wait3A_71 = arith.constant 0 : i32
      %dma_wait3A_72 = tpu.memref_slice %arg10[%dma_wait3A_70, %dma_wait3A_71] : memref<10240x64xf32, #tpu.memory_space<vmem_shared>> -> memref<10240x64xf32, #tpu.memory_space<vmem_shared>>
      tpu.wait_indirect_dma semaphore(%arg12 : memref<!tpu.dma_semaphore, #tpu.memory_space<semaphore_mem>>) src(%dma_wait3A_72 : memref<10240x64xf32, #tpu.memory_space<vmem_shared>>) dst(%dma_wait3A_66 : memref<104x64xf32, #tpu.memory_space<vmem>>)
      %add3A_73 = arith.constant 0 : i32
      %add3A_74 = arith.addi %mul3A_11, %add3A_73 : i32
      %dma_start3A_75 = arith.constant 0 : i32
      %dma_start3A_76 = arith.constant 0 : i32
      %dma_start3A_77 = arith.constant 0 : i32
      %dma_start3A_78 = tpu.memref_slice %arg9[%dma_start3A_75, %dma_start3A_76, %dma_start3A_77] : memref<4x104x64xf32, #tpu.memory_space<vmem>> -> memref<1x104x64xf32, #tpu.memory_space<vmem>>
      %dma_start3A_79 = tpu.memref_squeeze %dma_start3A_78 : memref<1x104x64xf32, #tpu.memory_space<vmem>> -> memref<104x64xf32, #tpu.memory_space<vmem>>
      %dma_start3A_80 = arith.constant 0 : i32
      %dma_start3A_81 = tpu.memref_slice %arg8[%add3A_74, %dma_start3A_80] : memref<100x104xi32, #tpu.memory_space<vmem>> -> memref<1x104xi32, #tpu.memory_space<vmem>>
      %dma_start3A_82 = tpu.memref_squeeze %dma_start3A_81 : memref<1x104xi32, #tpu.memory_space<vmem>> -> memref<104xi32, #tpu.memory_space<vmem>>
      %dma_start3A_83 = arith.constant 0 : i32
      %dma_start3A_84 = arith.constant 0 : i32
      %dma_start3A_85 = tpu.memref_slice %arg11[%dma_start3A_83, %dma_start3A_84] : memref<10240x64xf32, #tpu.memory_space<vmem_shared>> -> memref<10240x64xf32, #tpu.memory_space<vmem_shared>>
      tpu.enqueue_indirect_dma source(%dma_start3A_79 : memref<104x64xf32, #tpu.memory_space<vmem>>) target(%dma_start3A_85 : memref<10240x64xf32, #tpu.memory_space<vmem_shared>>) offsets(%dma_start3A_82 : memref<104xi32, #tpu.memory_space<vmem>>) semaphore(%arg13 : memref<!tpu.dma_semaphore, #tpu.memory_space<semaphore_mem>>) {add = true}
      %dma_wait3A_86 = arith.constant 1 : i32
      %dma_wait3A_87 = arith.constant 0 : i32
      %dma_wait3A_88 = arith.constant 0 : i32
      %dma_wait3A_89 = tpu.memref_slice %arg9[%dma_wait3A_86, %dma_wait3A_87, %dma_wait3A_88] : memref<4x104x64xf32, #tpu.memory_space<vmem>> -> memref<1x104x64xf32, #tpu.memory_space<vmem>>
      %dma_wait3A_90 = tpu.memref_squeeze %dma_wait3A_89 : memref<1x104x64xf32, #tpu.memory_space<vmem>> -> memref<104x64xf32, #tpu.memory_space<vmem>>
      %dma_wait3A_91 = arith.constant 0 : i32
      %dma_wait3A_92 = tpu.memref_slice %arg7[%add3A_25, %dma_wait3A_91] : memref<100x104xi32, #tpu.memory_space<vmem>> -> memref<1x104xi32, #tpu.memory_space<vmem>>
      %dma_wait3A_93 = tpu.memref_squeeze %dma_wait3A_92 : memref<1x104xi32, #tpu.memory_space<vmem>> -> memref<104xi32, #tpu.memory_space<vmem>>
      %dma_wait3A_94 = arith.constant 0 : i32
      %dma_wait3A_95 = arith.constant 0 : i32
      %dma_wait3A_96 = tpu.memref_slice %arg10[%dma_wait3A_94, %dma_wait3A_95] : memref<10240x64xf32, #tpu.memory_space<vmem_shared>> -> memref<10240x64xf32, #tpu.memory_space<vmem_shared>>
      tpu.wait_indirect_dma semaphore(%arg12 : memref<!tpu.dma_semaphore, #tpu.memory_space<semaphore_mem>>) src(%dma_wait3A_96 : memref<10240x64xf32, #tpu.memory_space<vmem_shared>>) dst(%dma_wait3A_90 : memref<104x64xf32, #tpu.memory_space<vmem>>)
      %add3A_97 = arith.constant 1 : i32
      %add3A_98 = arith.addi %mul3A_11, %add3A_97 : i32
      %dma_start3A_99 = arith.constant 1 : i32
      %dma_start3A_100 = arith.constant 0 : i32
      %dma_start3A_101 = arith.constant 0 : i32
      %dma_start3A_102 = tpu.memref_slice %arg9[%dma_start3A_99, %dma_start3A_100, %dma_start3A_101] : memref<4x104x64xf32, #tpu.memory_space<vmem>> -> memref<1x104x64xf32, #tpu.memory_space<vmem>>
      %dma_start3A_103 = tpu.memref_squeeze %dma_start3A_102 : memref<1x104x64xf32, #tpu.memory_space<vmem>> -> memref<104x64xf32, #tpu.memory_space<vmem>>
      %dma_start3A_104 = arith.constant 0 : i32
      %dma_start3A_105 = tpu.memref_slice %arg8[%add3A_98, %dma_start3A_104] : memref<100x104xi32, #tpu.memory_space<vmem>> -> memref<1x104xi32, #tpu.memory_space<vmem>>
      %dma_start3A_106 = tpu.memref_squeeze %dma_start3A_105 : memref<1x104xi32, #tpu.memory_space<vmem>> -> memref<104xi32, #tpu.memory_space<vmem>>
      %dma_start3A_107 = arith.constant 0 : i32
      %dma_start3A_108 = arith.constant 0 : i32
      %dma_start3A_109 = tpu.memref_slice %arg11[%dma_start3A_107, %dma_start3A_108] : memref<10240x64xf32, #tpu.memory_space<vmem_shared>> -> memref<10240x64xf32, #tpu.memory_space<vmem_shared>>
      tpu.enqueue_indirect_dma source(%dma_start3A_103 : memref<104x64xf32, #tpu.memory_space<vmem>>) target(%dma_start3A_109 : memref<10240x64xf32, #tpu.memory_space<vmem_shared>>) offsets(%dma_start3A_106 : memref<104xi32, #tpu.memory_space<vmem>>) semaphore(%arg13 : memref<!tpu.dma_semaphore, #tpu.memory_space<semaphore_mem>>) {add = true}
      %dma_wait3A_110 = arith.constant 2 : i32
      %dma_wait3A_111 = arith.constant 0 : i32
      %dma_wait3A_112 = arith.constant 0 : i32
      %dma_wait3A_113 = tpu.memref_slice %arg9[%dma_wait3A_110, %dma_wait3A_111, %dma_wait3A_112] : memref<4x104x64xf32, #tpu.memory_space<vmem>> -> memref<1x104x64xf32, #tpu.memory_space<vmem>>
      %dma_wait3A_114 = tpu.memref_squeeze %dma_wait3A_113 : memref<1x104x64xf32, #tpu.memory_space<vmem>> -> memref<104x64xf32, #tpu.memory_space<vmem>>
      %dma_wait3A_115 = arith.constant 0 : i32
      %dma_wait3A_116 = tpu.memref_slice %arg7[%add3A_38, %dma_wait3A_115] : memref<100x104xi32, #tpu.memory_space<vmem>> -> memref<1x104xi32, #tpu.memory_space<vmem>>
      %dma_wait3A_117 = tpu.memref_squeeze %dma_wait3A_116 : memref<1x104xi32, #tpu.memory_space<vmem>> -> memref<104xi32, #tpu.memory_space<vmem>>
      %dma_wait3A_118 = arith.constant 0 : i32
      %dma_wait3A_119 = arith.constant 0 : i32
      %dma_wait3A_120 = tpu.memref_slice %arg10[%dma_wait3A_118, %dma_wait3A_119] : memref<10240x64xf32, #tpu.memory_space<vmem_shared>> -> memref<10240x64xf32, #tpu.memory_space<vmem_shared>>
      tpu.wait_indirect_dma semaphore(%arg12 : memref<!tpu.dma_semaphore, #tpu.memory_space<semaphore_mem>>) src(%dma_wait3A_120 : memref<10240x64xf32, #tpu.memory_space<vmem_shared>>) dst(%dma_wait3A_114 : memref<104x64xf32, #tpu.memory_space<vmem>>)
      %add3A_121 = arith.constant 2 : i32
      %add3A_122 = arith.addi %mul3A_11, %add3A_121 : i32
      %dma_start3A_123 = arith.constant 2 : i32
      %dma_start3A_124 = arith.constant 0 : i32
      %dma_start3A_125 = arith.constant 0 : i32
      %dma_start3A_126 = tpu.memref_slice %arg9[%dma_start3A_123, %dma_start3A_124, %dma_start3A_125] : memref<4x104x64xf32, #tpu.memory_space<vmem>> -> memref<1x104x64xf32, #tpu.memory_space<vmem>>
      %dma_start3A_127 = tpu.memref_squeeze %dma_start3A_126 : memref<1x104x64xf32, #tpu.memory_space<vmem>> -> memref<104x64xf32, #tpu.memory_space<vmem>>
      %dma_start3A_128 = arith.constant 0 : i32
      %dma_start3A_129 = tpu.memref_slice %arg8[%add3A_122, %dma_start3A_128] : memref<100x104xi32, #tpu.memory_space<vmem>> -> memref<1x104xi32, #tpu.memory_space<vmem>>
      %dma_start3A_130 = tpu.memref_squeeze %dma_start3A_129 : memref<1x104xi32, #tpu.memory_space<vmem>> -> memref<104xi32, #tpu.memory_space<vmem>>
      %dma_start3A_131 = arith.constant 0 : i32
      %dma_start3A_132 = arith.constant 0 : i32
      %dma_start3A_133 = tpu.memref_slice %arg11[%dma_start3A_131, %dma_start3A_132] : memref<10240x64xf32, #tpu.memory_space<vmem_shared>> -> memref<10240x64xf32, #tpu.memory_space<vmem_shared>>
      tpu.enqueue_indirect_dma source(%dma_start3A_127 : memref<104x64xf32, #tpu.memory_space<vmem>>) target(%dma_start3A_133 : memref<10240x64xf32, #tpu.memory_space<vmem_shared>>) offsets(%dma_start3A_130 : memref<104xi32, #tpu.memory_space<vmem>>) semaphore(%arg13 : memref<!tpu.dma_semaphore, #tpu.memory_space<semaphore_mem>>) {add = true}
      %dma_wait3A_134 = arith.constant 3 : i32
      %dma_wait3A_135 = arith.constant 0 : i32
      %dma_wait3A_136 = arith.constant 0 : i32
      %dma_wait3A_137 = tpu.memref_slice %arg9[%dma_wait3A_134, %dma_wait3A_135, %dma_wait3A_136] : memref<4x104x64xf32, #tpu.memory_space<vmem>> -> memref<1x104x64xf32, #tpu.memory_space<vmem>>
      %dma_wait3A_138 = tpu.memref_squeeze %dma_wait3A_137 : memref<1x104x64xf32, #tpu.memory_space<vmem>> -> memref<104x64xf32, #tpu.memory_space<vmem>>
      %dma_wait3A_139 = arith.constant 0 : i32
      %dma_wait3A_140 = tpu.memref_slice %arg7[%add3A_51, %dma_wait3A_139] : memref<100x104xi32, #tpu.memory_space<vmem>> -> memref<1x104xi32, #tpu.memory_space<vmem>>
      %dma_wait3A_141 = tpu.memref_squeeze %dma_wait3A_140 : memref<1x104xi32, #tpu.memory_space<vmem>> -> memref<104xi32, #tpu.memory_space<vmem>>
      %dma_wait3A_142 = arith.constant 0 : i32
      %dma_wait3A_143 = arith.constant 0 : i32
      %dma_wait3A_144 = tpu.memref_slice %arg10[%dma_wait3A_142, %dma_wait3A_143] : memref<10240x64xf32, #tpu.memory_space<vmem_shared>> -> memref<10240x64xf32, #tpu.memory_space<vmem_shared>>
      tpu.wait_indirect_dma semaphore(%arg12 : memref<!tpu.dma_semaphore, #tpu.memory_space<semaphore_mem>>) src(%dma_wait3A_144 : memref<10240x64xf32, #tpu.memory_space<vmem_shared>>) dst(%dma_wait3A_138 : memref<104x64xf32, #tpu.memory_space<vmem>>)
      %add3A_145 = arith.constant 3 : i32
      %add3A_146 = arith.addi %mul3A_11, %add3A_145 : i32
      %dma_start3A_147 = arith.constant 3 : i32
      %dma_start3A_148 = arith.constant 0 : i32
      %dma_start3A_149 = arith.constant 0 : i32
      %dma_start3A_150 = tpu.memref_slice %arg9[%dma_start3A_147, %dma_start3A_148, %dma_start3A_149] : memref<4x104x64xf32, #tpu.memory_space<vmem>> -> memref<1x104x64xf32, #tpu.memory_space<vmem>>
      %dma_start3A_151 = tpu.memref_squeeze %dma_start3A_150 : memref<1x104x64xf32, #tpu.memory_space<vmem>> -> memref<104x64xf32, #tpu.memory_space<vmem>>
      %dma_start3A_152 = arith.constant 0 : i32
      %dma_start3A_153 = tpu.memref_slice %arg8[%add3A_146, %dma_start3A_152] : memref<100x104xi32, #tpu.memory_space<vmem>> -> memref<1x104xi32, #tpu.memory_space<vmem>>
      %dma_start3A_154 = tpu.memref_squeeze %dma_start3A_153 : memref<1x104xi32, #tpu.memory_space<vmem>> -> memref<104xi32, #tpu.memory_space<vmem>>
      %dma_start3A_155 = arith.constant 0 : i32
      %dma_start3A_156 = arith.constant 0 : i32
      %dma_start3A_157 = tpu.memref_slice %arg11[%dma_start3A_155, %dma_start3A_156] : memref<10240x64xf32, #tpu.memory_space<vmem_shared>> -> memref<10240x64xf32, #tpu.memory_space<vmem_shared>>
      tpu.enqueue_indirect_dma source(%dma_start3A_151 : memref<104x64xf32, #tpu.memory_space<vmem>>) target(%dma_start3A_157 : memref<10240x64xf32, #tpu.memory_space<vmem_shared>>) offsets(%dma_start3A_154 : memref<104xi32, #tpu.memory_space<vmem>>) semaphore(%arg13 : memref<!tpu.dma_semaphore, #tpu.memory_space<semaphore_mem>>) {add = true}
      %dma_wait3A_158 = arith.constant 0 : i32
      %dma_wait3A_159 = arith.constant 0 : i32
      %dma_wait3A_160 = arith.constant 0 : i32
      %dma_wait3A_161 = tpu.memref_slice %arg9[%dma_wait3A_158, %dma_wait3A_159, %dma_wait3A_160] : memref<4x104x64xf32, #tpu.memory_space<vmem>> -> memref<1x104x64xf32, #tpu.memory_space<vmem>>
      %dma_wait3A_162 = tpu.memref_squeeze %dma_wait3A_161 : memref<1x104x64xf32, #tpu.memory_space<vmem>> -> memref<104x64xf32, #tpu.memory_space<vmem>>
      %dma_wait3A_163 = arith.constant 0 : i32
      %dma_wait3A_164 = tpu.memref_slice %arg8[%add3A_74, %dma_wait3A_163] : memref<100x104xi32, #tpu.memory_space<vmem>> -> memref<1x104xi32, #tpu.memory_space<vmem>>
      %dma_wait3A_165 = tpu.memref_squeeze %dma_wait3A_164 : memref<1x104xi32, #tpu.memory_space<vmem>> -> memref<104xi32, #tpu.memory_space<vmem>>
      %dma_wait3A_166 = arith.constant 0 : i32
      %dma_wait3A_167 = arith.constant 0 : i32
      %dma_wait3A_168 = tpu.memref_slice %arg11[%dma_wait3A_166, %dma_wait3A_167] : memref<10240x64xf32, #tpu.memory_space<vmem_shared>> -> memref<10240x64xf32, #tpu.memory_space<vmem_shared>>
      tpu.wait_indirect_dma semaphore(%arg13 : memref<!tpu.dma_semaphore, #tpu.memory_space<semaphore_mem>>) src(%dma_wait3A_162 : memref<104x64xf32, #tpu.memory_space<vmem>>) dst(%dma_wait3A_168 : memref<10240x64xf32, #tpu.memory_space<vmem_shared>>)
      %dma_wait3A_169 = arith.constant 1 : i32
      %dma_wait3A_170 = arith.constant 0 : i32
      %dma_wait3A_171 = arith.constant 0 : i32
      %dma_wait3A_172 = tpu.memref_slice %arg9[%dma_wait3A_169, %dma_wait3A_170, %dma_wait3A_171] : memref<4x104x64xf32, #tpu.memory_space<vmem>> -> memref<1x104x64xf32, #tpu.memory_space<vmem>>
      %dma_wait3A_173 = tpu.memref_squeeze %dma_wait3A_172 : memref<1x104x64xf32, #tpu.memory_space<vmem>> -> memref<104x64xf32, #tpu.memory_space<vmem>>
      %dma_wait3A_174 = arith.constant 0 : i32
      %dma_wait3A_175 = tpu.memref_slice %arg8[%add3A_98, %dma_wait3A_174] : memref<100x104xi32, #tpu.memory_space<vmem>> -> memref<1x104xi32, #tpu.memory_space<vmem>>
      %dma_wait3A_176 = tpu.memref_squeeze %dma_wait3A_175 : memref<1x104xi32, #tpu.memory_space<vmem>> -> memref<104xi32, #tpu.memory_space<vmem>>
      %dma_wait3A_177 = arith.constant 0 : i32
      %dma_wait3A_178 = arith.constant 0 : i32
      %dma_wait3A_179 = tpu.memref_slice %arg11[%dma_wait3A_177, %dma_wait3A_178] : memref<10240x64xf32, #tpu.memory_space<vmem_shared>> -> memref<10240x64xf32, #tpu.memory_space<vmem_shared>>
      tpu.wait_indirect_dma semaphore(%arg13 : memref<!tpu.dma_semaphore, #tpu.memory_space<semaphore_mem>>) src(%dma_wait3A_173 : memref<104x64xf32, #tpu.memory_space<vmem>>) dst(%dma_wait3A_179 : memref<10240x64xf32, #tpu.memory_space<vmem_shared>>)
      %dma_wait3A_180 = arith.constant 2 : i32
      %dma_wait3A_181 = arith.constant 0 : i32
      %dma_wait3A_182 = arith.constant 0 : i32
      %dma_wait3A_183 = tpu.memref_slice %arg9[%dma_wait3A_180, %dma_wait3A_181, %dma_wait3A_182] : memref<4x104x64xf32, #tpu.memory_space<vmem>> -> memref<1x104x64xf32, #tpu.memory_space<vmem>>
      %dma_wait3A_184 = tpu.memref_squeeze %dma_wait3A_183 : memref<1x104x64xf32, #tpu.memory_space<vmem>> -> memref<104x64xf32, #tpu.memory_space<vmem>>
      %dma_wait3A_185 = arith.constant 0 : i32
      %dma_wait3A_186 = tpu.memref_slice %arg8[%add3A_122, %dma_wait3A_185] : memref<100x104xi32, #tpu.memory_space<vmem>> -> memref<1x104xi32, #tpu.memory_space<vmem>>
      %dma_wait3A_187 = tpu.memref_squeeze %dma_wait3A_186 : memref<1x104xi32, #tpu.memory_space<vmem>> -> memref<104xi32, #tpu.memory_space<vmem>>
      %dma_wait3A_188 = arith.constant 0 : i32
      %dma_wait3A_189 = arith.constant 0 : i32
      %dma_wait3A_190 = tpu.memref_slice %arg11[%dma_wait3A_188, %dma_wait3A_189] : memref<10240x64xf32, #tpu.memory_space<vmem_shared>> -> memref<10240x64xf32, #tpu.memory_space<vmem_shared>>
      tpu.wait_indirect_dma semaphore(%arg13 : memref<!tpu.dma_semaphore, #tpu.memory_space<semaphore_mem>>) src(%dma_wait3A_184 : memref<104x64xf32, #tpu.memory_space<vmem>>) dst(%dma_wait3A_190 : memref<10240x64xf32, #tpu.memory_space<vmem_shared>>)
      %dma_wait3A_191 = arith.constant 3 : i32
      %dma_wait3A_192 = arith.constant 0 : i32
      %dma_wait3A_193 = arith.constant 0 : i32
      %dma_wait3A_194 = tpu.memref_slice %arg9[%dma_wait3A_191, %dma_wait3A_192, %dma_wait3A_193] : memref<4x104x64xf32, #tpu.memory_space<vmem>> -> memref<1x104x64xf32, #tpu.memory_space<vmem>>
      %dma_wait3A_195 = tpu.memref_squeeze %dma_wait3A_194 : memref<1x104x64xf32, #tpu.memory_space<vmem>> -> memref<104x64xf32, #tpu.memory_space<vmem>>
      %dma_wait3A_196 = arith.constant 0 : i32
      %dma_wait3A_197 = tpu.memref_slice %arg8[%add3A_146, %dma_wait3A_196] : memref<100x104xi32, #tpu.memory_space<vmem>> -> memref<1x104xi32, #tpu.memory_space<vmem>>
      %dma_wait3A_198 = tpu.memref_squeeze %dma_wait3A_197 : memref<1x104xi32, #tpu.memory_space<vmem>> -> memref<104xi32, #tpu.memory_space<vmem>>
      %dma_wait3A_199 = arith.constant 0 : i32
      %dma_wait3A_200 = arith.constant 0 : i32
      %dma_wait3A_201 = tpu.memref_slice %arg11[%dma_wait3A_199, %dma_wait3A_200] : memref<10240x64xf32, #tpu.memory_space<vmem_shared>> -> memref<10240x64xf32, #tpu.memory_space<vmem_shared>>
      tpu.wait_indirect_dma semaphore(%arg13 : memref<!tpu.dma_semaphore, #tpu.memory_space<semaphore_mem>>) src(%dma_wait3A_195 : memref<104x64xf32, #tpu.memory_space<vmem>>) dst(%dma_wait3A_201 : memref<10240x64xf32, #tpu.memory_space<vmem_shared>>)
    }
    %scan3A_7 = arith.constant 25 : i32
    %barrier3A_8 = arith.constant 0 : index
    tpu.barrier barrier_id(%barrier3A_8)
    "tpu.region"() ({
      %run_scoped3A = tpu.sem_alloc : memref<!tpu.dma_semaphore, #tpu.memory_space<semaphore_mem>>
      %dma_start3A = arith.constant 0 : i32
      %dma_start3A_9 = tpu.memref_slice %arg6[%arg0, %mul3A_2, %dma_start3A] : memref<2x10240x64xf32, #tpu.memory_space<hbm>> -> memref<1x640x64xf32, #tpu.memory_space<hbm>>
      %dma_start3A_10 = tpu.memref_squeeze %dma_start3A_9 : memref<1x640x64xf32, #tpu.memory_space<hbm>> -> memref<640x64xf32, #tpu.memory_space<hbm>>
      %dma_start3A_11 = arith.constant 0 : i32
      %dma_start3A_12 = tpu.memref_slice %arg11[%mul3A_2, %dma_start3A_11] : memref<10240x64xf32, #tpu.memory_space<vmem_shared>> -> memref<640x64xf32, #tpu.memory_space<vmem_shared>>
      tpu.enqueue_dma source(%dma_start3A_12 : memref<640x64xf32, #tpu.memory_space<vmem_shared>>) target(%dma_start3A_10 : memref<640x64xf32, #tpu.memory_space<hbm>>) target_semaphore(%run_scoped3A : memref<!tpu.dma_semaphore, #tpu.memory_space<semaphore_mem>>)
      %dma_wait3A = arith.constant 0 : i32
      %dma_wait3A_13 = tpu.memref_slice %arg6[%arg0, %mul3A_2, %dma_wait3A] : memref<2x10240x64xf32, #tpu.memory_space<hbm>> -> memref<1x640x64xf32, #tpu.memory_space<hbm>>
      %dma_wait3A_14 = tpu.memref_squeeze %dma_wait3A_13 : memref<1x640x64xf32, #tpu.memory_space<hbm>> -> memref<640x64xf32, #tpu.memory_space<hbm>>
      %dma_wait3A_15 = arith.constant 0 : i32
      %dma_wait3A_16 = tpu.memref_slice %arg11[%mul3A_2, %dma_wait3A_15] : memref<10240x64xf32, #tpu.memory_space<vmem_shared>> -> memref<640x64xf32, #tpu.memory_space<vmem_shared>>
      tpu.wait_dma2 semaphore(%run_scoped3A : memref<!tpu.dma_semaphore, #tpu.memory_space<semaphore_mem>>) src(%dma_wait3A_16 : memref<640x64xf32, #tpu.memory_space<vmem_shared>>) dst(%dma_wait3A_14 : memref<640x64xf32, #tpu.memory_space<hbm>>)
      tpu.yield
    }) : () -> ()
    return
  }
}

#map = affine_map<(d0, d1) -> (0, 0)>
#map1 = affine_map<(d0, d1) -> (0, 0, 0)>
module attributes {stable_mosaic.version = 14 : i64} {
  func.func @k(%arg0: i32, %arg1: i32, %arg2: memref<10240x64xf32, #tpu.memory_space<hbm>>, %arg3: memref<10240x64xf32, #tpu.memory_space<hbm>>, %arg4: memref<32x100x104xi32, #tpu.memory_space<hbm>>, %arg5: memref<32x100x104xi32, #tpu.memory_space<hbm>>, %arg6: memref<2x10240x64xf32, #tpu.memory_space<hbm>>, %arg7: memref<100x104xi32, #tpu.memory_space<vmem>>, %arg8: memref<100x104xi32, #tpu.memory_space<vmem>>, %arg9: memref<4x104x64xf32, #tpu.memory_space<vmem>>, %arg10: memref<10240x64xf32, #tpu.memory_space<vmem_shared>>, %arg11: memref<10240x64xf32, #tpu.memory_space<vmem_shared>>, %arg12: memref<!tpu.dma_semaphore, #tpu.memory_space<semaphore_mem>>, %arg13: memref<!tpu.dma_semaphore, #tpu.memory_space<semaphore_mem>>) attributes {dimension_semantics = [#tpu.dimension_semantics<core_parallel>, #tpu.dimension_semantics<subcore_parallel>], iteration_bounds = array<i64: 2, 16>, scalar_prefetch = 0 : i64, scratch_operands = 7 : i64, tpu.core_type = #tpu.core_type<sc_vector_subcore>, window_params = [{transform_indices = #map}, {transform_indices = #map}, {transform_indices = #map1}, {transform_indices = #map1}, {transform_indices = #map1}]} {
    %mul3A = arith.constant 16 : i32
    %mul3A_0 = arith.muli %arg0, %mul3A : i32
    %add3A = arith.addi %mul3A_0, %arg1 : i32
    %mul3A_1 = arith.constant 640 : i32
    %mul3A_2 = arith.muli %arg1, %mul3A_1 : i32
    "tpu.region"() ({
      %run_scoped3A = tpu.sem_alloc : memref<!tpu.dma_semaphore, #tpu.memory_space<semaphore_mem>>
      %dma_start3A = arith.constant 0 : i32
      %dma_start3A_9 = tpu.memref_slice %arg10[%mul3A_2, %dma_start3A] : memref<10240x64xf32, #tpu.memory_space<vmem_shared>> -> memref<640x64xf32, #tpu.memory_space<vmem_shared>>
      %dma_start3A_10 = arith.constant 0 : i32
      %dma_start3A_11 = tpu.memref_slice %arg2[%mul3A_2, %dma_start3A_10] : memref<10240x64xf32, #tpu.memory_space<hbm>> -> memref<640x64xf32, #tpu.memory_space<hbm>>
      tpu.enqueue_dma source(%dma_start3A_11 : memref<640x64xf32, #tpu.memory_space<hbm>>) target(%dma_start3A_9 : memref<640x64xf32, #tpu.memory_space<vmem_shared>>) target_semaphore(%run_scoped3A : memref<!tpu.dma_semaphore, #tpu.memory_space<semaphore_mem>>)
      %dma_wait3A = arith.constant 0 : i32
      %dma_wait3A_12 = tpu.memref_slice %arg10[%mul3A_2, %dma_wait3A] : memref<10240x64xf32, #tpu.memory_space<vmem_shared>> -> memref<640x64xf32, #tpu.memory_space<vmem_shared>>
      %dma_wait3A_13 = arith.constant 0 : i32
      %dma_wait3A_14 = tpu.memref_slice %arg2[%mul3A_2, %dma_wait3A_13] : memref<10240x64xf32, #tpu.memory_space<hbm>> -> memref<640x64xf32, #tpu.memory_space<hbm>>
      tpu.wait_dma2 semaphore(%run_scoped3A : memref<!tpu.dma_semaphore, #tpu.memory_space<semaphore_mem>>) src(%dma_wait3A_14 : memref<640x64xf32, #tpu.memory_space<hbm>>) dst(%dma_wait3A_12 : memref<640x64xf32, #tpu.memory_space<vmem_shared>>)
      tpu.yield
    }) : () -> ()
    "tpu.region"() ({
      %run_scoped3A = tpu.sem_alloc : memref<!tpu.dma_semaphore, #tpu.memory_space<semaphore_mem>>
      %dma_start3A = arith.constant 0 : i32
      %dma_start3A_9 = tpu.memref_slice %arg11[%mul3A_2, %dma_start3A] : memref<10240x64xf32, #tpu.memory_space<vmem_shared>> -> memref<640x64xf32, #tpu.memory_space<vmem_shared>>
      %dma_start3A_10 = arith.constant 0 : i32
      %dma_start3A_11 = tpu.memref_slice %arg3[%mul3A_2, %dma_start3A_10] : memref<10240x64xf32, #tpu.memory_space<hbm>> -> memref<640x64xf32, #tpu.memory_space<hbm>>
      tpu.enqueue_dma source(%dma_start3A_11 : memref<640x64xf32, #tpu.memory_space<hbm>>) target(%dma_start3A_9 : memref<640x64xf32, #tpu.memory_space<vmem_shared>>) target_semaphore(%run_scoped3A : memref<!tpu.dma_semaphore, #tpu.memory_space<semaphore_mem>>)
      %dma_wait3A = arith.constant 0 : i32
      %dma_wait3A_12 = tpu.memref_slice %arg11[%mul3A_2, %dma_wait3A] : memref<10240x64xf32, #tpu.memory_space<vmem_shared>> -> memref<640x64xf32, #tpu.memory_space<vmem_shared>>
      %dma_wait3A_13 = arith.constant 0 : i32
      %dma_wait3A_14 = tpu.memref_slice %arg3[%mul3A_2, %dma_wait3A_13] : memref<10240x64xf32, #tpu.memory_space<hbm>> -> memref<640x64xf32, #tpu.memory_space<hbm>>
      tpu.wait_dma2 semaphore(%run_scoped3A : memref<!tpu.dma_semaphore, #tpu.memory_space<semaphore_mem>>) src(%dma_wait3A_14 : memref<640x64xf32, #tpu.memory_space<hbm>>) dst(%dma_wait3A_12 : memref<640x64xf32, #tpu.memory_space<vmem_shared>>)
      tpu.yield
    }) : () -> ()
    "tpu.region"() ({
      %run_scoped3A = tpu.sem_alloc : memref<!tpu.dma_semaphore, #tpu.memory_space<semaphore_mem>>
      %dma_start3A = arith.constant 0 : i32
      %dma_start3A_9 = arith.constant 0 : i32
      %dma_start3A_10 = tpu.memref_slice %arg4[%add3A, %dma_start3A, %dma_start3A_9] : memref<32x100x104xi32, #tpu.memory_space<hbm>> -> memref<1x100x104xi32, #tpu.memory_space<hbm>>
      %dma_start3A_11 = tpu.memref_squeeze %dma_start3A_10 : memref<1x100x104xi32, #tpu.memory_space<hbm>> -> memref<100x104xi32, #tpu.memory_space<hbm>>
      %dma_start3A_12 = arith.constant 0 : i32
      %dma_start3A_13 = arith.constant 0 : i32
      %dma_start3A_14 = tpu.memref_slice %arg4[%add3A, %dma_start3A_12, %dma_start3A_13] : memref<32x100x104xi32, #tpu.memory_space<hbm>> -> memref<1x100x104xi32, #tpu.memory_space<hbm>>
      %dma_start3A_15 = tpu.memref_squeeze %dma_start3A_14 : memref<1x100x104xi32, #tpu.memory_space<hbm>> -> memref<100x104xi32, #tpu.memory_space<hbm>>
      tpu.enqueue_dma source(%dma_start3A_15 : memref<100x104xi32, #tpu.memory_space<hbm>>) target(%arg7 : memref<100x104xi32, #tpu.memory_space<vmem>>) target_semaphore(%run_scoped3A : memref<!tpu.dma_semaphore, #tpu.memory_space<semaphore_mem>>)
      %dma_wait3A = arith.constant 0 : i32
      %dma_wait3A_16 = arith.constant 0 : i32
      %dma_wait3A_17 = tpu.memref_slice %arg4[%add3A, %dma_wait3A, %dma_wait3A_16] : memref<32x100x104xi32, #tpu.memory_space<hbm>> -> memref<1x100x104xi32, #tpu.memory_space<hbm>>
      %dma_wait3A_18 = tpu.memref_squeeze %dma_wait3A_17 : memref<1x100x104xi32, #tpu.memory_space<hbm>> -> memref<100x104xi32, #tpu.memory_space<hbm>>
      %dma_wait3A_19 = arith.constant 0 : i32
      %dma_wait3A_20 = arith.constant 0 : i32
      %dma_wait3A_21 = tpu.memref_slice %arg4[%add3A, %dma_wait3A_19, %dma_wait3A_20] : memref<32x100x104xi32, #tpu.memory_space<hbm>> -> memref<1x100x104xi32, #tpu.memory_space<hbm>>
      %dma_wait3A_22 = tpu.memref_squeeze %dma_wait3A_21 : memref<1x100x104xi32, #tpu.memory_space<hbm>> -> memref<100x104xi32, #tpu.memory_space<hbm>>
      tpu.wait_dma2 semaphore(%run_scoped3A : memref<!tpu.dma_semaphore, #tpu.memory_space<semaphore_mem>>) src(%dma_wait3A_22 : memref<100x104xi32, #tpu.memory_space<hbm>>) dst(%arg7 : memref<100x104xi32, #tpu.memory_space<vmem>>)
      tpu.yield
    }) : () -> ()
    "tpu.region"() ({
      %run_scoped3A = tpu.sem_alloc : memref<!tpu.dma_semaphore, #tpu.memory_space<semaphore_mem>>
      %dma_start3A = arith.constant 0 : i32
      %dma_start3A_9 = arith.constant 0 : i32
      %dma_start3A_10 = tpu.memref_slice %arg5[%add3A, %dma_start3A, %dma_start3A_9] : memref<32x100x104xi32, #tpu.memory_space<hbm>> -> memref<1x100x104xi32, #tpu.memory_space<hbm>>
      %dma_start3A_11 = tpu.memref_squeeze %dma_start3A_10 : memref<1x100x104xi32, #tpu.memory_space<hbm>> -> memref<100x104xi32, #tpu.memory_space<hbm>>
      %dma_start3A_12 = arith.constant 0 : i32
      %dma_start3A_13 = arith.constant 0 : i32
      %dma_start3A_14 = tpu.memref_slice %arg5[%add3A, %dma_start3A_12, %dma_start3A_13] : memref<32x100x104xi32, #tpu.memory_space<hbm>> -> memref<1x100x104xi32, #tpu.memory_space<hbm>>
      %dma_start3A_15 = tpu.memref_squeeze %dma_start3A_14 : memref<1x100x104xi32, #tpu.memory_space<hbm>> -> memref<100x104xi32, #tpu.memory_space<hbm>>
      tpu.enqueue_dma source(%dma_start3A_15 : memref<100x104xi32, #tpu.memory_space<hbm>>) target(%arg8 : memref<100x104xi32, #tpu.memory_space<vmem>>) target_semaphore(%run_scoped3A : memref<!tpu.dma_semaphore, #tpu.memory_space<semaphore_mem>>)
      %dma_wait3A = arith.constant 0 : i32
      %dma_wait3A_16 = arith.constant 0 : i32
      %dma_wait3A_17 = tpu.memref_slice %arg5[%add3A, %dma_wait3A, %dma_wait3A_16] : memref<32x100x104xi32, #tpu.memory_space<hbm>> -> memref<1x100x104xi32, #tpu.memory_space<hbm>>
      %dma_wait3A_18 = tpu.memref_squeeze %dma_wait3A_17 : memref<1x100x104xi32, #tpu.memory_space<hbm>> -> memref<100x104xi32, #tpu.memory_space<hbm>>
      %dma_wait3A_19 = arith.constant 0 : i32
      %dma_wait3A_20 = arith.constant 0 : i32
      %dma_wait3A_21 = tpu.memref_slice %arg5[%add3A, %dma_wait3A_19, %dma_wait3A_20] : memref<32x100x104xi32, #tpu.memory_space<hbm>> -> memref<1x100x104xi32, #tpu.memory_space<hbm>>
      %dma_wait3A_22 = tpu.memref_squeeze %dma_wait3A_21 : memref<1x100x104xi32, #tpu.memory_space<hbm>> -> memref<100x104xi32, #tpu.memory_space<hbm>>
      tpu.wait_dma2 semaphore(%run_scoped3A : memref<!tpu.dma_semaphore, #tpu.memory_space<semaphore_mem>>) src(%dma_wait3A_22 : memref<100x104xi32, #tpu.memory_space<hbm>>) dst(%arg8 : memref<100x104xi32, #tpu.memory_space<vmem>>)
      tpu.yield
    }) : () -> ()
    %barrier3A = arith.constant 0 : index
    tpu.barrier barrier_id(%barrier3A)
    %scan3A = arith.constant 0 : i32
    %scan3A_3 = arith.constant 0 : i32
    %scan3A_4 = arith.constant 25 : i32
    %scan3A_5 = arith.addi %scan3A_3, %scan3A_4 : i32
    %scan3A_6 = arith.constant 1 : i32
    scf.for %scan3A_9 = %scan3A_3 to %scan3A_5 step %scan3A_6  : i32 {
      %mul3A_10 = arith.constant 4 : i32
      %mul3A_11 = arith.muli %scan3A_9, %mul3A_10 : i32
      %add3A_12 = arith.constant 0 : i32
      %add3A_13 = arith.addi %mul3A_11, %add3A_12 : i32
      %dma_start3A = arith.constant 0 : i32
      %dma_start3A_14 = arith.constant 0 : i32
      %dma_start3A_15 = arith.constant 0 : i32
      %dma_start3A_16 = tpu.memref_slice %arg9[%dma_start3A, %dma_start3A_14, %dma_start3A_15] : memref<4x104x64xf32, #tpu.memory_space<vmem>> -> memref<1x104x64xf32, #tpu.memory_space<vmem>>
      %dma_start3A_17 = tpu.memref_squeeze %dma_start3A_16 : memref<1x104x64xf32, #tpu.memory_space<vmem>> -> memref<104x64xf32, #tpu.memory_space<vmem>>
      %dma_start3A_18 = arith.constant 0 : i32
      %dma_start3A_19 = tpu.memref_slice %arg7[%add3A_13, %dma_start3A_18] : memref<100x104xi32, #tpu.memory_space<vmem>> -> memref<1x104xi32, #tpu.memory_space<vmem>>
      %dma_start3A_20 = tpu.memref_squeeze %dma_start3A_19 : memref<1x104xi32, #tpu.memory_space<vmem>> -> memref<104xi32, #tpu.memory_space<vmem>>
      %dma_start3A_21 = arith.constant 0 : i32
      %dma_start3A_22 = arith.constant 0 : i32
      %dma_start3A_23 = tpu.memref_slice %arg10[%dma_start3A_21, %dma_start3A_22] : memref<10240x64xf32, #tpu.memory_space<vmem_shared>> -> memref<10240x64xf32, #tpu.memory_space<vmem_shared>>
      tpu.enqueue_indirect_dma source(%dma_start3A_23 : memref<10240x64xf32, #tpu.memory_space<vmem_shared>>) target(%dma_start3A_17 : memref<104x64xf32, #tpu.memory_space<vmem>>) offsets(%dma_start3A_20 : memref<104xi32, #tpu.memory_space<vmem>>) semaphore(%arg12 : memref<!tpu.dma_semaphore, #tpu.memory_space<semaphore_mem>>)
      %add3A_24 = arith.constant 1 : i32
      %add3A_25 = arith.addi %mul3A_11, %add3A_24 : i32
      %dma_start3A_26 = arith.constant 1 : i32
      %dma_start3A_27 = arith.constant 0 : i32
      %dma_start3A_28 = arith.constant 0 : i32
      %dma_start3A_29 = tpu.memref_slice %arg9[%dma_start3A_26, %dma_start3A_27, %dma_start3A_28] : memref<4x104x64xf32, #tpu.memory_space<vmem>> -> memref<1x104x64xf32, #tpu.memory_space<vmem>>
      %dma_start3A_30 = tpu.memref_squeeze %dma_start3A_29 : memref<1x104x64xf32, #tpu.memory_space<vmem>> -> memref<104x64xf32, #tpu.memory_space<vmem>>
      %dma_start3A_31 = arith.constant 0 : i32
      %dma_start3A_32 = tpu.memref_slice %arg7[%add3A_25, %dma_start3A_31] : memref<100x104xi32, #tpu.memory_space<vmem>> -> memref<1x104xi32, #tpu.memory_space<vmem>>
      %dma_start3A_33 = tpu.memref_squeeze %dma_start3A_32 : memref<1x104xi32, #tpu.memory_space<vmem>> -> memref<104xi32, #tpu.memory_space<vmem>>
      %dma_start3A_34 = arith.constant 0 : i32
      %dma_start3A_35 = arith.constant 0 : i32
      %dma_start3A_36 = tpu.memref_slice %arg10[%dma_start3A_34, %dma_start3A_35] : memref<10240x64xf32, #tpu.memory_space<vmem_shared>> -> memref<10240x64xf32, #tpu.memory_space<vmem_shared>>
      tpu.enqueue_indirect_dma source(%dma_start3A_36 : memref<10240x64xf32, #tpu.memory_space<vmem_shared>>) target(%dma_start3A_30 : memref<104x64xf32, #tpu.memory_space<vmem>>) offsets(%dma_start3A_33 : memref<104xi32, #tpu.memory_space<vmem>>) semaphore(%arg12 : memref<!tpu.dma_semaphore, #tpu.memory_space<semaphore_mem>>)
      %add3A_37 = arith.constant 2 : i32
      %add3A_38 = arith.addi %mul3A_11, %add3A_37 : i32
      %dma_start3A_39 = arith.constant 2 : i32
      %dma_start3A_40 = arith.constant 0 : i32
      %dma_start3A_41 = arith.constant 0 : i32
      %dma_start3A_42 = tpu.memref_slice %arg9[%dma_start3A_39, %dma_start3A_40, %dma_start3A_41] : memref<4x104x64xf32, #tpu.memory_space<vmem>> -> memref<1x104x64xf32, #tpu.memory_space<vmem>>
      %dma_start3A_43 = tpu.memref_squeeze %dma_start3A_42 : memref<1x104x64xf32, #tpu.memory_space<vmem>> -> memref<104x64xf32, #tpu.memory_space<vmem>>
      %dma_start3A_44 = arith.constant 0 : i32
      %dma_start3A_45 = tpu.memref_slice %arg7[%add3A_38, %dma_start3A_44] : memref<100x104xi32, #tpu.memory_space<vmem>> -> memref<1x104xi32, #tpu.memory_space<vmem>>
      %dma_start3A_46 = tpu.memref_squeeze %dma_start3A_45 : memref<1x104xi32, #tpu.memory_space<vmem>> -> memref<104xi32, #tpu.memory_space<vmem>>
      %dma_start3A_47 = arith.constant 0 : i32
      %dma_start3A_48 = arith.constant 0 : i32
      %dma_start3A_49 = tpu.memref_slice %arg10[%dma_start3A_47, %dma_start3A_48] : memref<10240x64xf32, #tpu.memory_space<vmem_shared>> -> memref<10240x64xf32, #tpu.memory_space<vmem_shared>>
      tpu.enqueue_indirect_dma source(%dma_start3A_49 : memref<10240x64xf32, #tpu.memory_space<vmem_shared>>) target(%dma_start3A_43 : memref<104x64xf32, #tpu.memory_space<vmem>>) offsets(%dma_start3A_46 : memref<104xi32, #tpu.memory_space<vmem>>) semaphore(%arg12 : memref<!tpu.dma_semaphore, #tpu.memory_space<semaphore_mem>>)
      %add3A_50 = arith.constant 3 : i32
      %add3A_51 = arith.addi %mul3A_11, %add3A_50 : i32
      %dma_start3A_52 = arith.constant 3 : i32
      %dma_start3A_53 = arith.constant 0 : i32
      %dma_start3A_54 = arith.constant 0 : i32
      %dma_start3A_55 = tpu.memref_slice %arg9[%dma_start3A_52, %dma_start3A_53, %dma_start3A_54] : memref<4x104x64xf32, #tpu.memory_space<vmem>> -> memref<1x104x64xf32, #tpu.memory_space<vmem>>
      %dma_start3A_56 = tpu.memref_squeeze %dma_start3A_55 : memref<1x104x64xf32, #tpu.memory_space<vmem>> -> memref<104x64xf32, #tpu.memory_space<vmem>>
      %dma_start3A_57 = arith.constant 0 : i32
      %dma_start3A_58 = tpu.memref_slice %arg7[%add3A_51, %dma_start3A_57] : memref<100x104xi32, #tpu.memory_space<vmem>> -> memref<1x104xi32, #tpu.memory_space<vmem>>
      %dma_start3A_59 = tpu.memref_squeeze %dma_start3A_58 : memref<1x104xi32, #tpu.memory_space<vmem>> -> memref<104xi32, #tpu.memory_space<vmem>>
      %dma_start3A_60 = arith.constant 0 : i32
      %dma_start3A_61 = arith.constant 0 : i32
      %dma_start3A_62 = tpu.memref_slice %arg10[%dma_start3A_60, %dma_start3A_61] : memref<10240x64xf32, #tpu.memory_space<vmem_shared>> -> memref<10240x64xf32, #tpu.memory_space<vmem_shared>>
      tpu.enqueue_indirect_dma source(%dma_start3A_62 : memref<10240x64xf32, #tpu.memory_space<vmem_shared>>) target(%dma_start3A_56 : memref<104x64xf32, #tpu.memory_space<vmem>>) offsets(%dma_start3A_59 : memref<104xi32, #tpu.memory_space<vmem>>) semaphore(%arg12 : memref<!tpu.dma_semaphore, #tpu.memory_space<semaphore_mem>>)
      %dma_wait3A = arith.constant 0 : i32
      %dma_wait3A_63 = arith.constant 0 : i32
      %dma_wait3A_64 = arith.constant 0 : i32
      %dma_wait3A_65 = tpu.memref_slice %arg9[%dma_wait3A, %dma_wait3A_63, %dma_wait3A_64] : memref<4x104x64xf32, #tpu.memory_space<vmem>> -> memref<1x104x64xf32, #tpu.memory_space<vmem>>
      %dma_wait3A_66 = tpu.memref_squeeze %dma_wait3A_65 : memref<1x104x64xf32, #tpu.memory_space<vmem>> -> memref<104x64xf32, #tpu.memory_space<vmem>>
      %dma_wait3A_67 = arith.constant 0 : i32
      %dma_wait3A_68 = tpu.memref_slice %arg7[%add3A_13, %dma_wait3A_67] : memref<100x104xi32, #tpu.memory_space<vmem>> -> memref<1x104xi32, #tpu.memory_space<vmem>>
      %dma_wait3A_69 = tpu.memref_squeeze %dma_wait3A_68 : memref<1x104xi32, #tpu.memory_space<vmem>> -> memref<104xi32, #tpu.memory_space<vmem>>
      %dma_wait3A_70 = arith.constant 0 : i32
      %dma_wait3A_71 = arith.constant 0 : i32
      %dma_wait3A_72 = tpu.memref_slice %arg10[%dma_wait3A_70, %dma_wait3A_71] : memref<10240x64xf32, #tpu.memory_space<vmem_shared>> -> memref<10240x64xf32, #tpu.memory_space<vmem_shared>>
      tpu.wait_indirect_dma semaphore(%arg12 : memref<!tpu.dma_semaphore, #tpu.memory_space<semaphore_mem>>) src(%dma_wait3A_72 : memref<10240x64xf32, #tpu.memory_space<vmem_shared>>) dst(%dma_wait3A_66 : memref<104x64xf32, #tpu.memory_space<vmem>>)
      %add3A_73 = arith.constant 0 : i32
      %add3A_74 = arith.addi %mul3A_11, %add3A_73 : i32
      %dma_start3A_75 = arith.constant 0 : i32
      %dma_start3A_76 = arith.constant 0 : i32
      %dma_start3A_77 = arith.constant 0 : i32
      %dma_start3A_78 = tpu.memref_slice %arg9[%dma_start3A_75, %dma_start3A_76, %dma_start3A_77] : memref<4x104x64xf32, #tpu.memory_space<vmem>> -> memref<1x104x64xf32, #tpu.memory_space<vmem>>
      %dma_start3A_79 = tpu.memref_squeeze %dma_start3A_78 : memref<1x104x64xf32, #tpu.memory_space<vmem>> -> memref<104x64xf32, #tpu.memory_space<vmem>>
      %dma_start3A_80 = arith.constant 0 : i32
      %dma_start3A_81 = tpu.memref_slice %arg8[%add3A_74, %dma_start3A_80] : memref<100x104xi32, #tpu.memory_space<vmem>> -> memref<1x104xi32, #tpu.memory_space<vmem>>
      %dma_start3A_82 = tpu.memref_squeeze %dma_start3A_81 : memref<1x104xi32, #tpu.memory_space<vmem>> -> memref<104xi32, #tpu.memory_space<vmem>>
      %dma_start3A_83 = arith.constant 0 : i32
      %dma_start3A_84 = arith.constant 0 : i32
      %dma_start3A_85 = tpu.memref_slice %arg11[%dma_start3A_83, %dma_start3A_84] : memref<10240x64xf32, #tpu.memory_space<vmem_shared>> -> memref<10240x64xf32, #tpu.memory_space<vmem_shared>>
      tpu.enqueue_indirect_dma source(%dma_start3A_79 : memref<104x64xf32, #tpu.memory_space<vmem>>) target(%dma_start3A_85 : memref<10240x64xf32, #tpu.memory_space<vmem_shared>>) offsets(%dma_start3A_82 : memref<104xi32, #tpu.memory_space<vmem>>) semaphore(%arg13 : memref<!tpu.dma_semaphore, #tpu.memory_space<semaphore_mem>>) {add = true}
      %dma_wait3A_86 = arith.constant 1 : i32
      %dma_wait3A_87 = arith.constant 0 : i32
      %dma_wait3A_88 = arith.constant 0 : i32
      %dma_wait3A_89 = tpu.memref_slice %arg9[%dma_wait3A_86, %dma_wait3A_87, %dma_wait3A_88] : memref<4x104x64xf32, #tpu.memory_space<vmem>> -> memref<1x104x64xf32, #tpu.memory_space<vmem>>
      %dma_wait3A_90 = tpu.memref_squeeze %dma_wait3A_89 : memref<1x104x64xf32, #tpu.memory_space<vmem>> -> memref<104x64xf32, #tpu.memory_space<vmem>>
      %dma_wait3A_91 = arith.constant 0 : i32
      %dma_wait3A_92 = tpu.memref_slice %arg7[%add3A_25, %dma_wait3A_91] : memref<100x104xi32, #tpu.memory_space<vmem>> -> memref<1x104xi32, #tpu.memory_space<vmem>>
      %dma_wait3A_93 = tpu.memref_squeeze %dma_wait3A_92 : memref<1x104xi32, #tpu.memory_space<vmem>> -> memref<104xi32, #tpu.memory_space<vmem>>
      %dma_wait3A_94 = arith.constant 0 : i32
      %dma_wait3A_95 = arith.constant 0 : i32
      %dma_wait3A_96 = tpu.memref_slice %arg10[%dma_wait3A_94, %dma_wait3A_95] : memref<10240x64xf32, #tpu.memory_space<vmem_shared>> -> memref<10240x64xf32, #tpu.memory_space<vmem_shared>>
      tpu.wait_indirect_dma semaphore(%arg12 : memref<!tpu.dma_semaphore, #tpu.memory_space<semaphore_mem>>) src(%dma_wait3A_96 : memref<10240x64xf32, #tpu.memory_space<vmem_shared>>) dst(%dma_wait3A_90 : memref<104x64xf32, #tpu.memory_space<vmem>>)
      %add3A_97 = arith.constant 1 : i32
      %add3A_98 = arith.addi %mul3A_11, %add3A_97 : i32
      %dma_start3A_99 = arith.constant 1 : i32
      %dma_start3A_100 = arith.constant 0 : i32
      %dma_start3A_101 = arith.constant 0 : i32
      %dma_start3A_102 = tpu.memref_slice %arg9[%dma_start3A_99, %dma_start3A_100, %dma_start3A_101] : memref<4x104x64xf32, #tpu.memory_space<vmem>> -> memref<1x104x64xf32, #tpu.memory_space<vmem>>
      %dma_start3A_103 = tpu.memref_squeeze %dma_start3A_102 : memref<1x104x64xf32, #tpu.memory_space<vmem>> -> memref<104x64xf32, #tpu.memory_space<vmem>>
      %dma_start3A_104 = arith.constant 0 : i32
      %dma_start3A_105 = tpu.memref_slice %arg8[%add3A_98, %dma_start3A_104] : memref<100x104xi32, #tpu.memory_space<vmem>> -> memref<1x104xi32, #tpu.memory_space<vmem>>
      %dma_start3A_106 = tpu.memref_squeeze %dma_start3A_105 : memref<1x104xi32, #tpu.memory_space<vmem>> -> memref<104xi32, #tpu.memory_space<vmem>>
      %dma_start3A_107 = arith.constant 0 : i32
      %dma_start3A_108 = arith.constant 0 : i32
      %dma_start3A_109 = tpu.memref_slice %arg11[%dma_start3A_107, %dma_start3A_108] : memref<10240x64xf32, #tpu.memory_space<vmem_shared>> -> memref<10240x64xf32, #tpu.memory_space<vmem_shared>>
      tpu.enqueue_indirect_dma source(%dma_start3A_103 : memref<104x64xf32, #tpu.memory_space<vmem>>) target(%dma_start3A_109 : memref<10240x64xf32, #tpu.memory_space<vmem_shared>>) offsets(%dma_start3A_106 : memref<104xi32, #tpu.memory_space<vmem>>) semaphore(%arg13 : memref<!tpu.dma_semaphore, #tpu.memory_space<semaphore_mem>>) {add = true}
      %dma_wait3A_110 = arith.constant 2 : i32
      %dma_wait3A_111 = arith.constant 0 : i32
      %dma_wait3A_112 = arith.constant 0 : i32
      %dma_wait3A_113 = tpu.memref_slice %arg9[%dma_wait3A_110, %dma_wait3A_111, %dma_wait3A_112] : memref<4x104x64xf32, #tpu.memory_space<vmem>> -> memref<1x104x64xf32, #tpu.memory_space<vmem>>
      %dma_wait3A_114 = tpu.memref_squeeze %dma_wait3A_113 : memref<1x104x64xf32, #tpu.memory_space<vmem>> -> memref<104x64xf32, #tpu.memory_space<vmem>>
      %dma_wait3A_115 = arith.constant 0 : i32
      %dma_wait3A_116 = tpu.memref_slice %arg7[%add3A_38, %dma_wait3A_115] : memref<100x104xi32, #tpu.memory_space<vmem>> -> memref<1x104xi32, #tpu.memory_space<vmem>>
      %dma_wait3A_117 = tpu.memref_squeeze %dma_wait3A_116 : memref<1x104xi32, #tpu.memory_space<vmem>> -> memref<104xi32, #tpu.memory_space<vmem>>
      %dma_wait3A_118 = arith.constant 0 : i32
      %dma_wait3A_119 = arith.constant 0 : i32
      %dma_wait3A_120 = tpu.memref_slice %arg10[%dma_wait3A_118, %dma_wait3A_119] : memref<10240x64xf32, #tpu.memory_space<vmem_shared>> -> memref<10240x64xf32, #tpu.memory_space<vmem_shared>>
      tpu.wait_indirect_dma semaphore(%arg12 : memref<!tpu.dma_semaphore, #tpu.memory_space<semaphore_mem>>) src(%dma_wait3A_120 : memref<10240x64xf32, #tpu.memory_space<vmem_shared>>) dst(%dma_wait3A_114 : memref<104x64xf32, #tpu.memory_space<vmem>>)
      %add3A_121 = arith.constant 2 : i32
      %add3A_122 = arith.addi %mul3A_11, %add3A_121 : i32
      %dma_start3A_123 = arith.constant 2 : i32
      %dma_start3A_124 = arith.constant 0 : i32
      %dma_start3A_125 = arith.constant 0 : i32
      %dma_start3A_126 = tpu.memref_slice %arg9[%dma_start3A_123, %dma_start3A_124, %dma_start3A_125] : memref<4x104x64xf32, #tpu.memory_space<vmem>> -> memref<1x104x64xf32, #tpu.memory_space<vmem>>
      %dma_start3A_127 = tpu.memref_squeeze %dma_start3A_126 : memref<1x104x64xf32, #tpu.memory_space<vmem>> -> memref<104x64xf32, #tpu.memory_space<vmem>>
      %dma_start3A_128 = arith.constant 0 : i32
      %dma_start3A_129 = tpu.memref_slice %arg8[%add3A_122, %dma_start3A_128] : memref<100x104xi32, #tpu.memory_space<vmem>> -> memref<1x104xi32, #tpu.memory_space<vmem>>
      %dma_start3A_130 = tpu.memref_squeeze %dma_start3A_129 : memref<1x104xi32, #tpu.memory_space<vmem>> -> memref<104xi32, #tpu.memory_space<vmem>>
      %dma_start3A_131 = arith.constant 0 : i32
      %dma_start3A_132 = arith.constant 0 : i32
      %dma_start3A_133 = tpu.memref_slice %arg11[%dma_start3A_131, %dma_start3A_132] : memref<10240x64xf32, #tpu.memory_space<vmem_shared>> -> memref<10240x64xf32, #tpu.memory_space<vmem_shared>>
      tpu.enqueue_indirect_dma source(%dma_start3A_127 : memref<104x64xf32, #tpu.memory_space<vmem>>) target(%dma_start3A_133 : memref<10240x64xf32, #tpu.memory_space<vmem_shared>>) offsets(%dma_start3A_130 : memref<104xi32, #tpu.memory_space<vmem>>) semaphore(%arg13 : memref<!tpu.dma_semaphore, #tpu.memory_space<semaphore_mem>>) {add = true}
      %dma_wait3A_134 = arith.constant 3 : i32
      %dma_wait3A_135 = arith.constant 0 : i32
      %dma_wait3A_136 = arith.constant 0 : i32
      %dma_wait3A_137 = tpu.memref_slice %arg9[%dma_wait3A_134, %dma_wait3A_135, %dma_wait3A_136] : memref<4x104x64xf32, #tpu.memory_space<vmem>> -> memref<1x104x64xf32, #tpu.memory_space<vmem>>
      %dma_wait3A_138 = tpu.memref_squeeze %dma_wait3A_137 : memref<1x104x64xf32, #tpu.memory_space<vmem>> -> memref<104x64xf32, #tpu.memory_space<vmem>>
      %dma_wait3A_139 = arith.constant 0 : i32
      %dma_wait3A_140 = tpu.memref_slice %arg7[%add3A_51, %dma_wait3A_139] : memref<100x104xi32, #tpu.memory_space<vmem>> -> memref<1x104xi32, #tpu.memory_space<vmem>>
      %dma_wait3A_141 = tpu.memref_squeeze %dma_wait3A_140 : memref<1x104xi32, #tpu.memory_space<vmem>> -> memref<104xi32, #tpu.memory_space<vmem>>
      %dma_wait3A_142 = arith.constant 0 : i32
      %dma_wait3A_143 = arith.constant 0 : i32
      %dma_wait3A_144 = tpu.memref_slice %arg10[%dma_wait3A_142, %dma_wait3A_143] : memref<10240x64xf32, #tpu.memory_space<vmem_shared>> -> memref<10240x64xf32, #tpu.memory_space<vmem_shared>>
      tpu.wait_indirect_dma semaphore(%arg12 : memref<!tpu.dma_semaphore, #tpu.memory_space<semaphore_mem>>) src(%dma_wait3A_144 : memref<10240x64xf32, #tpu.memory_space<vmem_shared>>) dst(%dma_wait3A_138 : memref<104x64xf32, #tpu.memory_space<vmem>>)
      %add3A_145 = arith.constant 3 : i32
      %add3A_146 = arith.addi %mul3A_11, %add3A_145 : i32
      %dma_start3A_147 = arith.constant 3 : i32
      %dma_start3A_148 = arith.constant 0 : i32
      %dma_start3A_149 = arith.constant 0 : i32
      %dma_start3A_150 = tpu.memref_slice %arg9[%dma_start3A_147, %dma_start3A_148, %dma_start3A_149] : memref<4x104x64xf32, #tpu.memory_space<vmem>> -> memref<1x104x64xf32, #tpu.memory_space<vmem>>
      %dma_start3A_151 = tpu.memref_squeeze %dma_start3A_150 : memref<1x104x64xf32, #tpu.memory_space<vmem>> -> memref<104x64xf32, #tpu.memory_space<vmem>>
      %dma_start3A_152 = arith.constant 0 : i32
      %dma_start3A_153 = tpu.memref_slice %arg8[%add3A_146, %dma_start3A_152] : memref<100x104xi32, #tpu.memory_space<vmem>> -> memref<1x104xi32, #tpu.memory_space<vmem>>
      %dma_start3A_154 = tpu.memref_squeeze %dma_start3A_153 : memref<1x104xi32, #tpu.memory_space<vmem>> -> memref<104xi32, #tpu.memory_space<vmem>>
      %dma_start3A_155 = arith.constant 0 : i32
      %dma_start3A_156 = arith.constant 0 : i32
      %dma_start3A_157 = tpu.memref_slice %arg11[%dma_start3A_155, %dma_start3A_156] : memref<10240x64xf32, #tpu.memory_space<vmem_shared>> -> memref<10240x64xf32, #tpu.memory_space<vmem_shared>>
      tpu.enqueue_indirect_dma source(%dma_start3A_151 : memref<104x64xf32, #tpu.memory_space<vmem>>) target(%dma_start3A_157 : memref<10240x64xf32, #tpu.memory_space<vmem_shared>>) offsets(%dma_start3A_154 : memref<104xi32, #tpu.memory_space<vmem>>) semaphore(%arg13 : memref<!tpu.dma_semaphore, #tpu.memory_space<semaphore_mem>>) {add = true}
      %dma_wait3A_158 = arith.constant 0 : i32
      %dma_wait3A_159 = arith.constant 0 : i32
      %dma_wait3A_160 = arith.constant 0 : i32
      %dma_wait3A_161 = tpu.memref_slice %arg9[%dma_wait3A_158, %dma_wait3A_159, %dma_wait3A_160] : memref<4x104x64xf32, #tpu.memory_space<vmem>> -> memref<1x104x64xf32, #tpu.memory_space<vmem>>
      %dma_wait3A_162 = tpu.memref_squeeze %dma_wait3A_161 : memref<1x104x64xf32, #tpu.memory_space<vmem>> -> memref<104x64xf32, #tpu.memory_space<vmem>>
      %dma_wait3A_163 = arith.constant 0 : i32
      %dma_wait3A_164 = tpu.memref_slice %arg8[%add3A_74, %dma_wait3A_163] : memref<100x104xi32, #tpu.memory_space<vmem>> -> memref<1x104xi32, #tpu.memory_space<vmem>>
      %dma_wait3A_165 = tpu.memref_squeeze %dma_wait3A_164 : memref<1x104xi32, #tpu.memory_space<vmem>> -> memref<104xi32, #tpu.memory_space<vmem>>
      %dma_wait3A_166 = arith.constant 0 : i32
      %dma_wait3A_167 = arith.constant 0 : i32
      %dma_wait3A_168 = tpu.memref_slice %arg11[%dma_wait3A_166, %dma_wait3A_167] : memref<10240x64xf32, #tpu.memory_space<vmem_shared>> -> memref<10240x64xf32, #tpu.memory_space<vmem_shared>>
      tpu.wait_indirect_dma semaphore(%arg13 : memref<!tpu.dma_semaphore, #tpu.memory_space<semaphore_mem>>) src(%dma_wait3A_162 : memref<104x64xf32, #tpu.memory_space<vmem>>) dst(%dma_wait3A_168 : memref<10240x64xf32, #tpu.memory_space<vmem_shared>>)
      %dma_wait3A_169 = arith.constant 1 : i32
      %dma_wait3A_170 = arith.constant 0 : i32
      %dma_wait3A_171 = arith.constant 0 : i32
      %dma_wait3A_172 = tpu.memref_slice %arg9[%dma_wait3A_169, %dma_wait3A_170, %dma_wait3A_171] : memref<4x104x64xf32, #tpu.memory_space<vmem>> -> memref<1x104x64xf32, #tpu.memory_space<vmem>>
      %dma_wait3A_173 = tpu.memref_squeeze %dma_wait3A_172 : memref<1x104x64xf32, #tpu.memory_space<vmem>> -> memref<104x64xf32, #tpu.memory_space<vmem>>
      %dma_wait3A_174 = arith.constant 0 : i32
      %dma_wait3A_175 = tpu.memref_slice %arg8[%add3A_98, %dma_wait3A_174] : memref<100x104xi32, #tpu.memory_space<vmem>> -> memref<1x104xi32, #tpu.memory_space<vmem>>
      %dma_wait3A_176 = tpu.memref_squeeze %dma_wait3A_175 : memref<1x104xi32, #tpu.memory_space<vmem>> -> memref<104xi32, #tpu.memory_space<vmem>>
      %dma_wait3A_177 = arith.constant 0 : i32
      %dma_wait3A_178 = arith.constant 0 : i32
      %dma_wait3A_179 = tpu.memref_slice %arg11[%dma_wait3A_177, %dma_wait3A_178] : memref<10240x64xf32, #tpu.memory_space<vmem_shared>> -> memref<10240x64xf32, #tpu.memory_space<vmem_shared>>
      tpu.wait_indirect_dma semaphore(%arg13 : memref<!tpu.dma_semaphore, #tpu.memory_space<semaphore_mem>>) src(%dma_wait3A_173 : memref<104x64xf32, #tpu.memory_space<vmem>>) dst(%dma_wait3A_179 : memref<10240x64xf32, #tpu.memory_space<vmem_shared>>)
      %dma_wait3A_180 = arith.constant 2 : i32
      %dma_wait3A_181 = arith.constant 0 : i32
      %dma_wait3A_182 = arith.constant 0 : i32
      %dma_wait3A_183 = tpu.memref_slice %arg9[%dma_wait3A_180, %dma_wait3A_181, %dma_wait3A_182] : memref<4x104x64xf32, #tpu.memory_space<vmem>> -> memref<1x104x64xf32, #tpu.memory_space<vmem>>
      %dma_wait3A_184 = tpu.memref_squeeze %dma_wait3A_183 : memref<1x104x64xf32, #tpu.memory_space<vmem>> -> memref<104x64xf32, #tpu.memory_space<vmem>>
      %dma_wait3A_185 = arith.constant 0 : i32
      %dma_wait3A_186 = tpu.memref_slice %arg8[%add3A_122, %dma_wait3A_185] : memref<100x104xi32, #tpu.memory_space<vmem>> -> memref<1x104xi32, #tpu.memory_space<vmem>>
      %dma_wait3A_187 = tpu.memref_squeeze %dma_wait3A_186 : memref<1x104xi32, #tpu.memory_space<vmem>> -> memref<104xi32, #tpu.memory_space<vmem>>
      %dma_wait3A_188 = arith.constant 0 : i32
      %dma_wait3A_189 = arith.constant 0 : i32
      %dma_wait3A_190 = tpu.memref_slice %arg11[%dma_wait3A_188, %dma_wait3A_189] : memref<10240x64xf32, #tpu.memory_space<vmem_shared>> -> memref<10240x64xf32, #tpu.memory_space<vmem_shared>>
      tpu.wait_indirect_dma semaphore(%arg13 : memref<!tpu.dma_semaphore, #tpu.memory_space<semaphore_mem>>) src(%dma_wait3A_184 : memref<104x64xf32, #tpu.memory_space<vmem>>) dst(%dma_wait3A_190 : memref<10240x64xf32, #tpu.memory_space<vmem_shared>>)
      %dma_wait3A_191 = arith.constant 3 : i32
      %dma_wait3A_192 = arith.constant 0 : i32
      %dma_wait3A_193 = arith.constant 0 : i32
      %dma_wait3A_194 = tpu.memref_slice %arg9[%dma_wait3A_191, %dma_wait3A_192, %dma_wait3A_193] : memref<4x104x64xf32, #tpu.memory_space<vmem>> -> memref<1x104x64xf32, #tpu.memory_space<vmem>>
      %dma_wait3A_195 = tpu.memref_squeeze %dma_wait3A_194 : memref<1x104x64xf32, #tpu.memory_space<vmem>> -> memref<104x64xf32, #tpu.memory_space<vmem>>
      %dma_wait3A_196 = arith.constant 0 : i32
      %dma_wait3A_197 = tpu.memref_slice %arg8[%add3A_146, %dma_wait3A_196] : memref<100x104xi32, #tpu.memory_space<vmem>> -> memref<1x104xi32, #tpu.memory_space<vmem>>
      %dma_wait3A_198 = tpu.memref_squeeze %dma_wait3A_197 : memref<1x104xi32, #tpu.memory_space<vmem>> -> memref<104xi32, #tpu.memory_space<vmem>>
      %dma_wait3A_199 = arith.constant 0 : i32
      %dma_wait3A_200 = arith.constant 0 : i32
      %dma_wait3A_201 = tpu.memref_slice %arg11[%dma_wait3A_199, %dma_wait3A_200] : memref<10240x64xf32, #tpu.memory_space<vmem_shared>> -> memref<10240x64xf32, #tpu.memory_space<vmem_shared>>
      tpu.wait_indirect_dma semaphore(%arg13 : memref<!tpu.dma_semaphore, #tpu.memory_space<semaphore_mem>>) src(%dma_wait3A_195 : memref<104x64xf32, #tpu.memory_space<vmem>>) dst(%dma_wait3A_201 : memref<10240x64xf32, #tpu.memory_space<vmem_shared>>)
    }
    %scan3A_7 = arith.constant 25 : i32
    %barrier3A_8 = arith.constant 0 : index
    tpu.barrier barrier_id(%barrier3A_8)
    "tpu.region"() ({
      %run_scoped3A = tpu.sem_alloc : memref<!tpu.dma_semaphore, #tpu.memory_space<semaphore_mem>>
      %dma_start3A = arith.constant 0 : i32
      %dma_start3A_9 = tpu.memref_slice %arg6[%arg0, %mul3A_2, %dma_start3A] : memref<2x10240x64xf32, #tpu.memory_space<hbm>> -> memref<1x640x64xf32, #tpu.memory_space<hbm>>
      %dma_start3A_10 = tpu.memref_squeeze %dma_start3A_9 : memref<1x640x64xf32, #tpu.memory_space<hbm>> -> memref<640x64xf32, #tpu.memory_space<hbm>>
      %dma_start3A_11 = arith.constant 0 : i32
      %dma_start3A_12 = tpu.memref_slice %arg11[%mul3A_2, %dma_start3A_11] : memref<10240x64xf32, #tpu.memory_space<vmem_shared>> -> memref<640x64xf32, #tpu.memory_space<vmem_shared>>
      tpu.enqueue_dma source(%dma_start3A_12 : memref<640x64xf32, #tpu.memory_space<vmem_shared>>) target(%dma_start3A_10 : memref<640x64xf32, #tpu.memory_space<hbm>>) target_semaphore(%run_scoped3A : memref<!tpu.dma_semaphore, #tpu.memory_space<semaphore_mem>>)
      %dma_wait3A = arith.constant 0 : i32
      %dma_wait3A_13 = tpu.memref_slice %arg6[%arg0, %mul3A_2, %dma_wait3A] : memref<2x10240x64xf32, #tpu.memory_space<hbm>> -> memref<1x640x64xf32, #tpu.memory_space<hbm>>
      %dma_wait3A_14 = tpu.memref_squeeze %dma_wait3A_13 : memref<1x640x64xf32, #tpu.memory_space<hbm>> -> memref<640x64xf32, #tpu.memory_space<hbm>>
      %dma_wait3A_15 = arith.constant 0 : i32
      %dma_wait3A_16 = tpu.memref_slice %arg11[%mul3A_2, %dma_wait3A_15] : memref<10240x64xf32, #tpu.memory_space<vmem_shared>> -> memref<640x64xf32, #tpu.memory_space<vmem_shared>>
      tpu.wait_dma2 semaphore(%run_scoped3A : memref<!tpu.dma_semaphore, #tpu.memory_space<semaphore_mem>>) src(%dma_wait3A_16 : memref<640x64xf32, #tpu.memory_space<vmem_shared>>) dst(%dma_wait3A_14 : memref<640x64xf32, #tpu.memory_space<hbm>>)
      tpu.yield
    }) : () -> ()
    return
  }
}

#map = affine_map<(d0, d1) -> (0, 0)>
#map1 = affine_map<(d0, d1) -> (0, 0, 0)>
module attributes {stable_mosaic.version = 14 : i64} {
  func.func @k(%arg0: i32, %arg1: i32, %arg2: memref<10240x64xf32, #tpu.memory_space<hbm>>, %arg3: memref<32x100x104xi32, #tpu.memory_space<hbm>>, %arg4: memref<2x10240x64xf32, #tpu.memory_space<hbm>>, %arg5: memref<100x104xi32, #tpu.memory_space<vmem>>, %arg6: memref<104x64xf32, #tpu.memory_space<vmem>>, %arg7: memref<10240x64xf32, #tpu.memory_space<vmem_shared>>, %arg8: memref<!tpu.dma_semaphore, #tpu.memory_space<semaphore_mem>>) attributes {dimension_semantics = [#tpu.dimension_semantics<core_parallel>, #tpu.dimension_semantics<subcore_parallel>], iteration_bounds = array<i64: 2, 16>, scalar_prefetch = 0 : i64, scratch_operands = 4 : i64, tpu.core_type = #tpu.core_type<sc_vector_subcore>, window_params = [{transform_indices = #map}, {transform_indices = #map1}, {transform_indices = #map1}]} {
    %mul3A = arith.constant 16 : i32
    %mul3A_0 = arith.muli %arg0, %mul3A : i32
    %add3A = arith.addi %mul3A_0, %arg1 : i32
    %mul3A_1 = arith.constant 640 : i32
    %mul3A_2 = arith.muli %arg1, %mul3A_1 : i32
    "tpu.region"() ({
      %run_scoped3A = tpu.sem_alloc : memref<!tpu.dma_semaphore, #tpu.memory_space<semaphore_mem>>
      %dma_start3A = arith.constant 0 : i32
      %dma_start3A_9 = tpu.memref_slice %arg7[%mul3A_2, %dma_start3A] : memref<10240x64xf32, #tpu.memory_space<vmem_shared>> -> memref<640x64xf32, #tpu.memory_space<vmem_shared>>
      %dma_start3A_10 = arith.constant 0 : i32
      %dma_start3A_11 = tpu.memref_slice %arg2[%mul3A_2, %dma_start3A_10] : memref<10240x64xf32, #tpu.memory_space<hbm>> -> memref<640x64xf32, #tpu.memory_space<hbm>>
      tpu.enqueue_dma source(%dma_start3A_11 : memref<640x64xf32, #tpu.memory_space<hbm>>) target(%dma_start3A_9 : memref<640x64xf32, #tpu.memory_space<vmem_shared>>) target_semaphore(%run_scoped3A : memref<!tpu.dma_semaphore, #tpu.memory_space<semaphore_mem>>)
      %dma_wait3A = arith.constant 0 : i32
      %dma_wait3A_12 = tpu.memref_slice %arg7[%mul3A_2, %dma_wait3A] : memref<10240x64xf32, #tpu.memory_space<vmem_shared>> -> memref<640x64xf32, #tpu.memory_space<vmem_shared>>
      %dma_wait3A_13 = arith.constant 0 : i32
      %dma_wait3A_14 = tpu.memref_slice %arg2[%mul3A_2, %dma_wait3A_13] : memref<10240x64xf32, #tpu.memory_space<hbm>> -> memref<640x64xf32, #tpu.memory_space<hbm>>
      tpu.wait_dma2 semaphore(%run_scoped3A : memref<!tpu.dma_semaphore, #tpu.memory_space<semaphore_mem>>) src(%dma_wait3A_14 : memref<640x64xf32, #tpu.memory_space<hbm>>) dst(%dma_wait3A_12 : memref<640x64xf32, #tpu.memory_space<vmem_shared>>)
      tpu.yield
    }) : () -> ()
    "tpu.region"() ({
      %run_scoped3A = tpu.sem_alloc : memref<!tpu.dma_semaphore, #tpu.memory_space<semaphore_mem>>
      %dma_start3A = arith.constant 0 : i32
      %dma_start3A_9 = arith.constant 0 : i32
      %dma_start3A_10 = tpu.memref_slice %arg2[%dma_start3A, %dma_start3A_9] : memref<10240x64xf32, #tpu.memory_space<hbm>> -> memref<104x64xf32, #tpu.memory_space<hbm>>
      %dma_start3A_11 = arith.constant 0 : i32
      %dma_start3A_12 = arith.constant 0 : i32
      %dma_start3A_13 = tpu.memref_slice %arg2[%dma_start3A_11, %dma_start3A_12] : memref<10240x64xf32, #tpu.memory_space<hbm>> -> memref<104x64xf32, #tpu.memory_space<hbm>>
      tpu.enqueue_dma source(%dma_start3A_13 : memref<104x64xf32, #tpu.memory_space<hbm>>) target(%arg6 : memref<104x64xf32, #tpu.memory_space<vmem>>) target_semaphore(%run_scoped3A : memref<!tpu.dma_semaphore, #tpu.memory_space<semaphore_mem>>)
      %dma_wait3A = arith.constant 0 : i32
      %dma_wait3A_14 = arith.constant 0 : i32
      %dma_wait3A_15 = tpu.memref_slice %arg2[%dma_wait3A, %dma_wait3A_14] : memref<10240x64xf32, #tpu.memory_space<hbm>> -> memref<104x64xf32, #tpu.memory_space<hbm>>
      %dma_wait3A_16 = arith.constant 0 : i32
      %dma_wait3A_17 = arith.constant 0 : i32
      %dma_wait3A_18 = tpu.memref_slice %arg2[%dma_wait3A_16, %dma_wait3A_17] : memref<10240x64xf32, #tpu.memory_space<hbm>> -> memref<104x64xf32, #tpu.memory_space<hbm>>
      tpu.wait_dma2 semaphore(%run_scoped3A : memref<!tpu.dma_semaphore, #tpu.memory_space<semaphore_mem>>) src(%dma_wait3A_18 : memref<104x64xf32, #tpu.memory_space<hbm>>) dst(%arg6 : memref<104x64xf32, #tpu.memory_space<vmem>>)
      tpu.yield
    }) : () -> ()
    "tpu.region"() ({
      %run_scoped3A = tpu.sem_alloc : memref<!tpu.dma_semaphore, #tpu.memory_space<semaphore_mem>>
      %dma_start3A = arith.constant 0 : i32
      %dma_start3A_9 = arith.constant 0 : i32
      %dma_start3A_10 = tpu.memref_slice %arg3[%add3A, %dma_start3A, %dma_start3A_9] : memref<32x100x104xi32, #tpu.memory_space<hbm>> -> memref<1x100x104xi32, #tpu.memory_space<hbm>>
      %dma_start3A_11 = tpu.memref_squeeze %dma_start3A_10 : memref<1x100x104xi32, #tpu.memory_space<hbm>> -> memref<100x104xi32, #tpu.memory_space<hbm>>
      %dma_start3A_12 = arith.constant 0 : i32
      %dma_start3A_13 = arith.constant 0 : i32
      %dma_start3A_14 = tpu.memref_slice %arg3[%add3A, %dma_start3A_12, %dma_start3A_13] : memref<32x100x104xi32, #tpu.memory_space<hbm>> -> memref<1x100x104xi32, #tpu.memory_space<hbm>>
      %dma_start3A_15 = tpu.memref_squeeze %dma_start3A_14 : memref<1x100x104xi32, #tpu.memory_space<hbm>> -> memref<100x104xi32, #tpu.memory_space<hbm>>
      tpu.enqueue_dma source(%dma_start3A_15 : memref<100x104xi32, #tpu.memory_space<hbm>>) target(%arg5 : memref<100x104xi32, #tpu.memory_space<vmem>>) target_semaphore(%run_scoped3A : memref<!tpu.dma_semaphore, #tpu.memory_space<semaphore_mem>>)
      %dma_wait3A = arith.constant 0 : i32
      %dma_wait3A_16 = arith.constant 0 : i32
      %dma_wait3A_17 = tpu.memref_slice %arg3[%add3A, %dma_wait3A, %dma_wait3A_16] : memref<32x100x104xi32, #tpu.memory_space<hbm>> -> memref<1x100x104xi32, #tpu.memory_space<hbm>>
      %dma_wait3A_18 = tpu.memref_squeeze %dma_wait3A_17 : memref<1x100x104xi32, #tpu.memory_space<hbm>> -> memref<100x104xi32, #tpu.memory_space<hbm>>
      %dma_wait3A_19 = arith.constant 0 : i32
      %dma_wait3A_20 = arith.constant 0 : i32
      %dma_wait3A_21 = tpu.memref_slice %arg3[%add3A, %dma_wait3A_19, %dma_wait3A_20] : memref<32x100x104xi32, #tpu.memory_space<hbm>> -> memref<1x100x104xi32, #tpu.memory_space<hbm>>
      %dma_wait3A_22 = tpu.memref_squeeze %dma_wait3A_21 : memref<1x100x104xi32, #tpu.memory_space<hbm>> -> memref<100x104xi32, #tpu.memory_space<hbm>>
      tpu.wait_dma2 semaphore(%run_scoped3A : memref<!tpu.dma_semaphore, #tpu.memory_space<semaphore_mem>>) src(%dma_wait3A_22 : memref<100x104xi32, #tpu.memory_space<hbm>>) dst(%arg5 : memref<100x104xi32, #tpu.memory_space<vmem>>)
      tpu.yield
    }) : () -> ()
    %barrier3A = arith.constant 0 : index
    tpu.barrier barrier_id(%barrier3A)
    %scan3A = arith.constant 0 : i32
    %scan3A_3 = arith.constant 0 : i32
    %scan3A_4 = arith.constant 10 : i32
    %scan3A_5 = arith.addi %scan3A_3, %scan3A_4 : i32
    %scan3A_6 = arith.constant 1 : i32
    scf.for %scan3A_9 = %scan3A_3 to %scan3A_5 step %scan3A_6  : i32 {
      %mul3A_10 = arith.constant 10 : i32
      %mul3A_11 = arith.muli %scan3A_9, %mul3A_10 : i32
      %add3A_12 = arith.constant 0 : i32
      %add3A_13 = arith.addi %mul3A_11, %add3A_12 : i32
      %dma_start3A = arith.constant 0 : i32
      %dma_start3A_14 = tpu.memref_slice %arg5[%add3A_13, %dma_start3A] : memref<100x104xi32, #tpu.memory_space<vmem>> -> memref<1x104xi32, #tpu.memory_space<vmem>>
      %dma_start3A_15 = tpu.memref_squeeze %dma_start3A_14 : memref<1x104xi32, #tpu.memory_space<vmem>> -> memref<104xi32, #tpu.memory_space<vmem>>
      %dma_start3A_16 = arith.constant 0 : i32
      %dma_start3A_17 = arith.constant 0 : i32
      %dma_start3A_18 = tpu.memref_slice %arg7[%dma_start3A_16, %dma_start3A_17] : memref<10240x64xf32, #tpu.memory_space<vmem_shared>> -> memref<10240x64xf32, #tpu.memory_space<vmem_shared>>
      tpu.enqueue_indirect_dma source(%arg6 : memref<104x64xf32, #tpu.memory_space<vmem>>) target(%dma_start3A_18 : memref<10240x64xf32, #tpu.memory_space<vmem_shared>>) offsets(%dma_start3A_15 : memref<104xi32, #tpu.memory_space<vmem>>) semaphore(%arg8 : memref<!tpu.dma_semaphore, #tpu.memory_space<semaphore_mem>>) {add = true}
      %add3A_19 = arith.constant 1 : i32
      %add3A_20 = arith.addi %mul3A_11, %add3A_19 : i32
      %dma_start3A_21 = arith.constant 0 : i32
      %dma_start3A_22 = tpu.memref_slice %arg5[%add3A_20, %dma_start3A_21] : memref<100x104xi32, #tpu.memory_space<vmem>> -> memref<1x104xi32, #tpu.memory_space<vmem>>
      %dma_start3A_23 = tpu.memref_squeeze %dma_start3A_22 : memref<1x104xi32, #tpu.memory_space<vmem>> -> memref<104xi32, #tpu.memory_space<vmem>>
      %dma_start3A_24 = arith.constant 0 : i32
      %dma_start3A_25 = arith.constant 0 : i32
      %dma_start3A_26 = tpu.memref_slice %arg7[%dma_start3A_24, %dma_start3A_25] : memref<10240x64xf32, #tpu.memory_space<vmem_shared>> -> memref<10240x64xf32, #tpu.memory_space<vmem_shared>>
      tpu.enqueue_indirect_dma source(%arg6 : memref<104x64xf32, #tpu.memory_space<vmem>>) target(%dma_start3A_26 : memref<10240x64xf32, #tpu.memory_space<vmem_shared>>) offsets(%dma_start3A_23 : memref<104xi32, #tpu.memory_space<vmem>>) semaphore(%arg8 : memref<!tpu.dma_semaphore, #tpu.memory_space<semaphore_mem>>) {add = true}
      %add3A_27 = arith.constant 2 : i32
      %add3A_28 = arith.addi %mul3A_11, %add3A_27 : i32
      %dma_start3A_29 = arith.constant 0 : i32
      %dma_start3A_30 = tpu.memref_slice %arg5[%add3A_28, %dma_start3A_29] : memref<100x104xi32, #tpu.memory_space<vmem>> -> memref<1x104xi32, #tpu.memory_space<vmem>>
      %dma_start3A_31 = tpu.memref_squeeze %dma_start3A_30 : memref<1x104xi32, #tpu.memory_space<vmem>> -> memref<104xi32, #tpu.memory_space<vmem>>
      %dma_start3A_32 = arith.constant 0 : i32
      %dma_start3A_33 = arith.constant 0 : i32
      %dma_start3A_34 = tpu.memref_slice %arg7[%dma_start3A_32, %dma_start3A_33] : memref<10240x64xf32, #tpu.memory_space<vmem_shared>> -> memref<10240x64xf32, #tpu.memory_space<vmem_shared>>
      tpu.enqueue_indirect_dma source(%arg6 : memref<104x64xf32, #tpu.memory_space<vmem>>) target(%dma_start3A_34 : memref<10240x64xf32, #tpu.memory_space<vmem_shared>>) offsets(%dma_start3A_31 : memref<104xi32, #tpu.memory_space<vmem>>) semaphore(%arg8 : memref<!tpu.dma_semaphore, #tpu.memory_space<semaphore_mem>>) {add = true}
      %add3A_35 = arith.constant 3 : i32
      %add3A_36 = arith.addi %mul3A_11, %add3A_35 : i32
      %dma_start3A_37 = arith.constant 0 : i32
      %dma_start3A_38 = tpu.memref_slice %arg5[%add3A_36, %dma_start3A_37] : memref<100x104xi32, #tpu.memory_space<vmem>> -> memref<1x104xi32, #tpu.memory_space<vmem>>
      %dma_start3A_39 = tpu.memref_squeeze %dma_start3A_38 : memref<1x104xi32, #tpu.memory_space<vmem>> -> memref<104xi32, #tpu.memory_space<vmem>>
      %dma_start3A_40 = arith.constant 0 : i32
      %dma_start3A_41 = arith.constant 0 : i32
      %dma_start3A_42 = tpu.memref_slice %arg7[%dma_start3A_40, %dma_start3A_41] : memref<10240x64xf32, #tpu.memory_space<vmem_shared>> -> memref<10240x64xf32, #tpu.memory_space<vmem_shared>>
      tpu.enqueue_indirect_dma source(%arg6 : memref<104x64xf32, #tpu.memory_space<vmem>>) target(%dma_start3A_42 : memref<10240x64xf32, #tpu.memory_space<vmem_shared>>) offsets(%dma_start3A_39 : memref<104xi32, #tpu.memory_space<vmem>>) semaphore(%arg8 : memref<!tpu.dma_semaphore, #tpu.memory_space<semaphore_mem>>) {add = true}
      %add3A_43 = arith.constant 4 : i32
      %add3A_44 = arith.addi %mul3A_11, %add3A_43 : i32
      %dma_start3A_45 = arith.constant 0 : i32
      %dma_start3A_46 = tpu.memref_slice %arg5[%add3A_44, %dma_start3A_45] : memref<100x104xi32, #tpu.memory_space<vmem>> -> memref<1x104xi32, #tpu.memory_space<vmem>>
      %dma_start3A_47 = tpu.memref_squeeze %dma_start3A_46 : memref<1x104xi32, #tpu.memory_space<vmem>> -> memref<104xi32, #tpu.memory_space<vmem>>
      %dma_start3A_48 = arith.constant 0 : i32
      %dma_start3A_49 = arith.constant 0 : i32
      %dma_start3A_50 = tpu.memref_slice %arg7[%dma_start3A_48, %dma_start3A_49] : memref<10240x64xf32, #tpu.memory_space<vmem_shared>> -> memref<10240x64xf32, #tpu.memory_space<vmem_shared>>
      tpu.enqueue_indirect_dma source(%arg6 : memref<104x64xf32, #tpu.memory_space<vmem>>) target(%dma_start3A_50 : memref<10240x64xf32, #tpu.memory_space<vmem_shared>>) offsets(%dma_start3A_47 : memref<104xi32, #tpu.memory_space<vmem>>) semaphore(%arg8 : memref<!tpu.dma_semaphore, #tpu.memory_space<semaphore_mem>>) {add = true}
      %add3A_51 = arith.constant 5 : i32
      %add3A_52 = arith.addi %mul3A_11, %add3A_51 : i32
      %dma_start3A_53 = arith.constant 0 : i32
      %dma_start3A_54 = tpu.memref_slice %arg5[%add3A_52, %dma_start3A_53] : memref<100x104xi32, #tpu.memory_space<vmem>> -> memref<1x104xi32, #tpu.memory_space<vmem>>
      %dma_start3A_55 = tpu.memref_squeeze %dma_start3A_54 : memref<1x104xi32, #tpu.memory_space<vmem>> -> memref<104xi32, #tpu.memory_space<vmem>>
      %dma_start3A_56 = arith.constant 0 : i32
      %dma_start3A_57 = arith.constant 0 : i32
      %dma_start3A_58 = tpu.memref_slice %arg7[%dma_start3A_56, %dma_start3A_57] : memref<10240x64xf32, #tpu.memory_space<vmem_shared>> -> memref<10240x64xf32, #tpu.memory_space<vmem_shared>>
      tpu.enqueue_indirect_dma source(%arg6 : memref<104x64xf32, #tpu.memory_space<vmem>>) target(%dma_start3A_58 : memref<10240x64xf32, #tpu.memory_space<vmem_shared>>) offsets(%dma_start3A_55 : memref<104xi32, #tpu.memory_space<vmem>>) semaphore(%arg8 : memref<!tpu.dma_semaphore, #tpu.memory_space<semaphore_mem>>) {add = true}
      %add3A_59 = arith.constant 6 : i32
      %add3A_60 = arith.addi %mul3A_11, %add3A_59 : i32
      %dma_start3A_61 = arith.constant 0 : i32
      %dma_start3A_62 = tpu.memref_slice %arg5[%add3A_60, %dma_start3A_61] : memref<100x104xi32, #tpu.memory_space<vmem>> -> memref<1x104xi32, #tpu.memory_space<vmem>>
      %dma_start3A_63 = tpu.memref_squeeze %dma_start3A_62 : memref<1x104xi32, #tpu.memory_space<vmem>> -> memref<104xi32, #tpu.memory_space<vmem>>
      %dma_start3A_64 = arith.constant 0 : i32
      %dma_start3A_65 = arith.constant 0 : i32
      %dma_start3A_66 = tpu.memref_slice %arg7[%dma_start3A_64, %dma_start3A_65] : memref<10240x64xf32, #tpu.memory_space<vmem_shared>> -> memref<10240x64xf32, #tpu.memory_space<vmem_shared>>
      tpu.enqueue_indirect_dma source(%arg6 : memref<104x64xf32, #tpu.memory_space<vmem>>) target(%dma_start3A_66 : memref<10240x64xf32, #tpu.memory_space<vmem_shared>>) offsets(%dma_start3A_63 : memref<104xi32, #tpu.memory_space<vmem>>) semaphore(%arg8 : memref<!tpu.dma_semaphore, #tpu.memory_space<semaphore_mem>>) {add = true}
      %add3A_67 = arith.constant 7 : i32
      %add3A_68 = arith.addi %mul3A_11, %add3A_67 : i32
      %dma_start3A_69 = arith.constant 0 : i32
      %dma_start3A_70 = tpu.memref_slice %arg5[%add3A_68, %dma_start3A_69] : memref<100x104xi32, #tpu.memory_space<vmem>> -> memref<1x104xi32, #tpu.memory_space<vmem>>
      %dma_start3A_71 = tpu.memref_squeeze %dma_start3A_70 : memref<1x104xi32, #tpu.memory_space<vmem>> -> memref<104xi32, #tpu.memory_space<vmem>>
      %dma_start3A_72 = arith.constant 0 : i32
      %dma_start3A_73 = arith.constant 0 : i32
      %dma_start3A_74 = tpu.memref_slice %arg7[%dma_start3A_72, %dma_start3A_73] : memref<10240x64xf32, #tpu.memory_space<vmem_shared>> -> memref<10240x64xf32, #tpu.memory_space<vmem_shared>>
      tpu.enqueue_indirect_dma source(%arg6 : memref<104x64xf32, #tpu.memory_space<vmem>>) target(%dma_start3A_74 : memref<10240x64xf32, #tpu.memory_space<vmem_shared>>) offsets(%dma_start3A_71 : memref<104xi32, #tpu.memory_space<vmem>>) semaphore(%arg8 : memref<!tpu.dma_semaphore, #tpu.memory_space<semaphore_mem>>) {add = true}
      %add3A_75 = arith.constant 8 : i32
      %add3A_76 = arith.addi %mul3A_11, %add3A_75 : i32
      %dma_start3A_77 = arith.constant 0 : i32
      %dma_start3A_78 = tpu.memref_slice %arg5[%add3A_76, %dma_start3A_77] : memref<100x104xi32, #tpu.memory_space<vmem>> -> memref<1x104xi32, #tpu.memory_space<vmem>>
      %dma_start3A_79 = tpu.memref_squeeze %dma_start3A_78 : memref<1x104xi32, #tpu.memory_space<vmem>> -> memref<104xi32, #tpu.memory_space<vmem>>
      %dma_start3A_80 = arith.constant 0 : i32
      %dma_start3A_81 = arith.constant 0 : i32
      %dma_start3A_82 = tpu.memref_slice %arg7[%dma_start3A_80, %dma_start3A_81] : memref<10240x64xf32, #tpu.memory_space<vmem_shared>> -> memref<10240x64xf32, #tpu.memory_space<vmem_shared>>
      tpu.enqueue_indirect_dma source(%arg6 : memref<104x64xf32, #tpu.memory_space<vmem>>) target(%dma_start3A_82 : memref<10240x64xf32, #tpu.memory_space<vmem_shared>>) offsets(%dma_start3A_79 : memref<104xi32, #tpu.memory_space<vmem>>) semaphore(%arg8 : memref<!tpu.dma_semaphore, #tpu.memory_space<semaphore_mem>>) {add = true}
      %add3A_83 = arith.constant 9 : i32
      %add3A_84 = arith.addi %mul3A_11, %add3A_83 : i32
      %dma_start3A_85 = arith.constant 0 : i32
      %dma_start3A_86 = tpu.memref_slice %arg5[%add3A_84, %dma_start3A_85] : memref<100x104xi32, #tpu.memory_space<vmem>> -> memref<1x104xi32, #tpu.memory_space<vmem>>
      %dma_start3A_87 = tpu.memref_squeeze %dma_start3A_86 : memref<1x104xi32, #tpu.memory_space<vmem>> -> memref<104xi32, #tpu.memory_space<vmem>>
      %dma_start3A_88 = arith.constant 0 : i32
      %dma_start3A_89 = arith.constant 0 : i32
      %dma_start3A_90 = tpu.memref_slice %arg7[%dma_start3A_88, %dma_start3A_89] : memref<10240x64xf32, #tpu.memory_space<vmem_shared>> -> memref<10240x64xf32, #tpu.memory_space<vmem_shared>>
      tpu.enqueue_indirect_dma source(%arg6 : memref<104x64xf32, #tpu.memory_space<vmem>>) target(%dma_start3A_90 : memref<10240x64xf32, #tpu.memory_space<vmem_shared>>) offsets(%dma_start3A_87 : memref<104xi32, #tpu.memory_space<vmem>>) semaphore(%arg8 : memref<!tpu.dma_semaphore, #tpu.memory_space<semaphore_mem>>) {add = true}
      %dma_wait3A = arith.constant 0 : i32
      %dma_wait3A_91 = tpu.memref_slice %arg5[%add3A_13, %dma_wait3A] : memref<100x104xi32, #tpu.memory_space<vmem>> -> memref<1x104xi32, #tpu.memory_space<vmem>>
      %dma_wait3A_92 = tpu.memref_squeeze %dma_wait3A_91 : memref<1x104xi32, #tpu.memory_space<vmem>> -> memref<104xi32, #tpu.memory_space<vmem>>
      %dma_wait3A_93 = arith.constant 0 : i32
      %dma_wait3A_94 = arith.constant 0 : i32
      %dma_wait3A_95 = tpu.memref_slice %arg7[%dma_wait3A_93, %dma_wait3A_94] : memref<10240x64xf32, #tpu.memory_space<vmem_shared>> -> memref<10240x64xf32, #tpu.memory_space<vmem_shared>>
      tpu.wait_indirect_dma semaphore(%arg8 : memref<!tpu.dma_semaphore, #tpu.memory_space<semaphore_mem>>) src(%arg6 : memref<104x64xf32, #tpu.memory_space<vmem>>) dst(%dma_wait3A_95 : memref<10240x64xf32, #tpu.memory_space<vmem_shared>>)
      %dma_wait3A_96 = arith.constant 0 : i32
      %dma_wait3A_97 = tpu.memref_slice %arg5[%add3A_20, %dma_wait3A_96] : memref<100x104xi32, #tpu.memory_space<vmem>> -> memref<1x104xi32, #tpu.memory_space<vmem>>
      %dma_wait3A_98 = tpu.memref_squeeze %dma_wait3A_97 : memref<1x104xi32, #tpu.memory_space<vmem>> -> memref<104xi32, #tpu.memory_space<vmem>>
      %dma_wait3A_99 = arith.constant 0 : i32
      %dma_wait3A_100 = arith.constant 0 : i32
      %dma_wait3A_101 = tpu.memref_slice %arg7[%dma_wait3A_99, %dma_wait3A_100] : memref<10240x64xf32, #tpu.memory_space<vmem_shared>> -> memref<10240x64xf32, #tpu.memory_space<vmem_shared>>
      tpu.wait_indirect_dma semaphore(%arg8 : memref<!tpu.dma_semaphore, #tpu.memory_space<semaphore_mem>>) src(%arg6 : memref<104x64xf32, #tpu.memory_space<vmem>>) dst(%dma_wait3A_101 : memref<10240x64xf32, #tpu.memory_space<vmem_shared>>)
      %dma_wait3A_102 = arith.constant 0 : i32
      %dma_wait3A_103 = tpu.memref_slice %arg5[%add3A_28, %dma_wait3A_102] : memref<100x104xi32, #tpu.memory_space<vmem>> -> memref<1x104xi32, #tpu.memory_space<vmem>>
      %dma_wait3A_104 = tpu.memref_squeeze %dma_wait3A_103 : memref<1x104xi32, #tpu.memory_space<vmem>> -> memref<104xi32, #tpu.memory_space<vmem>>
      %dma_wait3A_105 = arith.constant 0 : i32
      %dma_wait3A_106 = arith.constant 0 : i32
      %dma_wait3A_107 = tpu.memref_slice %arg7[%dma_wait3A_105, %dma_wait3A_106] : memref<10240x64xf32, #tpu.memory_space<vmem_shared>> -> memref<10240x64xf32, #tpu.memory_space<vmem_shared>>
      tpu.wait_indirect_dma semaphore(%arg8 : memref<!tpu.dma_semaphore, #tpu.memory_space<semaphore_mem>>) src(%arg6 : memref<104x64xf32, #tpu.memory_space<vmem>>) dst(%dma_wait3A_107 : memref<10240x64xf32, #tpu.memory_space<vmem_shared>>)
      %dma_wait3A_108 = arith.constant 0 : i32
      %dma_wait3A_109 = tpu.memref_slice %arg5[%add3A_36, %dma_wait3A_108] : memref<100x104xi32, #tpu.memory_space<vmem>> -> memref<1x104xi32, #tpu.memory_space<vmem>>
      %dma_wait3A_110 = tpu.memref_squeeze %dma_wait3A_109 : memref<1x104xi32, #tpu.memory_space<vmem>> -> memref<104xi32, #tpu.memory_space<vmem>>
      %dma_wait3A_111 = arith.constant 0 : i32
      %dma_wait3A_112 = arith.constant 0 : i32
      %dma_wait3A_113 = tpu.memref_slice %arg7[%dma_wait3A_111, %dma_wait3A_112] : memref<10240x64xf32, #tpu.memory_space<vmem_shared>> -> memref<10240x64xf32, #tpu.memory_space<vmem_shared>>
      tpu.wait_indirect_dma semaphore(%arg8 : memref<!tpu.dma_semaphore, #tpu.memory_space<semaphore_mem>>) src(%arg6 : memref<104x64xf32, #tpu.memory_space<vmem>>) dst(%dma_wait3A_113 : memref<10240x64xf32, #tpu.memory_space<vmem_shared>>)
      %dma_wait3A_114 = arith.constant 0 : i32
      %dma_wait3A_115 = tpu.memref_slice %arg5[%add3A_44, %dma_wait3A_114] : memref<100x104xi32, #tpu.memory_space<vmem>> -> memref<1x104xi32, #tpu.memory_space<vmem>>
      %dma_wait3A_116 = tpu.memref_squeeze %dma_wait3A_115 : memref<1x104xi32, #tpu.memory_space<vmem>> -> memref<104xi32, #tpu.memory_space<vmem>>
      %dma_wait3A_117 = arith.constant 0 : i32
      %dma_wait3A_118 = arith.constant 0 : i32
      %dma_wait3A_119 = tpu.memref_slice %arg7[%dma_wait3A_117, %dma_wait3A_118] : memref<10240x64xf32, #tpu.memory_space<vmem_shared>> -> memref<10240x64xf32, #tpu.memory_space<vmem_shared>>
      tpu.wait_indirect_dma semaphore(%arg8 : memref<!tpu.dma_semaphore, #tpu.memory_space<semaphore_mem>>) src(%arg6 : memref<104x64xf32, #tpu.memory_space<vmem>>) dst(%dma_wait3A_119 : memref<10240x64xf32, #tpu.memory_space<vmem_shared>>)
      %dma_wait3A_120 = arith.constant 0 : i32
      %dma_wait3A_121 = tpu.memref_slice %arg5[%add3A_52, %dma_wait3A_120] : memref<100x104xi32, #tpu.memory_space<vmem>> -> memref<1x104xi32, #tpu.memory_space<vmem>>
      %dma_wait3A_122 = tpu.memref_squeeze %dma_wait3A_121 : memref<1x104xi32, #tpu.memory_space<vmem>> -> memref<104xi32, #tpu.memory_space<vmem>>
      %dma_wait3A_123 = arith.constant 0 : i32
      %dma_wait3A_124 = arith.constant 0 : i32
      %dma_wait3A_125 = tpu.memref_slice %arg7[%dma_wait3A_123, %dma_wait3A_124] : memref<10240x64xf32, #tpu.memory_space<vmem_shared>> -> memref<10240x64xf32, #tpu.memory_space<vmem_shared>>
      tpu.wait_indirect_dma semaphore(%arg8 : memref<!tpu.dma_semaphore, #tpu.memory_space<semaphore_mem>>) src(%arg6 : memref<104x64xf32, #tpu.memory_space<vmem>>) dst(%dma_wait3A_125 : memref<10240x64xf32, #tpu.memory_space<vmem_shared>>)
      %dma_wait3A_126 = arith.constant 0 : i32
      %dma_wait3A_127 = tpu.memref_slice %arg5[%add3A_60, %dma_wait3A_126] : memref<100x104xi32, #tpu.memory_space<vmem>> -> memref<1x104xi32, #tpu.memory_space<vmem>>
      %dma_wait3A_128 = tpu.memref_squeeze %dma_wait3A_127 : memref<1x104xi32, #tpu.memory_space<vmem>> -> memref<104xi32, #tpu.memory_space<vmem>>
      %dma_wait3A_129 = arith.constant 0 : i32
      %dma_wait3A_130 = arith.constant 0 : i32
      %dma_wait3A_131 = tpu.memref_slice %arg7[%dma_wait3A_129, %dma_wait3A_130] : memref<10240x64xf32, #tpu.memory_space<vmem_shared>> -> memref<10240x64xf32, #tpu.memory_space<vmem_shared>>
      tpu.wait_indirect_dma semaphore(%arg8 : memref<!tpu.dma_semaphore, #tpu.memory_space<semaphore_mem>>) src(%arg6 : memref<104x64xf32, #tpu.memory_space<vmem>>) dst(%dma_wait3A_131 : memref<10240x64xf32, #tpu.memory_space<vmem_shared>>)
      %dma_wait3A_132 = arith.constant 0 : i32
      %dma_wait3A_133 = tpu.memref_slice %arg5[%add3A_68, %dma_wait3A_132] : memref<100x104xi32, #tpu.memory_space<vmem>> -> memref<1x104xi32, #tpu.memory_space<vmem>>
      %dma_wait3A_134 = tpu.memref_squeeze %dma_wait3A_133 : memref<1x104xi32, #tpu.memory_space<vmem>> -> memref<104xi32, #tpu.memory_space<vmem>>
      %dma_wait3A_135 = arith.constant 0 : i32
      %dma_wait3A_136 = arith.constant 0 : i32
      %dma_wait3A_137 = tpu.memref_slice %arg7[%dma_wait3A_135, %dma_wait3A_136] : memref<10240x64xf32, #tpu.memory_space<vmem_shared>> -> memref<10240x64xf32, #tpu.memory_space<vmem_shared>>
      tpu.wait_indirect_dma semaphore(%arg8 : memref<!tpu.dma_semaphore, #tpu.memory_space<semaphore_mem>>) src(%arg6 : memref<104x64xf32, #tpu.memory_space<vmem>>) dst(%dma_wait3A_137 : memref<10240x64xf32, #tpu.memory_space<vmem_shared>>)
      %dma_wait3A_138 = arith.constant 0 : i32
      %dma_wait3A_139 = tpu.memref_slice %arg5[%add3A_76, %dma_wait3A_138] : memref<100x104xi32, #tpu.memory_space<vmem>> -> memref<1x104xi32, #tpu.memory_space<vmem>>
      %dma_wait3A_140 = tpu.memref_squeeze %dma_wait3A_139 : memref<1x104xi32, #tpu.memory_space<vmem>> -> memref<104xi32, #tpu.memory_space<vmem>>
      %dma_wait3A_141 = arith.constant 0 : i32
      %dma_wait3A_142 = arith.constant 0 : i32
      %dma_wait3A_143 = tpu.memref_slice %arg7[%dma_wait3A_141, %dma_wait3A_142] : memref<10240x64xf32, #tpu.memory_space<vmem_shared>> -> memref<10240x64xf32, #tpu.memory_space<vmem_shared>>
      tpu.wait_indirect_dma semaphore(%arg8 : memref<!tpu.dma_semaphore, #tpu.memory_space<semaphore_mem>>) src(%arg6 : memref<104x64xf32, #tpu.memory_space<vmem>>) dst(%dma_wait3A_143 : memref<10240x64xf32, #tpu.memory_space<vmem_shared>>)
      %dma_wait3A_144 = arith.constant 0 : i32
      %dma_wait3A_145 = tpu.memref_slice %arg5[%add3A_84, %dma_wait3A_144] : memref<100x104xi32, #tpu.memory_space<vmem>> -> memref<1x104xi32, #tpu.memory_space<vmem>>
      %dma_wait3A_146 = tpu.memref_squeeze %dma_wait3A_145 : memref<1x104xi32, #tpu.memory_space<vmem>> -> memref<104xi32, #tpu.memory_space<vmem>>
      %dma_wait3A_147 = arith.constant 0 : i32
      %dma_wait3A_148 = arith.constant 0 : i32
      %dma_wait3A_149 = tpu.memref_slice %arg7[%dma_wait3A_147, %dma_wait3A_148] : memref<10240x64xf32, #tpu.memory_space<vmem_shared>> -> memref<10240x64xf32, #tpu.memory_space<vmem_shared>>
      tpu.wait_indirect_dma semaphore(%arg8 : memref<!tpu.dma_semaphore, #tpu.memory_space<semaphore_mem>>) src(%arg6 : memref<104x64xf32, #tpu.memory_space<vmem>>) dst(%dma_wait3A_149 : memref<10240x64xf32, #tpu.memory_space<vmem_shared>>)
    }
    %scan3A_7 = arith.constant 10 : i32
    %barrier3A_8 = arith.constant 0 : index
    tpu.barrier barrier_id(%barrier3A_8)
    "tpu.region"() ({
      %run_scoped3A = tpu.sem_alloc : memref<!tpu.dma_semaphore, #tpu.memory_space<semaphore_mem>>
      %dma_start3A = arith.constant 0 : i32
      %dma_start3A_9 = tpu.memref_slice %arg4[%arg0, %mul3A_2, %dma_start3A] : memref<2x10240x64xf32, #tpu.memory_space<hbm>> -> memref<1x640x64xf32, #tpu.memory_space<hbm>>
      %dma_start3A_10 = tpu.memref_squeeze %dma_start3A_9 : memref<1x640x64xf32, #tpu.memory_space<hbm>> -> memref<640x64xf32, #tpu.memory_space<hbm>>
      %dma_start3A_11 = arith.constant 0 : i32
      %dma_start3A_12 = tpu.memref_slice %arg7[%mul3A_2, %dma_start3A_11] : memref<10240x64xf32, #tpu.memory_space<vmem_shared>> -> memref<640x64xf32, #tpu.memory_space<vmem_shared>>
      tpu.enqueue_dma source(%dma_start3A_12 : memref<640x64xf32, #tpu.memory_space<vmem_shared>>) target(%dma_start3A_10 : memref<640x64xf32, #tpu.memory_space<hbm>>) target_semaphore(%run_scoped3A : memref<!tpu.dma_semaphore, #tpu.memory_space<semaphore_mem>>)
      %dma_wait3A = arith.constant 0 : i32
      %dma_wait3A_13 = tpu.memref_slice %arg4[%arg0, %mul3A_2, %dma_wait3A] : memref<2x10240x64xf32, #tpu.memory_space<hbm>> -> memref<1x640x64xf32, #tpu.memory_space<hbm>>
      %dma_wait3A_14 = tpu.memref_squeeze %dma_wait3A_13 : memref<1x640x64xf32, #tpu.memory_space<hbm>> -> memref<640x64xf32, #tpu.memory_space<hbm>>
      %dma_wait3A_15 = arith.constant 0 : i32
      %dma_wait3A_16 = tpu.memref_slice %arg7[%mul3A_2, %dma_wait3A_15] : memref<10240x64xf32, #tpu.memory_space<vmem_shared>> -> memref<640x64xf32, #tpu.memory_space<vmem_shared>>
      tpu.wait_dma2 semaphore(%run_scoped3A : memref<!tpu.dma_semaphore, #tpu.memory_space<semaphore_mem>>) src(%dma_wait3A_16 : memref<640x64xf32, #tpu.memory_space<vmem_shared>>) dst(%dma_wait3A_14 : memref<640x64xf32, #tpu.memory_space<hbm>>)
      tpu.yield
    }) : () -> ()
    return
  }
}

#map = affine_map<(d0, d1) -> (0, 0)>
#map1 = affine_map<(d0, d1) -> (0, 0, 0)>
module attributes {stable_mosaic.version = 14 : i64} {
  func.func @k(%arg0: i32, %arg1: i32, %arg2: memref<10240x64xf32, #tpu.memory_space<hbm>>, %arg3: memref<10240x64xf32, #tpu.memory_space<hbm>>, %arg4: memref<32x100x104xi32, #tpu.memory_space<hbm>>, %arg5: memref<32x100x104xi32, #tpu.memory_space<hbm>>, %arg6: memref<2x10240x64xf32, #tpu.memory_space<hbm>>, %arg7: memref<100x104xi32, #tpu.memory_space<vmem>>, %arg8: memref<100x104xi32, #tpu.memory_space<vmem>>, %arg9: memref<4x104x64xf32, #tpu.memory_space<vmem>>, %arg10: memref<10240x64xf32, #tpu.memory_space<vmem_shared>>, %arg11: memref<10240x64xf32, #tpu.memory_space<vmem_shared>>, %arg12: memref<!tpu.dma_semaphore, #tpu.memory_space<semaphore_mem>>, %arg13: memref<!tpu.dma_semaphore, #tpu.memory_space<semaphore_mem>>) attributes {dimension_semantics = [#tpu.dimension_semantics<core_parallel>, #tpu.dimension_semantics<subcore_parallel>], iteration_bounds = array<i64: 2, 16>, scalar_prefetch = 0 : i64, scratch_operands = 7 : i64, tpu.core_type = #tpu.core_type<sc_vector_subcore>, window_params = [{transform_indices = #map}, {transform_indices = #map}, {transform_indices = #map1}, {transform_indices = #map1}, {transform_indices = #map1}]} {
    %mul3A = arith.constant 16 : i32
    %mul3A_0 = arith.muli %arg0, %mul3A : i32
    %add3A = arith.addi %mul3A_0, %arg1 : i32
    %mul3A_1 = arith.constant 640 : i32
    %mul3A_2 = arith.muli %arg1, %mul3A_1 : i32
    "tpu.region"() ({
      %run_scoped3A = tpu.sem_alloc : memref<!tpu.dma_semaphore, #tpu.memory_space<semaphore_mem>>
      %dma_start3A = arith.constant 0 : i32
      %dma_start3A_9 = tpu.memref_slice %arg10[%mul3A_2, %dma_start3A] : memref<10240x64xf32, #tpu.memory_space<vmem_shared>> -> memref<640x64xf32, #tpu.memory_space<vmem_shared>>
      %dma_start3A_10 = arith.constant 0 : i32
      %dma_start3A_11 = tpu.memref_slice %arg2[%mul3A_2, %dma_start3A_10] : memref<10240x64xf32, #tpu.memory_space<hbm>> -> memref<640x64xf32, #tpu.memory_space<hbm>>
      tpu.enqueue_dma source(%dma_start3A_11 : memref<640x64xf32, #tpu.memory_space<hbm>>) target(%dma_start3A_9 : memref<640x64xf32, #tpu.memory_space<vmem_shared>>) target_semaphore(%run_scoped3A : memref<!tpu.dma_semaphore, #tpu.memory_space<semaphore_mem>>)
      %dma_wait3A = arith.constant 0 : i32
      %dma_wait3A_12 = tpu.memref_slice %arg10[%mul3A_2, %dma_wait3A] : memref<10240x64xf32, #tpu.memory_space<vmem_shared>> -> memref<640x64xf32, #tpu.memory_space<vmem_shared>>
      %dma_wait3A_13 = arith.constant 0 : i32
      %dma_wait3A_14 = tpu.memref_slice %arg2[%mul3A_2, %dma_wait3A_13] : memref<10240x64xf32, #tpu.memory_space<hbm>> -> memref<640x64xf32, #tpu.memory_space<hbm>>
      tpu.wait_dma2 semaphore(%run_scoped3A : memref<!tpu.dma_semaphore, #tpu.memory_space<semaphore_mem>>) src(%dma_wait3A_14 : memref<640x64xf32, #tpu.memory_space<hbm>>) dst(%dma_wait3A_12 : memref<640x64xf32, #tpu.memory_space<vmem_shared>>)
      tpu.yield
    }) : () -> ()
    "tpu.region"() ({
      %run_scoped3A = tpu.sem_alloc : memref<!tpu.dma_semaphore, #tpu.memory_space<semaphore_mem>>
      %dma_start3A = arith.constant 0 : i32
      %dma_start3A_9 = tpu.memref_slice %arg11[%mul3A_2, %dma_start3A] : memref<10240x64xf32, #tpu.memory_space<vmem_shared>> -> memref<640x64xf32, #tpu.memory_space<vmem_shared>>
      %dma_start3A_10 = arith.constant 0 : i32
      %dma_start3A_11 = tpu.memref_slice %arg3[%mul3A_2, %dma_start3A_10] : memref<10240x64xf32, #tpu.memory_space<hbm>> -> memref<640x64xf32, #tpu.memory_space<hbm>>
      tpu.enqueue_dma source(%dma_start3A_11 : memref<640x64xf32, #tpu.memory_space<hbm>>) target(%dma_start3A_9 : memref<640x64xf32, #tpu.memory_space<vmem_shared>>) target_semaphore(%run_scoped3A : memref<!tpu.dma_semaphore, #tpu.memory_space<semaphore_mem>>)
      %dma_wait3A = arith.constant 0 : i32
      %dma_wait3A_12 = tpu.memref_slice %arg11[%mul3A_2, %dma_wait3A] : memref<10240x64xf32, #tpu.memory_space<vmem_shared>> -> memref<640x64xf32, #tpu.memory_space<vmem_shared>>
      %dma_wait3A_13 = arith.constant 0 : i32
      %dma_wait3A_14 = tpu.memref_slice %arg3[%mul3A_2, %dma_wait3A_13] : memref<10240x64xf32, #tpu.memory_space<hbm>> -> memref<640x64xf32, #tpu.memory_space<hbm>>
      tpu.wait_dma2 semaphore(%run_scoped3A : memref<!tpu.dma_semaphore, #tpu.memory_space<semaphore_mem>>) src(%dma_wait3A_14 : memref<640x64xf32, #tpu.memory_space<hbm>>) dst(%dma_wait3A_12 : memref<640x64xf32, #tpu.memory_space<vmem_shared>>)
      tpu.yield
    }) : () -> ()
    "tpu.region"() ({
      %run_scoped3A = tpu.sem_alloc : memref<!tpu.dma_semaphore, #tpu.memory_space<semaphore_mem>>
      %dma_start3A = arith.constant 0 : i32
      %dma_start3A_9 = arith.constant 0 : i32
      %dma_start3A_10 = tpu.memref_slice %arg4[%add3A, %dma_start3A, %dma_start3A_9] : memref<32x100x104xi32, #tpu.memory_space<hbm>> -> memref<1x100x104xi32, #tpu.memory_space<hbm>>
      %dma_start3A_11 = tpu.memref_squeeze %dma_start3A_10 : memref<1x100x104xi32, #tpu.memory_space<hbm>> -> memref<100x104xi32, #tpu.memory_space<hbm>>
      %dma_start3A_12 = arith.constant 0 : i32
      %dma_start3A_13 = arith.constant 0 : i32
      %dma_start3A_14 = tpu.memref_slice %arg4[%add3A, %dma_start3A_12, %dma_start3A_13] : memref<32x100x104xi32, #tpu.memory_space<hbm>> -> memref<1x100x104xi32, #tpu.memory_space<hbm>>
      %dma_start3A_15 = tpu.memref_squeeze %dma_start3A_14 : memref<1x100x104xi32, #tpu.memory_space<hbm>> -> memref<100x104xi32, #tpu.memory_space<hbm>>
      tpu.enqueue_dma source(%dma_start3A_15 : memref<100x104xi32, #tpu.memory_space<hbm>>) target(%arg7 : memref<100x104xi32, #tpu.memory_space<vmem>>) target_semaphore(%run_scoped3A : memref<!tpu.dma_semaphore, #tpu.memory_space<semaphore_mem>>)
      %dma_wait3A = arith.constant 0 : i32
      %dma_wait3A_16 = arith.constant 0 : i32
      %dma_wait3A_17 = tpu.memref_slice %arg4[%add3A, %dma_wait3A, %dma_wait3A_16] : memref<32x100x104xi32, #tpu.memory_space<hbm>> -> memref<1x100x104xi32, #tpu.memory_space<hbm>>
      %dma_wait3A_18 = tpu.memref_squeeze %dma_wait3A_17 : memref<1x100x104xi32, #tpu.memory_space<hbm>> -> memref<100x104xi32, #tpu.memory_space<hbm>>
      %dma_wait3A_19 = arith.constant 0 : i32
      %dma_wait3A_20 = arith.constant 0 : i32
      %dma_wait3A_21 = tpu.memref_slice %arg4[%add3A, %dma_wait3A_19, %dma_wait3A_20] : memref<32x100x104xi32, #tpu.memory_space<hbm>> -> memref<1x100x104xi32, #tpu.memory_space<hbm>>
      %dma_wait3A_22 = tpu.memref_squeeze %dma_wait3A_21 : memref<1x100x104xi32, #tpu.memory_space<hbm>> -> memref<100x104xi32, #tpu.memory_space<hbm>>
      tpu.wait_dma2 semaphore(%run_scoped3A : memref<!tpu.dma_semaphore, #tpu.memory_space<semaphore_mem>>) src(%dma_wait3A_22 : memref<100x104xi32, #tpu.memory_space<hbm>>) dst(%arg7 : memref<100x104xi32, #tpu.memory_space<vmem>>)
      tpu.yield
    }) : () -> ()
    "tpu.region"() ({
      %run_scoped3A = tpu.sem_alloc : memref<!tpu.dma_semaphore, #tpu.memory_space<semaphore_mem>>
      %dma_start3A = arith.constant 0 : i32
      %dma_start3A_9 = arith.constant 0 : i32
      %dma_start3A_10 = tpu.memref_slice %arg5[%add3A, %dma_start3A, %dma_start3A_9] : memref<32x100x104xi32, #tpu.memory_space<hbm>> -> memref<1x100x104xi32, #tpu.memory_space<hbm>>
      %dma_start3A_11 = tpu.memref_squeeze %dma_start3A_10 : memref<1x100x104xi32, #tpu.memory_space<hbm>> -> memref<100x104xi32, #tpu.memory_space<hbm>>
      %dma_start3A_12 = arith.constant 0 : i32
      %dma_start3A_13 = arith.constant 0 : i32
      %dma_start3A_14 = tpu.memref_slice %arg5[%add3A, %dma_start3A_12, %dma_start3A_13] : memref<32x100x104xi32, #tpu.memory_space<hbm>> -> memref<1x100x104xi32, #tpu.memory_space<hbm>>
      %dma_start3A_15 = tpu.memref_squeeze %dma_start3A_14 : memref<1x100x104xi32, #tpu.memory_space<hbm>> -> memref<100x104xi32, #tpu.memory_space<hbm>>
      tpu.enqueue_dma source(%dma_start3A_15 : memref<100x104xi32, #tpu.memory_space<hbm>>) target(%arg8 : memref<100x104xi32, #tpu.memory_space<vmem>>) target_semaphore(%run_scoped3A : memref<!tpu.dma_semaphore, #tpu.memory_space<semaphore_mem>>)
      %dma_wait3A = arith.constant 0 : i32
      %dma_wait3A_16 = arith.constant 0 : i32
      %dma_wait3A_17 = tpu.memref_slice %arg5[%add3A, %dma_wait3A, %dma_wait3A_16] : memref<32x100x104xi32, #tpu.memory_space<hbm>> -> memref<1x100x104xi32, #tpu.memory_space<hbm>>
      %dma_wait3A_18 = tpu.memref_squeeze %dma_wait3A_17 : memref<1x100x104xi32, #tpu.memory_space<hbm>> -> memref<100x104xi32, #tpu.memory_space<hbm>>
      %dma_wait3A_19 = arith.constant 0 : i32
      %dma_wait3A_20 = arith.constant 0 : i32
      %dma_wait3A_21 = tpu.memref_slice %arg5[%add3A, %dma_wait3A_19, %dma_wait3A_20] : memref<32x100x104xi32, #tpu.memory_space<hbm>> -> memref<1x100x104xi32, #tpu.memory_space<hbm>>
      %dma_wait3A_22 = tpu.memref_squeeze %dma_wait3A_21 : memref<1x100x104xi32, #tpu.memory_space<hbm>> -> memref<100x104xi32, #tpu.memory_space<hbm>>
      tpu.wait_dma2 semaphore(%run_scoped3A : memref<!tpu.dma_semaphore, #tpu.memory_space<semaphore_mem>>) src(%dma_wait3A_22 : memref<100x104xi32, #tpu.memory_space<hbm>>) dst(%arg8 : memref<100x104xi32, #tpu.memory_space<vmem>>)
      tpu.yield
    }) : () -> ()
    %barrier3A = arith.constant 0 : index
    tpu.barrier barrier_id(%barrier3A)
    %scan3A = arith.constant 0 : i32
    %scan3A_3 = arith.constant 0 : i32
    %scan3A_4 = arith.constant 25 : i32
    %scan3A_5 = arith.addi %scan3A_3, %scan3A_4 : i32
    %scan3A_6 = arith.constant 1 : i32
    scf.for %scan3A_9 = %scan3A_3 to %scan3A_5 step %scan3A_6  : i32 {
      %mul3A_10 = arith.constant 4 : i32
      %mul3A_11 = arith.muli %scan3A_9, %mul3A_10 : i32
      %add3A_12 = arith.constant 0 : i32
      %add3A_13 = arith.addi %mul3A_11, %add3A_12 : i32
      %dma_start3A = arith.constant 0 : i32
      %dma_start3A_14 = arith.constant 0 : i32
      %dma_start3A_15 = arith.constant 0 : i32
      %dma_start3A_16 = tpu.memref_slice %arg9[%dma_start3A, %dma_start3A_14, %dma_start3A_15] : memref<4x104x64xf32, #tpu.memory_space<vmem>> -> memref<1x104x64xf32, #tpu.memory_space<vmem>>
      %dma_start3A_17 = tpu.memref_squeeze %dma_start3A_16 : memref<1x104x64xf32, #tpu.memory_space<vmem>> -> memref<104x64xf32, #tpu.memory_space<vmem>>
      %dma_start3A_18 = arith.constant 0 : i32
      %dma_start3A_19 = tpu.memref_slice %arg7[%add3A_13, %dma_start3A_18] : memref<100x104xi32, #tpu.memory_space<vmem>> -> memref<1x104xi32, #tpu.memory_space<vmem>>
      %dma_start3A_20 = tpu.memref_squeeze %dma_start3A_19 : memref<1x104xi32, #tpu.memory_space<vmem>> -> memref<104xi32, #tpu.memory_space<vmem>>
      %dma_start3A_21 = arith.constant 0 : i32
      %dma_start3A_22 = arith.constant 0 : i32
      %dma_start3A_23 = tpu.memref_slice %arg10[%dma_start3A_21, %dma_start3A_22] : memref<10240x64xf32, #tpu.memory_space<vmem_shared>> -> memref<10240x64xf32, #tpu.memory_space<vmem_shared>>
      tpu.enqueue_indirect_dma source(%dma_start3A_23 : memref<10240x64xf32, #tpu.memory_space<vmem_shared>>) target(%dma_start3A_17 : memref<104x64xf32, #tpu.memory_space<vmem>>) offsets(%dma_start3A_20 : memref<104xi32, #tpu.memory_space<vmem>>) semaphore(%arg12 : memref<!tpu.dma_semaphore, #tpu.memory_space<semaphore_mem>>)
      %add3A_24 = arith.constant 1 : i32
      %add3A_25 = arith.addi %mul3A_11, %add3A_24 : i32
      %dma_start3A_26 = arith.constant 1 : i32
      %dma_start3A_27 = arith.constant 0 : i32
      %dma_start3A_28 = arith.constant 0 : i32
      %dma_start3A_29 = tpu.memref_slice %arg9[%dma_start3A_26, %dma_start3A_27, %dma_start3A_28] : memref<4x104x64xf32, #tpu.memory_space<vmem>> -> memref<1x104x64xf32, #tpu.memory_space<vmem>>
      %dma_start3A_30 = tpu.memref_squeeze %dma_start3A_29 : memref<1x104x64xf32, #tpu.memory_space<vmem>> -> memref<104x64xf32, #tpu.memory_space<vmem>>
      %dma_start3A_31 = arith.constant 0 : i32
      %dma_start3A_32 = tpu.memref_slice %arg7[%add3A_25, %dma_start3A_31] : memref<100x104xi32, #tpu.memory_space<vmem>> -> memref<1x104xi32, #tpu.memory_space<vmem>>
      %dma_start3A_33 = tpu.memref_squeeze %dma_start3A_32 : memref<1x104xi32, #tpu.memory_space<vmem>> -> memref<104xi32, #tpu.memory_space<vmem>>
      %dma_start3A_34 = arith.constant 0 : i32
      %dma_start3A_35 = arith.constant 0 : i32
      %dma_start3A_36 = tpu.memref_slice %arg10[%dma_start3A_34, %dma_start3A_35] : memref<10240x64xf32, #tpu.memory_space<vmem_shared>> -> memref<10240x64xf32, #tpu.memory_space<vmem_shared>>
      tpu.enqueue_indirect_dma source(%dma_start3A_36 : memref<10240x64xf32, #tpu.memory_space<vmem_shared>>) target(%dma_start3A_30 : memref<104x64xf32, #tpu.memory_space<vmem>>) offsets(%dma_start3A_33 : memref<104xi32, #tpu.memory_space<vmem>>) semaphore(%arg12 : memref<!tpu.dma_semaphore, #tpu.memory_space<semaphore_mem>>)
      %add3A_37 = arith.constant 2 : i32
      %add3A_38 = arith.addi %mul3A_11, %add3A_37 : i32
      %dma_start3A_39 = arith.constant 2 : i32
      %dma_start3A_40 = arith.constant 0 : i32
      %dma_start3A_41 = arith.constant 0 : i32
      %dma_start3A_42 = tpu.memref_slice %arg9[%dma_start3A_39, %dma_start3A_40, %dma_start3A_41] : memref<4x104x64xf32, #tpu.memory_space<vmem>> -> memref<1x104x64xf32, #tpu.memory_space<vmem>>
      %dma_start3A_43 = tpu.memref_squeeze %dma_start3A_42 : memref<1x104x64xf32, #tpu.memory_space<vmem>> -> memref<104x64xf32, #tpu.memory_space<vmem>>
      %dma_start3A_44 = arith.constant 0 : i32
      %dma_start3A_45 = tpu.memref_slice %arg7[%add3A_38, %dma_start3A_44] : memref<100x104xi32, #tpu.memory_space<vmem>> -> memref<1x104xi32, #tpu.memory_space<vmem>>
      %dma_start3A_46 = tpu.memref_squeeze %dma_start3A_45 : memref<1x104xi32, #tpu.memory_space<vmem>> -> memref<104xi32, #tpu.memory_space<vmem>>
      %dma_start3A_47 = arith.constant 0 : i32
      %dma_start3A_48 = arith.constant 0 : i32
      %dma_start3A_49 = tpu.memref_slice %arg10[%dma_start3A_47, %dma_start3A_48] : memref<10240x64xf32, #tpu.memory_space<vmem_shared>> -> memref<10240x64xf32, #tpu.memory_space<vmem_shared>>
      tpu.enqueue_indirect_dma source(%dma_start3A_49 : memref<10240x64xf32, #tpu.memory_space<vmem_shared>>) target(%dma_start3A_43 : memref<104x64xf32, #tpu.memory_space<vmem>>) offsets(%dma_start3A_46 : memref<104xi32, #tpu.memory_space<vmem>>) semaphore(%arg12 : memref<!tpu.dma_semaphore, #tpu.memory_space<semaphore_mem>>)
      %add3A_50 = arith.constant 3 : i32
      %add3A_51 = arith.addi %mul3A_11, %add3A_50 : i32
      %dma_start3A_52 = arith.constant 3 : i32
      %dma_start3A_53 = arith.constant 0 : i32
      %dma_start3A_54 = arith.constant 0 : i32
      %dma_start3A_55 = tpu.memref_slice %arg9[%dma_start3A_52, %dma_start3A_53, %dma_start3A_54] : memref<4x104x64xf32, #tpu.memory_space<vmem>> -> memref<1x104x64xf32, #tpu.memory_space<vmem>>
      %dma_start3A_56 = tpu.memref_squeeze %dma_start3A_55 : memref<1x104x64xf32, #tpu.memory_space<vmem>> -> memref<104x64xf32, #tpu.memory_space<vmem>>
      %dma_start3A_57 = arith.constant 0 : i32
      %dma_start3A_58 = tpu.memref_slice %arg7[%add3A_51, %dma_start3A_57] : memref<100x104xi32, #tpu.memory_space<vmem>> -> memref<1x104xi32, #tpu.memory_space<vmem>>
      %dma_start3A_59 = tpu.memref_squeeze %dma_start3A_58 : memref<1x104xi32, #tpu.memory_space<vmem>> -> memref<104xi32, #tpu.memory_space<vmem>>
      %dma_start3A_60 = arith.constant 0 : i32
      %dma_start3A_61 = arith.constant 0 : i32
      %dma_start3A_62 = tpu.memref_slice %arg10[%dma_start3A_60, %dma_start3A_61] : memref<10240x64xf32, #tpu.memory_space<vmem_shared>> -> memref<10240x64xf32, #tpu.memory_space<vmem_shared>>
      tpu.enqueue_indirect_dma source(%dma_start3A_62 : memref<10240x64xf32, #tpu.memory_space<vmem_shared>>) target(%dma_start3A_56 : memref<104x64xf32, #tpu.memory_space<vmem>>) offsets(%dma_start3A_59 : memref<104xi32, #tpu.memory_space<vmem>>) semaphore(%arg12 : memref<!tpu.dma_semaphore, #tpu.memory_space<semaphore_mem>>)
      %dma_wait3A = arith.constant 0 : i32
      %dma_wait3A_63 = arith.constant 0 : i32
      %dma_wait3A_64 = arith.constant 0 : i32
      %dma_wait3A_65 = tpu.memref_slice %arg9[%dma_wait3A, %dma_wait3A_63, %dma_wait3A_64] : memref<4x104x64xf32, #tpu.memory_space<vmem>> -> memref<1x104x64xf32, #tpu.memory_space<vmem>>
      %dma_wait3A_66 = tpu.memref_squeeze %dma_wait3A_65 : memref<1x104x64xf32, #tpu.memory_space<vmem>> -> memref<104x64xf32, #tpu.memory_space<vmem>>
      %dma_wait3A_67 = arith.constant 0 : i32
      %dma_wait3A_68 = tpu.memref_slice %arg7[%add3A_13, %dma_wait3A_67] : memref<100x104xi32, #tpu.memory_space<vmem>> -> memref<1x104xi32, #tpu.memory_space<vmem>>
      %dma_wait3A_69 = tpu.memref_squeeze %dma_wait3A_68 : memref<1x104xi32, #tpu.memory_space<vmem>> -> memref<104xi32, #tpu.memory_space<vmem>>
      %dma_wait3A_70 = arith.constant 0 : i32
      %dma_wait3A_71 = arith.constant 0 : i32
      %dma_wait3A_72 = tpu.memref_slice %arg10[%dma_wait3A_70, %dma_wait3A_71] : memref<10240x64xf32, #tpu.memory_space<vmem_shared>> -> memref<10240x64xf32, #tpu.memory_space<vmem_shared>>
      tpu.wait_indirect_dma semaphore(%arg12 : memref<!tpu.dma_semaphore, #tpu.memory_space<semaphore_mem>>) src(%dma_wait3A_72 : memref<10240x64xf32, #tpu.memory_space<vmem_shared>>) dst(%dma_wait3A_66 : memref<104x64xf32, #tpu.memory_space<vmem>>)
      %add3A_73 = arith.constant 0 : i32
      %add3A_74 = arith.addi %mul3A_11, %add3A_73 : i32
      %dma_start3A_75 = arith.constant 0 : i32
      %dma_start3A_76 = arith.constant 0 : i32
      %dma_start3A_77 = arith.constant 0 : i32
      %dma_start3A_78 = tpu.memref_slice %arg9[%dma_start3A_75, %dma_start3A_76, %dma_start3A_77] : memref<4x104x64xf32, #tpu.memory_space<vmem>> -> memref<1x104x64xf32, #tpu.memory_space<vmem>>
      %dma_start3A_79 = tpu.memref_squeeze %dma_start3A_78 : memref<1x104x64xf32, #tpu.memory_space<vmem>> -> memref<104x64xf32, #tpu.memory_space<vmem>>
      %dma_start3A_80 = arith.constant 0 : i32
      %dma_start3A_81 = tpu.memref_slice %arg8[%add3A_74, %dma_start3A_80] : memref<100x104xi32, #tpu.memory_space<vmem>> -> memref<1x104xi32, #tpu.memory_space<vmem>>
      %dma_start3A_82 = tpu.memref_squeeze %dma_start3A_81 : memref<1x104xi32, #tpu.memory_space<vmem>> -> memref<104xi32, #tpu.memory_space<vmem>>
      %dma_start3A_83 = arith.constant 0 : i32
      %dma_start3A_84 = arith.constant 0 : i32
      %dma_start3A_85 = tpu.memref_slice %arg11[%dma_start3A_83, %dma_start3A_84] : memref<10240x64xf32, #tpu.memory_space<vmem_shared>> -> memref<10240x64xf32, #tpu.memory_space<vmem_shared>>
      tpu.enqueue_indirect_dma source(%dma_start3A_79 : memref<104x64xf32, #tpu.memory_space<vmem>>) target(%dma_start3A_85 : memref<10240x64xf32, #tpu.memory_space<vmem_shared>>) offsets(%dma_start3A_82 : memref<104xi32, #tpu.memory_space<vmem>>) semaphore(%arg13 : memref<!tpu.dma_semaphore, #tpu.memory_space<semaphore_mem>>) {add = true}
      %dma_wait3A_86 = arith.constant 1 : i32
      %dma_wait3A_87 = arith.constant 0 : i32
      %dma_wait3A_88 = arith.constant 0 : i32
      %dma_wait3A_89 = tpu.memref_slice %arg9[%dma_wait3A_86, %dma_wait3A_87, %dma_wait3A_88] : memref<4x104x64xf32, #tpu.memory_space<vmem>> -> memref<1x104x64xf32, #tpu.memory_space<vmem>>
      %dma_wait3A_90 = tpu.memref_squeeze %dma_wait3A_89 : memref<1x104x64xf32, #tpu.memory_space<vmem>> -> memref<104x64xf32, #tpu.memory_space<vmem>>
      %dma_wait3A_91 = arith.constant 0 : i32
      %dma_wait3A_92 = tpu.memref_slice %arg7[%add3A_25, %dma_wait3A_91] : memref<100x104xi32, #tpu.memory_space<vmem>> -> memref<1x104xi32, #tpu.memory_space<vmem>>
      %dma_wait3A_93 = tpu.memref_squeeze %dma_wait3A_92 : memref<1x104xi32, #tpu.memory_space<vmem>> -> memref<104xi32, #tpu.memory_space<vmem>>
      %dma_wait3A_94 = arith.constant 0 : i32
      %dma_wait3A_95 = arith.constant 0 : i32
      %dma_wait3A_96 = tpu.memref_slice %arg10[%dma_wait3A_94, %dma_wait3A_95] : memref<10240x64xf32, #tpu.memory_space<vmem_shared>> -> memref<10240x64xf32, #tpu.memory_space<vmem_shared>>
      tpu.wait_indirect_dma semaphore(%arg12 : memref<!tpu.dma_semaphore, #tpu.memory_space<semaphore_mem>>) src(%dma_wait3A_96 : memref<10240x64xf32, #tpu.memory_space<vmem_shared>>) dst(%dma_wait3A_90 : memref<104x64xf32, #tpu.memory_space<vmem>>)
      %add3A_97 = arith.constant 1 : i32
      %add3A_98 = arith.addi %mul3A_11, %add3A_97 : i32
      %dma_start3A_99 = arith.constant 1 : i32
      %dma_start3A_100 = arith.constant 0 : i32
      %dma_start3A_101 = arith.constant 0 : i32
      %dma_start3A_102 = tpu.memref_slice %arg9[%dma_start3A_99, %dma_start3A_100, %dma_start3A_101] : memref<4x104x64xf32, #tpu.memory_space<vmem>> -> memref<1x104x64xf32, #tpu.memory_space<vmem>>
      %dma_start3A_103 = tpu.memref_squeeze %dma_start3A_102 : memref<1x104x64xf32, #tpu.memory_space<vmem>> -> memref<104x64xf32, #tpu.memory_space<vmem>>
      %dma_start3A_104 = arith.constant 0 : i32
      %dma_start3A_105 = tpu.memref_slice %arg8[%add3A_98, %dma_start3A_104] : memref<100x104xi32, #tpu.memory_space<vmem>> -> memref<1x104xi32, #tpu.memory_space<vmem>>
      %dma_start3A_106 = tpu.memref_squeeze %dma_start3A_105 : memref<1x104xi32, #tpu.memory_space<vmem>> -> memref<104xi32, #tpu.memory_space<vmem>>
      %dma_start3A_107 = arith.constant 0 : i32
      %dma_start3A_108 = arith.constant 0 : i32
      %dma_start3A_109 = tpu.memref_slice %arg11[%dma_start3A_107, %dma_start3A_108] : memref<10240x64xf32, #tpu.memory_space<vmem_shared>> -> memref<10240x64xf32, #tpu.memory_space<vmem_shared>>
      tpu.enqueue_indirect_dma source(%dma_start3A_103 : memref<104x64xf32, #tpu.memory_space<vmem>>) target(%dma_start3A_109 : memref<10240x64xf32, #tpu.memory_space<vmem_shared>>) offsets(%dma_start3A_106 : memref<104xi32, #tpu.memory_space<vmem>>) semaphore(%arg13 : memref<!tpu.dma_semaphore, #tpu.memory_space<semaphore_mem>>) {add = true}
      %dma_wait3A_110 = arith.constant 2 : i32
      %dma_wait3A_111 = arith.constant 0 : i32
      %dma_wait3A_112 = arith.constant 0 : i32
      %dma_wait3A_113 = tpu.memref_slice %arg9[%dma_wait3A_110, %dma_wait3A_111, %dma_wait3A_112] : memref<4x104x64xf32, #tpu.memory_space<vmem>> -> memref<1x104x64xf32, #tpu.memory_space<vmem>>
      %dma_wait3A_114 = tpu.memref_squeeze %dma_wait3A_113 : memref<1x104x64xf32, #tpu.memory_space<vmem>> -> memref<104x64xf32, #tpu.memory_space<vmem>>
      %dma_wait3A_115 = arith.constant 0 : i32
      %dma_wait3A_116 = tpu.memref_slice %arg7[%add3A_38, %dma_wait3A_115] : memref<100x104xi32, #tpu.memory_space<vmem>> -> memref<1x104xi32, #tpu.memory_space<vmem>>
      %dma_wait3A_117 = tpu.memref_squeeze %dma_wait3A_116 : memref<1x104xi32, #tpu.memory_space<vmem>> -> memref<104xi32, #tpu.memory_space<vmem>>
      %dma_wait3A_118 = arith.constant 0 : i32
      %dma_wait3A_119 = arith.constant 0 : i32
      %dma_wait3A_120 = tpu.memref_slice %arg10[%dma_wait3A_118, %dma_wait3A_119] : memref<10240x64xf32, #tpu.memory_space<vmem_shared>> -> memref<10240x64xf32, #tpu.memory_space<vmem_shared>>
      tpu.wait_indirect_dma semaphore(%arg12 : memref<!tpu.dma_semaphore, #tpu.memory_space<semaphore_mem>>) src(%dma_wait3A_120 : memref<10240x64xf32, #tpu.memory_space<vmem_shared>>) dst(%dma_wait3A_114 : memref<104x64xf32, #tpu.memory_space<vmem>>)
      %add3A_121 = arith.constant 2 : i32
      %add3A_122 = arith.addi %mul3A_11, %add3A_121 : i32
      %dma_start3A_123 = arith.constant 2 : i32
      %dma_start3A_124 = arith.constant 0 : i32
      %dma_start3A_125 = arith.constant 0 : i32
      %dma_start3A_126 = tpu.memref_slice %arg9[%dma_start3A_123, %dma_start3A_124, %dma_start3A_125] : memref<4x104x64xf32, #tpu.memory_space<vmem>> -> memref<1x104x64xf32, #tpu.memory_space<vmem>>
      %dma_start3A_127 = tpu.memref_squeeze %dma_start3A_126 : memref<1x104x64xf32, #tpu.memory_space<vmem>> -> memref<104x64xf32, #tpu.memory_space<vmem>>
      %dma_start3A_128 = arith.constant 0 : i32
      %dma_start3A_129 = tpu.memref_slice %arg8[%add3A_122, %dma_start3A_128] : memref<100x104xi32, #tpu.memory_space<vmem>> -> memref<1x104xi32, #tpu.memory_space<vmem>>
      %dma_start3A_130 = tpu.memref_squeeze %dma_start3A_129 : memref<1x104xi32, #tpu.memory_space<vmem>> -> memref<104xi32, #tpu.memory_space<vmem>>
      %dma_start3A_131 = arith.constant 0 : i32
      %dma_start3A_132 = arith.constant 0 : i32
      %dma_start3A_133 = tpu.memref_slice %arg11[%dma_start3A_131, %dma_start3A_132] : memref<10240x64xf32, #tpu.memory_space<vmem_shared>> -> memref<10240x64xf32, #tpu.memory_space<vmem_shared>>
      tpu.enqueue_indirect_dma source(%dma_start3A_127 : memref<104x64xf32, #tpu.memory_space<vmem>>) target(%dma_start3A_133 : memref<10240x64xf32, #tpu.memory_space<vmem_shared>>) offsets(%dma_start3A_130 : memref<104xi32, #tpu.memory_space<vmem>>) semaphore(%arg13 : memref<!tpu.dma_semaphore, #tpu.memory_space<semaphore_mem>>) {add = true}
      %dma_wait3A_134 = arith.constant 3 : i32
      %dma_wait3A_135 = arith.constant 0 : i32
      %dma_wait3A_136 = arith.constant 0 : i32
      %dma_wait3A_137 = tpu.memref_slice %arg9[%dma_wait3A_134, %dma_wait3A_135, %dma_wait3A_136] : memref<4x104x64xf32, #tpu.memory_space<vmem>> -> memref<1x104x64xf32, #tpu.memory_space<vmem>>
      %dma_wait3A_138 = tpu.memref_squeeze %dma_wait3A_137 : memref<1x104x64xf32, #tpu.memory_space<vmem>> -> memref<104x64xf32, #tpu.memory_space<vmem>>
      %dma_wait3A_139 = arith.constant 0 : i32
      %dma_wait3A_140 = tpu.memref_slice %arg7[%add3A_51, %dma_wait3A_139] : memref<100x104xi32, #tpu.memory_space<vmem>> -> memref<1x104xi32, #tpu.memory_space<vmem>>
      %dma_wait3A_141 = tpu.memref_squeeze %dma_wait3A_140 : memref<1x104xi32, #tpu.memory_space<vmem>> -> memref<104xi32, #tpu.memory_space<vmem>>
      %dma_wait3A_142 = arith.constant 0 : i32
      %dma_wait3A_143 = arith.constant 0 : i32
      %dma_wait3A_144 = tpu.memref_slice %arg10[%dma_wait3A_142, %dma_wait3A_143] : memref<10240x64xf32, #tpu.memory_space<vmem_shared>> -> memref<10240x64xf32, #tpu.memory_space<vmem_shared>>
      tpu.wait_indirect_dma semaphore(%arg12 : memref<!tpu.dma_semaphore, #tpu.memory_space<semaphore_mem>>) src(%dma_wait3A_144 : memref<10240x64xf32, #tpu.memory_space<vmem_shared>>) dst(%dma_wait3A_138 : memref<104x64xf32, #tpu.memory_space<vmem>>)
      %add3A_145 = arith.constant 3 : i32
      %add3A_146 = arith.addi %mul3A_11, %add3A_145 : i32
      %dma_start3A_147 = arith.constant 3 : i32
      %dma_start3A_148 = arith.constant 0 : i32
      %dma_start3A_149 = arith.constant 0 : i32
      %dma_start3A_150 = tpu.memref_slice %arg9[%dma_start3A_147, %dma_start3A_148, %dma_start3A_149] : memref<4x104x64xf32, #tpu.memory_space<vmem>> -> memref<1x104x64xf32, #tpu.memory_space<vmem>>
      %dma_start3A_151 = tpu.memref_squeeze %dma_start3A_150 : memref<1x104x64xf32, #tpu.memory_space<vmem>> -> memref<104x64xf32, #tpu.memory_space<vmem>>
      %dma_start3A_152 = arith.constant 0 : i32
      %dma_start3A_153 = tpu.memref_slice %arg8[%add3A_146, %dma_start3A_152] : memref<100x104xi32, #tpu.memory_space<vmem>> -> memref<1x104xi32, #tpu.memory_space<vmem>>
      %dma_start3A_154 = tpu.memref_squeeze %dma_start3A_153 : memref<1x104xi32, #tpu.memory_space<vmem>> -> memref<104xi32, #tpu.memory_space<vmem>>
      %dma_start3A_155 = arith.constant 0 : i32
      %dma_start3A_156 = arith.constant 0 : i32
      %dma_start3A_157 = tpu.memref_slice %arg11[%dma_start3A_155, %dma_start3A_156] : memref<10240x64xf32, #tpu.memory_space<vmem_shared>> -> memref<10240x64xf32, #tpu.memory_space<vmem_shared>>
      tpu.enqueue_indirect_dma source(%dma_start3A_151 : memref<104x64xf32, #tpu.memory_space<vmem>>) target(%dma_start3A_157 : memref<10240x64xf32, #tpu.memory_space<vmem_shared>>) offsets(%dma_start3A_154 : memref<104xi32, #tpu.memory_space<vmem>>) semaphore(%arg13 : memref<!tpu.dma_semaphore, #tpu.memory_space<semaphore_mem>>) {add = true}
      %dma_wait3A_158 = arith.constant 0 : i32
      %dma_wait3A_159 = arith.constant 0 : i32
      %dma_wait3A_160 = arith.constant 0 : i32
      %dma_wait3A_161 = tpu.memref_slice %arg9[%dma_wait3A_158, %dma_wait3A_159, %dma_wait3A_160] : memref<4x104x64xf32, #tpu.memory_space<vmem>> -> memref<1x104x64xf32, #tpu.memory_space<vmem>>
      %dma_wait3A_162 = tpu.memref_squeeze %dma_wait3A_161 : memref<1x104x64xf32, #tpu.memory_space<vmem>> -> memref<104x64xf32, #tpu.memory_space<vmem>>
      %dma_wait3A_163 = arith.constant 0 : i32
      %dma_wait3A_164 = tpu.memref_slice %arg8[%add3A_74, %dma_wait3A_163] : memref<100x104xi32, #tpu.memory_space<vmem>> -> memref<1x104xi32, #tpu.memory_space<vmem>>
      %dma_wait3A_165 = tpu.memref_squeeze %dma_wait3A_164 : memref<1x104xi32, #tpu.memory_space<vmem>> -> memref<104xi32, #tpu.memory_space<vmem>>
      %dma_wait3A_166 = arith.constant 0 : i32
      %dma_wait3A_167 = arith.constant 0 : i32
      %dma_wait3A_168 = tpu.memref_slice %arg11[%dma_wait3A_166, %dma_wait3A_167] : memref<10240x64xf32, #tpu.memory_space<vmem_shared>> -> memref<10240x64xf32, #tpu.memory_space<vmem_shared>>
      tpu.wait_indirect_dma semaphore(%arg13 : memref<!tpu.dma_semaphore, #tpu.memory_space<semaphore_mem>>) src(%dma_wait3A_162 : memref<104x64xf32, #tpu.memory_space<vmem>>) dst(%dma_wait3A_168 : memref<10240x64xf32, #tpu.memory_space<vmem_shared>>)
      %dma_wait3A_169 = arith.constant 1 : i32
      %dma_wait3A_170 = arith.constant 0 : i32
      %dma_wait3A_171 = arith.constant 0 : i32
      %dma_wait3A_172 = tpu.memref_slice %arg9[%dma_wait3A_169, %dma_wait3A_170, %dma_wait3A_171] : memref<4x104x64xf32, #tpu.memory_space<vmem>> -> memref<1x104x64xf32, #tpu.memory_space<vmem>>
      %dma_wait3A_173 = tpu.memref_squeeze %dma_wait3A_172 : memref<1x104x64xf32, #tpu.memory_space<vmem>> -> memref<104x64xf32, #tpu.memory_space<vmem>>
      %dma_wait3A_174 = arith.constant 0 : i32
      %dma_wait3A_175 = tpu.memref_slice %arg8[%add3A_98, %dma_wait3A_174] : memref<100x104xi32, #tpu.memory_space<vmem>> -> memref<1x104xi32, #tpu.memory_space<vmem>>
      %dma_wait3A_176 = tpu.memref_squeeze %dma_wait3A_175 : memref<1x104xi32, #tpu.memory_space<vmem>> -> memref<104xi32, #tpu.memory_space<vmem>>
      %dma_wait3A_177 = arith.constant 0 : i32
      %dma_wait3A_178 = arith.constant 0 : i32
      %dma_wait3A_179 = tpu.memref_slice %arg11[%dma_wait3A_177, %dma_wait3A_178] : memref<10240x64xf32, #tpu.memory_space<vmem_shared>> -> memref<10240x64xf32, #tpu.memory_space<vmem_shared>>
      tpu.wait_indirect_dma semaphore(%arg13 : memref<!tpu.dma_semaphore, #tpu.memory_space<semaphore_mem>>) src(%dma_wait3A_173 : memref<104x64xf32, #tpu.memory_space<vmem>>) dst(%dma_wait3A_179 : memref<10240x64xf32, #tpu.memory_space<vmem_shared>>)
      %dma_wait3A_180 = arith.constant 2 : i32
      %dma_wait3A_181 = arith.constant 0 : i32
      %dma_wait3A_182 = arith.constant 0 : i32
      %dma_wait3A_183 = tpu.memref_slice %arg9[%dma_wait3A_180, %dma_wait3A_181, %dma_wait3A_182] : memref<4x104x64xf32, #tpu.memory_space<vmem>> -> memref<1x104x64xf32, #tpu.memory_space<vmem>>
      %dma_wait3A_184 = tpu.memref_squeeze %dma_wait3A_183 : memref<1x104x64xf32, #tpu.memory_space<vmem>> -> memref<104x64xf32, #tpu.memory_space<vmem>>
      %dma_wait3A_185 = arith.constant 0 : i32
      %dma_wait3A_186 = tpu.memref_slice %arg8[%add3A_122, %dma_wait3A_185] : memref<100x104xi32, #tpu.memory_space<vmem>> -> memref<1x104xi32, #tpu.memory_space<vmem>>
      %dma_wait3A_187 = tpu.memref_squeeze %dma_wait3A_186 : memref<1x104xi32, #tpu.memory_space<vmem>> -> memref<104xi32, #tpu.memory_space<vmem>>
      %dma_wait3A_188 = arith.constant 0 : i32
      %dma_wait3A_189 = arith.constant 0 : i32
      %dma_wait3A_190 = tpu.memref_slice %arg11[%dma_wait3A_188, %dma_wait3A_189] : memref<10240x64xf32, #tpu.memory_space<vmem_shared>> -> memref<10240x64xf32, #tpu.memory_space<vmem_shared>>
      tpu.wait_indirect_dma semaphore(%arg13 : memref<!tpu.dma_semaphore, #tpu.memory_space<semaphore_mem>>) src(%dma_wait3A_184 : memref<104x64xf32, #tpu.memory_space<vmem>>) dst(%dma_wait3A_190 : memref<10240x64xf32, #tpu.memory_space<vmem_shared>>)
      %dma_wait3A_191 = arith.constant 3 : i32
      %dma_wait3A_192 = arith.constant 0 : i32
      %dma_wait3A_193 = arith.constant 0 : i32
      %dma_wait3A_194 = tpu.memref_slice %arg9[%dma_wait3A_191, %dma_wait3A_192, %dma_wait3A_193] : memref<4x104x64xf32, #tpu.memory_space<vmem>> -> memref<1x104x64xf32, #tpu.memory_space<vmem>>
      %dma_wait3A_195 = tpu.memref_squeeze %dma_wait3A_194 : memref<1x104x64xf32, #tpu.memory_space<vmem>> -> memref<104x64xf32, #tpu.memory_space<vmem>>
      %dma_wait3A_196 = arith.constant 0 : i32
      %dma_wait3A_197 = tpu.memref_slice %arg8[%add3A_146, %dma_wait3A_196] : memref<100x104xi32, #tpu.memory_space<vmem>> -> memref<1x104xi32, #tpu.memory_space<vmem>>
      %dma_wait3A_198 = tpu.memref_squeeze %dma_wait3A_197 : memref<1x104xi32, #tpu.memory_space<vmem>> -> memref<104xi32, #tpu.memory_space<vmem>>
      %dma_wait3A_199 = arith.constant 0 : i32
      %dma_wait3A_200 = arith.constant 0 : i32
      %dma_wait3A_201 = tpu.memref_slice %arg11[%dma_wait3A_199, %dma_wait3A_200] : memref<10240x64xf32, #tpu.memory_space<vmem_shared>> -> memref<10240x64xf32, #tpu.memory_space<vmem_shared>>
      tpu.wait_indirect_dma semaphore(%arg13 : memref<!tpu.dma_semaphore, #tpu.memory_space<semaphore_mem>>) src(%dma_wait3A_195 : memref<104x64xf32, #tpu.memory_space<vmem>>) dst(%dma_wait3A_201 : memref<10240x64xf32, #tpu.memory_space<vmem_shared>>)
    }
    %scan3A_7 = arith.constant 25 : i32
    %barrier3A_8 = arith.constant 0 : index
    tpu.barrier barrier_id(%barrier3A_8)
    "tpu.region"() ({
      %run_scoped3A = tpu.sem_alloc : memref<!tpu.dma_semaphore, #tpu.memory_space<semaphore_mem>>
      %dma_start3A = arith.constant 0 : i32
      %dma_start3A_9 = tpu.memref_slice %arg6[%arg0, %mul3A_2, %dma_start3A] : memref<2x10240x64xf32, #tpu.memory_space<hbm>> -> memref<1x640x64xf32, #tpu.memory_space<hbm>>
      %dma_start3A_10 = tpu.memref_squeeze %dma_start3A_9 : memref<1x640x64xf32, #tpu.memory_space<hbm>> -> memref<640x64xf32, #tpu.memory_space<hbm>>
      %dma_start3A_11 = arith.constant 0 : i32
      %dma_start3A_12 = tpu.memref_slice %arg11[%mul3A_2, %dma_start3A_11] : memref<10240x64xf32, #tpu.memory_space<vmem_shared>> -> memref<640x64xf32, #tpu.memory_space<vmem_shared>>
      tpu.enqueue_dma source(%dma_start3A_12 : memref<640x64xf32, #tpu.memory_space<vmem_shared>>) target(%dma_start3A_10 : memref<640x64xf32, #tpu.memory_space<hbm>>) target_semaphore(%run_scoped3A : memref<!tpu.dma_semaphore, #tpu.memory_space<semaphore_mem>>)
      %dma_wait3A = arith.constant 0 : i32
      %dma_wait3A_13 = tpu.memref_slice %arg6[%arg0, %mul3A_2, %dma_wait3A] : memref<2x10240x64xf32, #tpu.memory_space<hbm>> -> memref<1x640x64xf32, #tpu.memory_space<hbm>>
      %dma_wait3A_14 = tpu.memref_squeeze %dma_wait3A_13 : memref<1x640x64xf32, #tpu.memory_space<hbm>> -> memref<640x64xf32, #tpu.memory_space<hbm>>
      %dma_wait3A_15 = arith.constant 0 : i32
      %dma_wait3A_16 = tpu.memref_slice %arg11[%mul3A_2, %dma_wait3A_15] : memref<10240x64xf32, #tpu.memory_space<vmem_shared>> -> memref<640x64xf32, #tpu.memory_space<vmem_shared>>
      tpu.wait_dma2 semaphore(%run_scoped3A : memref<!tpu.dma_semaphore, #tpu.memory_space<semaphore_mem>>) src(%dma_wait3A_16 : memref<640x64xf32, #tpu.memory_space<vmem_shared>>) dst(%dma_wait3A_14 : memref<640x64xf32, #tpu.memory_space<hbm>>)
      tpu.yield
    }) : () -> ()
    return
  }
}

module attributes {stable_mosaic.version = 14 : i64} {
  func.func @_tc_first_body(%arg0: i32, %arg1: memref<2x1280x64xf32, #tpu.memory_space<vmem>>, %arg2: memref<1280x128xf32, #tpu.memory_space<vmem>>, %arg3: memref<128x64xf32, #tpu.memory_space<vmem>>, %arg4: memref<1280x64xf32, #tpu.memory_space<vmem>>, %arg5: memref<1280x64xf32, #tpu.memory_space<vmem>>) attributes {dimension_semantics = [#tpu.dimension_semantics<arbitrary>], iteration_bounds = array<i64: 8>, scalar_prefetch = 0 : i64, scratch_operands = 0 : i64, tpu.core_type = #tpu.core_type<tc>, window_params = [{transform_indices = @transform_0, window_bounds = array<i64: 2, 1280, 64>}, {transform_indices = @transform_1, window_bounds = array<i64: 1280, 128>}, {pipeline_mode = #tpu.pipeline_mode<synchronous>, transform_indices = @transform_2, window_bounds = array<i64: 128, 64>}, {transform_indices = @transform_3, window_bounds = array<i64: 1280, 64>}, {transform_indices = @transform_4, window_bounds = array<i64: 1280, 64>}]} {
    %get3A = arith.constant 0 : index
    %get3A_0 = arith.constant 0 : index
    %get3A_1 = arith.constant 0 : index
    %get3A_2 = vector.load %arg1[%get3A, %get3A_0, %get3A_1] : memref<2x1280x64xf32, #tpu.memory_space<vmem>>, vector<1x1280x64xf32>
    %get3A_3 = vector.shape_cast %get3A_2 : vector<1x1280x64xf32> to vector<1280x64xf32>
    %get3A_4 = arith.constant 1 : index
    %get3A_5 = arith.constant 0 : index
    %get3A_6 = arith.constant 0 : index
    %get3A_7 = vector.load %arg1[%get3A_4, %get3A_5, %get3A_6] : memref<2x1280x64xf32, #tpu.memory_space<vmem>>, vector<1x1280x64xf32>
    %get3A_8 = vector.shape_cast %get3A_7 : vector<1x1280x64xf32> to vector<1280x64xf32>
    %add3A = arith.addf %get3A_3, %get3A_8 : vector<1280x64xf32>
    %sub3A = arith.constant 1.000000e+00 : f32
    %sub3A_9 = vector.broadcast %sub3A : f32 to vector<1280x64xf32>
    %sub3A_10 = arith.subf %add3A, %sub3A_9 : vector<1280x64xf32>
    %rsqrt3A = math.rsqrt %sub3A_10 : vector<1280x64xf32>
    %swap3A = arith.constant 0 : index
    %swap3A_11 = arith.constant 0 : index
    %swap3A_12 = vector.load %arg4[%swap3A, %swap3A_11] : memref<1280x64xf32, #tpu.memory_space<vmem>>, vector<1280x64xf32>
    tpu.vector_store %arg4[%swap3A, %swap3A_11], %rsqrt3A {strides = array<i32>} : memref<1280x64xf32, #tpu.memory_space<vmem>>, vector<1280x64xf32>,
    %get3A_13 = arith.constant 0 : index
    %get3A_14 = arith.constant 0 : index
    %get3A_15 = vector.load %arg2[%get3A_13, %get3A_14] : memref<1280x128xf32, #tpu.memory_space<vmem>>, vector<1280x128xf32>
    %get3A_16 = arith.constant 0 : index
    %get3A_17 = arith.constant 0 : index
    %get3A_18 = vector.load %arg3[%get3A_16, %get3A_17] : memref<128x64xf32, #tpu.memory_space<vmem>>, vector<128x64xf32>
    %dot_general3A = arith.constant dense<0.000000e+00> : vector<1280x64xf32>
    %dot_general3A_19 = tpu.matmul %get3A_15, %get3A_18, %dot_general3A {dimension_numbers = #tpu.dot_dimension_numbers<[1], [0], [0], [1], [0, 0, 1, 1], [], []>, transpose_lhs_hint = false} : vector<1280x128xf32>, vector<128x64xf32>, vector<1280x64xf32> -> vector<1280x64xf32>
    %mul3A = arith.mulf %dot_general3A_19, %rsqrt3A : vector<1280x64xf32>
    %swap3A_20 = arith.constant 0 : index
    %swap3A_21 = arith.constant 0 : index
    %swap3A_22 = vector.load %arg5[%swap3A_20, %swap3A_21] : memref<1280x64xf32, #tpu.memory_space<vmem>>, vector<1280x64xf32>
    tpu.vector_store %arg5[%swap3A_20, %swap3A_21], %mul3A {strides = array<i32>} : memref<1280x64xf32, #tpu.memory_space<vmem>>, vector<1280x64xf32>,
    return
  }
  func.func @transform_0(%arg0: i32) -> (i32, i32, i32) {
    %c0_i32 = arith.constant 0 : i32
    %c0_i32_0 = arith.constant 0 : i32
    %c0_i32_1 = arith.constant 0 : i32
    return %c0_i32, %arg0, %c0_i32_0 : i32, i32, i32
  }
  func.func @transform_1(%arg0: i32) -> (i32, i32) {
    %c0_i32 = arith.constant 0 : i32
    %c0_i32_0 = arith.constant 0 : i32
    return %arg0, %c0_i32 : i32, i32
  }
  func.func @transform_2(%arg0: i32) -> (i32, i32) {
    %c0_i32 = arith.constant 0 : i32
    %c0_i32_0 = arith.constant 0 : i32
    %c0_i32_1 = arith.constant 0 : i32
    return %c0_i32, %c0_i32_0 : i32, i32
  }
  func.func @transform_3(%arg0: i32) -> (i32, i32) {
    %c0_i32 = arith.constant 0 : i32
    %c0_i32_0 = arith.constant 0 : i32
    return %arg0, %c0_i32 : i32, i32
  }
  func.func @transform_4(%arg0: i32) -> (i32, i32) {
    %c0_i32 = arith.constant 0 : i32
    %c0_i32_0 = arith.constant 0 : i32
    return %arg0, %c0_i32 : i32, i32
  }
}

module attributes {stable_mosaic.version = 14 : i64} {
  func.func @_tc_mid_body(%arg0: i32, %arg1: memref<2x1280x64xf32, #tpu.memory_space<vmem>>, %arg2: memref<1280x64xf32, #tpu.memory_space<vmem>>, %arg3: memref<1280x64xf32, #tpu.memory_space<vmem>>, %arg4: memref<1x64xf32, #tpu.memory_space<vmem>>, %arg5: memref<1x64xf32, #tpu.memory_space<vmem>>, %arg6: memref<1x64xf32, #tpu.memory_space<vmem>>, %arg7: memref<64x64xf32, #tpu.memory_space<vmem>>, %arg8: memref<1280x64xf32, #tpu.memory_space<vmem>>) attributes {dimension_semantics = [#tpu.dimension_semantics<arbitrary>], iteration_bounds = array<i64: 8>, scalar_prefetch = 0 : i64, scratch_operands = 0 : i64, tpu.core_type = #tpu.core_type<tc>, window_params = [{transform_indices = @transform_0, window_bounds = array<i64: 2, 1280, 64>}, {transform_indices = @transform_1, window_bounds = array<i64: 1280, 64>}, {transform_indices = @transform_2, window_bounds = array<i64: 1280, 64>}, {pipeline_mode = #tpu.pipeline_mode<synchronous>, transform_indices = @transform_3, window_bounds = array<i64: 1, 64>}, {pipeline_mode = #tpu.pipeline_mode<synchronous>, transform_indices = @transform_4, window_bounds = array<i64: 1, 64>}, {pipeline_mode = #tpu.pipeline_mode<synchronous>, transform_indices = @transform_5, window_bounds = array<i64: 1, 64>}, {pipeline_mode = #tpu.pipeline_mode<synchronous>, transform_indices = @transform_6, window_bounds = array<i64: 64, 64>}, {transform_indices = @transform_7, window_bounds = array<i64: 1280, 64>}]} {
    %get3A = arith.constant 0 : index
    %get3A_0 = arith.constant 0 : index
    %get3A_1 = vector.load %arg3[%get3A, %get3A_0] : memref<1280x64xf32, #tpu.memory_space<vmem>>, vector<1280x64xf32>
    %get3A_2 = arith.constant 0 : index
    %get3A_3 = arith.constant 0 : index
    %get3A_4 = arith.constant 0 : index
    %get3A_5 = vector.load %arg1[%get3A_2, %get3A_3, %get3A_4] : memref<2x1280x64xf32, #tpu.memory_space<vmem>>, vector<1x1280x64xf32>
    %get3A_6 = vector.shape_cast %get3A_5 : vector<1x1280x64xf32> to vector<1280x64xf32>
    %get3A_7 = arith.constant 1 : index
    %get3A_8 = arith.constant 0 : index
    %get3A_9 = arith.constant 0 : index
    %get3A_10 = vector.load %arg1[%get3A_7, %get3A_8, %get3A_9] : memref<2x1280x64xf32, #tpu.memory_space<vmem>>, vector<1x1280x64xf32>
    %get3A_11 = vector.shape_cast %get3A_10 : vector<1x1280x64xf32> to vector<1280x64xf32>
    %add3A = arith.addf %get3A_6, %get3A_11 : vector<1280x64xf32>
    %get3A_12 = arith.constant 0 : index
    %get3A_13 = arith.constant 0 : index
    %get3A_14 = vector.load %arg2[%get3A_12, %get3A_13] : memref<1280x64xf32, #tpu.memory_space<vmem>>, vector<1280x64xf32>
    %sub3A = arith.subf %add3A, %get3A_14 : vector<1280x64xf32>
    %mul3A = arith.mulf %get3A_1, %sub3A : vector<1280x64xf32>
    %get3A_15 = arith.constant 0 : index
    %get3A_16 = arith.constant 0 : index
    %get3A_17 = vector.load %arg4[%get3A_15, %get3A_16] : memref<1x64xf32, #tpu.memory_space<vmem>>, vector<1x64xf32>
    %add3A_18 = vector.broadcast %get3A_17 : vector<1x64xf32> to vector<1280x64xf32>
    %add3A_19 = arith.addf %mul3A, %add3A_18 : vector<1280x64xf32>
    %get3A_20 = arith.constant 0 : index
    %get3A_21 = arith.constant 0 : index
    %get3A_22 = vector.load %arg5[%get3A_20, %get3A_21] : memref<1x64xf32, #tpu.memory_space<vmem>>, vector<1x64xf32>
    %mul3A_23 = arith.constant 0.999994993 : f32
    %mul3A_24 = vector.broadcast %mul3A_23 : f32 to vector<1x64xf32>
    %mul3A_25 = arith.mulf %get3A_22, %mul3A_24 : vector<1x64xf32>
    %mul3A_26 = vector.broadcast %mul3A_25 : vector<1x64xf32> to vector<1280x64xf32>
    %mul3A_27 = arith.mulf %mul3A_26, %add3A_19 : vector<1280x64xf32>
    %get3A_28 = arith.constant 0 : index
    %get3A_29 = arith.constant 0 : index
    %get3A_30 = vector.load %arg6[%get3A_28, %get3A_29] : memref<1x64xf32, #tpu.memory_space<vmem>>, vector<1x64xf32>
    %add3A_31 = vector.broadcast %get3A_30 : vector<1x64xf32> to vector<1280x64xf32>
    %add3A_32 = arith.addf %mul3A_27, %add3A_31 : vector<1280x64xf32>
    %max3A = arith.constant 0.000000e+00 : f32
    %max3A_33 = vector.broadcast %max3A : f32 to vector<1280x64xf32>
    %max3A_34 = arith.maximumf %add3A_32, %max3A_33 : vector<1280x64xf32>
    %get3A_35 = arith.constant 0 : index
    %get3A_36 = arith.constant 0 : index
    %get3A_37 = vector.load %arg7[%get3A_35, %get3A_36] : memref<64x64xf32, #tpu.memory_space<vmem>>, vector<64x64xf32>
    %dot_general3A = arith.constant dense<0.000000e+00> : vector<1280x64xf32>
    %dot_general3A_38 = tpu.matmul %max3A_34, %get3A_37, %dot_general3A {dimension_numbers = #tpu.dot_dimension_numbers<[1], [0], [0], [1], [0, 0, 1, 1], [], []>, transpose_lhs_hint = false} : vector<1280x64xf32>, vector<64x64xf32>, vector<1280x64xf32> -> vector<1280x64xf32>
    %mul3A_39 = arith.mulf %dot_general3A_38, %get3A_1 : vector<1280x64xf32>
    %swap3A = arith.constant 0 : index
    %swap3A_40 = arith.constant 0 : index
    %swap3A_41 = vector.load %arg8[%swap3A, %swap3A_40] : memref<1280x64xf32, #tpu.memory_space<vmem>>, vector<1280x64xf32>
    tpu.vector_store %arg8[%swap3A, %swap3A_40], %mul3A_39 {strides = array<i32>} : memref<1280x64xf32, #tpu.memory_space<vmem>>, vector<1280x64xf32>,
    return
  }
  func.func @transform_0(%arg0: i32) -> (i32, i32, i32) {
    %c0_i32 = arith.constant 0 : i32
    %c0_i32_0 = arith.constant 0 : i32
    %c0_i32_1 = arith.constant 0 : i32
    return %c0_i32, %arg0, %c0_i32_0 : i32, i32, i32
  }
  func.func @transform_1(%arg0: i32) -> (i32, i32) {
    %c0_i32 = arith.constant 0 : i32
    %c0_i32_0 = arith.constant 0 : i32
    return %arg0, %c0_i32 : i32, i32
  }
  func.func @transform_2(%arg0: i32) -> (i32, i32) {
    %c0_i32 = arith.constant 0 : i32
    %c0_i32_0 = arith.constant 0 : i32
    return %arg0, %c0_i32 : i32, i32
  }
  func.func @transform_3(%arg0: i32) -> (i32, i32) {
    %c0_i32 = arith.constant 0 : i32
    %c0_i32_0 = arith.constant 0 : i32
    %c0_i32_1 = arith.constant 0 : i32
    return %c0_i32, %c0_i32_0 : i32, i32
  }
  func.func @transform_4(%arg0: i32) -> (i32, i32) {
    %c0_i32 = arith.constant 0 : i32
    %c0_i32_0 = arith.constant 0 : i32
    %c0_i32_1 = arith.constant 0 : i32
    return %c0_i32, %c0_i32_0 : i32, i32
  }
  func.func @transform_5(%arg0: i32) -> (i32, i32) {
    %c0_i32 = arith.constant 0 : i32
    %c0_i32_0 = arith.constant 0 : i32
    %c0_i32_1 = arith.constant 0 : i32
    return %c0_i32, %c0_i32_0 : i32, i32
  }
  func.func @transform_6(%arg0: i32) -> (i32, i32) {
    %c0_i32 = arith.constant 0 : i32
    %c0_i32_0 = arith.constant 0 : i32
    %c0_i32_1 = arith.constant 0 : i32
    return %c0_i32, %c0_i32_0 : i32, i32
  }
  func.func @transform_7(%arg0: i32) -> (i32, i32) {
    %c0_i32 = arith.constant 0 : i32
    %c0_i32_0 = arith.constant 0 : i32
    return %arg0, %c0_i32 : i32, i32
  }
}

module attributes {stable_mosaic.version = 14 : i64} {
  func.func @_tc_last_body(%arg0: i32, %arg1: memref<2x1280x64xf32, #tpu.memory_space<vmem>>, %arg2: memref<1280x64xf32, #tpu.memory_space<vmem>>, %arg3: memref<1280x64xf32, #tpu.memory_space<vmem>>, %arg4: memref<1x64xf32, #tpu.memory_space<vmem>>, %arg5: memref<1x64xf32, #tpu.memory_space<vmem>>, %arg6: memref<1x64xf32, #tpu.memory_space<vmem>>, %arg7: memref<64x128xf32, #tpu.memory_space<vmem>>, %arg8: memref<1x128xf32, #tpu.memory_space<vmem>>, %arg9: memref<1280x128xf32, #tpu.memory_space<vmem>>) attributes {dimension_semantics = [#tpu.dimension_semantics<arbitrary>], iteration_bounds = array<i64: 8>, scalar_prefetch = 0 : i64, scratch_operands = 0 : i64, tpu.core_type = #tpu.core_type<tc>, window_params = [{transform_indices = @transform_0, window_bounds = array<i64: 2, 1280, 64>}, {transform_indices = @transform_1, window_bounds = array<i64: 1280, 64>}, {transform_indices = @transform_2, window_bounds = array<i64: 1280, 64>}, {pipeline_mode = #tpu.pipeline_mode<synchronous>, transform_indices = @transform_3, window_bounds = array<i64: 1, 64>}, {pipeline_mode = #tpu.pipeline_mode<synchronous>, transform_indices = @transform_4, window_bounds = array<i64: 1, 64>}, {pipeline_mode = #tpu.pipeline_mode<synchronous>, transform_indices = @transform_5, window_bounds = array<i64: 1, 64>}, {pipeline_mode = #tpu.pipeline_mode<synchronous>, transform_indices = @transform_6, window_bounds = array<i64: 64, 128>}, {pipeline_mode = #tpu.pipeline_mode<synchronous>, transform_indices = @transform_7, window_bounds = array<i64: 1, 128>}, {transform_indices = @transform_8, window_bounds = array<i64: 1280, 128>}]} {
    %get3A = arith.constant 0 : index
    %get3A_0 = arith.constant 0 : index
    %get3A_1 = vector.load %arg3[%get3A, %get3A_0] : memref<1280x64xf32, #tpu.memory_space<vmem>>, vector<1280x64xf32>
    %get3A_2 = arith.constant 0 : index
    %get3A_3 = arith.constant 0 : index
    %get3A_4 = arith.constant 0 : index
    %get3A_5 = vector.load %arg1[%get3A_2, %get3A_3, %get3A_4] : memref<2x1280x64xf32, #tpu.memory_space<vmem>>, vector<1x1280x64xf32>
    %get3A_6 = vector.shape_cast %get3A_5 : vector<1x1280x64xf32> to vector<1280x64xf32>
    %get3A_7 = arith.constant 1 : index
    %get3A_8 = arith.constant 0 : index
    %get3A_9 = arith.constant 0 : index
    %get3A_10 = vector.load %arg1[%get3A_7, %get3A_8, %get3A_9] : memref<2x1280x64xf32, #tpu.memory_space<vmem>>, vector<1x1280x64xf32>
    %get3A_11 = vector.shape_cast %get3A_10 : vector<1x1280x64xf32> to vector<1280x64xf32>
    %add3A = arith.addf %get3A_6, %get3A_11 : vector<1280x64xf32>
    %get3A_12 = arith.constant 0 : index
    %get3A_13 = arith.constant 0 : index
    %get3A_14 = vector.load %arg2[%get3A_12, %get3A_13] : memref<1280x64xf32, #tpu.memory_space<vmem>>, vector<1280x64xf32>
    %sub3A = arith.subf %add3A, %get3A_14 : vector<1280x64xf32>
    %mul3A = arith.mulf %get3A_1, %sub3A : vector<1280x64xf32>
    %get3A_15 = arith.constant 0 : index
    %get3A_16 = arith.constant 0 : index
    %get3A_17 = vector.load %arg4[%get3A_15, %get3A_16] : memref<1x64xf32, #tpu.memory_space<vmem>>, vector<1x64xf32>
    %add3A_18 = vector.broadcast %get3A_17 : vector<1x64xf32> to vector<1280x64xf32>
    %add3A_19 = arith.addf %mul3A, %add3A_18 : vector<1280x64xf32>
    %get3A_20 = arith.constant 0 : index
    %get3A_21 = arith.constant 0 : index
    %get3A_22 = vector.load %arg5[%get3A_20, %get3A_21] : memref<1x64xf32, #tpu.memory_space<vmem>>, vector<1x64xf32>
    %mul3A_23 = arith.constant 0.999994993 : f32
    %mul3A_24 = vector.broadcast %mul3A_23 : f32 to vector<1x64xf32>
    %mul3A_25 = arith.mulf %get3A_22, %mul3A_24 : vector<1x64xf32>
    %mul3A_26 = vector.broadcast %mul3A_25 : vector<1x64xf32> to vector<1280x64xf32>
    %mul3A_27 = arith.mulf %mul3A_26, %add3A_19 : vector<1280x64xf32>
    %get3A_28 = arith.constant 0 : index
    %get3A_29 = arith.constant 0 : index
    %get3A_30 = vector.load %arg6[%get3A_28, %get3A_29] : memref<1x64xf32, #tpu.memory_space<vmem>>, vector<1x64xf32>
    %add3A_31 = vector.broadcast %get3A_30 : vector<1x64xf32> to vector<1280x64xf32>
    %add3A_32 = arith.addf %mul3A_27, %add3A_31 : vector<1280x64xf32>
    %max3A = arith.constant 0.000000e+00 : f32
    %max3A_33 = vector.broadcast %max3A : f32 to vector<1280x64xf32>
    %max3A_34 = arith.maximumf %add3A_32, %max3A_33 : vector<1280x64xf32>
    %get3A_35 = arith.constant 0 : index
    %get3A_36 = arith.constant 0 : index
    %get3A_37 = vector.load %arg7[%get3A_35, %get3A_36] : memref<64x128xf32, #tpu.memory_space<vmem>>, vector<64x128xf32>
    %dot_general3A = arith.constant dense<0.000000e+00> : vector<1280x128xf32>
    %dot_general3A_38 = tpu.matmul %max3A_34, %get3A_37, %dot_general3A {dimension_numbers = #tpu.dot_dimension_numbers<[1], [0], [0], [1], [0, 0, 1, 1], [], []>, transpose_lhs_hint = false} : vector<1280x64xf32>, vector<64x128xf32>, vector<1280x128xf32> -> vector<1280x128xf32>
    %get3A_39 = arith.constant 0 : index
    %get3A_40 = arith.constant 0 : index
    %get3A_41 = vector.load %arg8[%get3A_39, %get3A_40] : memref<1x128xf32, #tpu.memory_space<vmem>>, vector<1x128xf32>
    %add3A_42 = vector.broadcast %get3A_41 : vector<1x128xf32> to vector<1280x128xf32>
    %add3A_43 = arith.addf %dot_general3A_38, %add3A_42 : vector<1280x128xf32>
    %swap3A = arith.constant 0 : index
    %swap3A_44 = arith.constant 0 : index
    %swap3A_45 = vector.load %arg9[%swap3A, %swap3A_44] : memref<1280x128xf32, #tpu.memory_space<vmem>>, vector<1280x128xf32>
    tpu.vector_store %arg9[%swap3A, %swap3A_44], %add3A_43 {strides = array<i32>} : memref<1280x128xf32, #tpu.memory_space<vmem>>, vector<1280x128xf32>,
    return
  }
  func.func @transform_0(%arg0: i32) -> (i32, i32, i32) {
    %c0_i32 = arith.constant 0 : i32
    %c0_i32_0 = arith.constant 0 : i32
    %c0_i32_1 = arith.constant 0 : i32
    return %c0_i32, %arg0, %c0_i32_0 : i32, i32, i32
  }
  func.func @transform_1(%arg0: i32) -> (i32, i32) {
    %c0_i32 = arith.constant 0 : i32
    %c0_i32_0 = arith.constant 0 : i32
    return %arg0, %c0_i32 : i32, i32
  }
  func.func @transform_2(%arg0: i32) -> (i32, i32) {
    %c0_i32 = arith.constant 0 : i32
    %c0_i32_0 = arith.constant 0 : i32
    return %arg0, %c0_i32 : i32, i32
  }
  func.func @transform_3(%arg0: i32) -> (i32, i32) {
    %c0_i32 = arith.constant 0 : i32
    %c0_i32_0 = arith.constant 0 : i32
    %c0_i32_1 = arith.constant 0 : i32
    return %c0_i32, %c0_i32_0 : i32, i32
  }
  func.func @transform_4(%arg0: i32) -> (i32, i32) {
    %c0_i32 = arith.constant 0 : i32
    %c0_i32_0 = arith.constant 0 : i32
    %c0_i32_1 = arith.constant 0 : i32
    return %c0_i32, %c0_i32_0 : i32, i32
  }
  func.func @transform_5(%arg0: i32) -> (i32, i32) {
    %c0_i32 = arith.constant 0 : i32
    %c0_i32_0 = arith.constant 0 : i32
    %c0_i32_1 = arith.constant 0 : i32
    return %c0_i32, %c0_i32_0 : i32, i32
  }
  func.func @transform_6(%arg0: i32) -> (i32, i32) {
    %c0_i32 = arith.constant 0 : i32
    %c0_i32_0 = arith.constant 0 : i32
    %c0_i32_1 = arith.constant 0 : i32
    return %c0_i32, %c0_i32_0 : i32, i32
  }
  func.func @transform_7(%arg0: i32) -> (i32, i32) {
    %c0_i32 = arith.constant 0 : i32
    %c0_i32_0 = arith.constant 0 : i32
    %c0_i32_1 = arith.constant 0 : i32
    return %c0_i32, %c0_i32_0 : i32, i32
  }
  func.func @transform_8(%arg0: i32) -> (i32, i32) {
    %c0_i32 = arith.constant 0 : i32
    %c0_i32_0 = arith.constant 0 : i32
    return %arg0, %c0_i32 : i32, i32
  }
}

</mosaic_0001>

<sc_bundles>
// kernel: kernel.10.cloned.1.call-start
scs
__scs_entry_jumppad:
0x0: {  	(pc) =	sbr.rel $0x88, $3  }
0x1: {  	(tag) =	ssettag $0x0;
	lr =	simm.s32 $0x1  }
0x2: {  	[smem:$0x3F91] =	sst lr;
	_ =	strace $0xD0000000  }
0x3: {  	_ = 	snop  }
0x4: {  	_ = 	snop  }
0x5: {  	_ = 	snop  }
0x6: {  	_ = 	snop  }
0x7: {  	_ = 	snop  }
__scs_overlays_trampoline_lowered:
0x8: {  	[smem:$0x3FA0] =	sst s0  }
0x9: {  	[smem:$0x3FA1] =	sst s1  }
0xa: {  	[smem:$0x3FA2] =	sst s2  }
0xb: {  	[smem:$0x3FA3] =	sst s3  }
0xc: {  	[smem:$0x3FA4] =	sst s4  }
0xd: {  	[smem:$0x3FA5] =	sst s5  }
0xe: {  	[smem:$0x3FA6] =	sst s6  }
0xf: {  	[smem:$0x3FA7] =	sst s7  }
0x10: {  	[smem:$0x3FA8] =	sst s8  }
0x11: {  	[smem:$0x3FA9] =	sst s9;
	s0 =	simm.s32 @!p0 $0x0  }
0x12: {  	s1 =	sld [smem:$0x3F8F];
	s0 =	simm.s32 @p0 $0x1  }
0x13: {  	[smem:$0x3FAA] =	sst s0;
	s0 =	simm.s32 @!p1 $0x0  }
0x14: {  	s2 =	sld [smem:$0x3F8E];
	s0 =	simm.s32 @p1 $0x1  }
0x15: {  	[smem:$0x3FAB] =	sst s0;
	s0 =	simm.s32 @!p2 $0x0  }
0x16: {  	s3 =	sld [smem:$0x3FDB];
	s0 =	simm.s32 @p2 $0x1  }
0x17: {  	s4 =	simm.s32 $0x1BF5;
	[smem:$0x3FAD] =	sst s0  }
0x18: {  	s0 =	sld [smem:$0x3F90];
	_ =	swait.ge [sflag:s4], $0x0  }
0x19: {  	s7 =	sld [smem:$0x3F91]  }
0x1a: {  	s8 =	sadd.s32 $0xFFFFE003, lr  }
0x1b: {  	s9 =	sadd.s32 $0xFFFFFEF7, lr;
	s5 =	simm.s32 $0xFFFFFFFF;
	p2 =	slt.u32 s8, $0xFFFFF086  }
0x1c: {  	p1 =	slt.u32 s9, $0xF7A;
	s5 =	simm.s32 @!p2 $0x0  }
0x1d: {  	s5 =	simm.s32 @p1 $0x1;
	p0 =	seq.s32 s7, s2  }
0x1e: {  	s7 =	smul.u32 @!p0 $0xF7A, s2;
	p2 =	seq.s32 @!p0 s5, $0x0  }
0x1f: {  	s9 =	smul.u32 $0xF7A, s1;
	s8 =	simm.s32 @!p0 $0x1BF5;
	p2 =	por !p2, p0  }
0x20: {  	[sflag:s8] =	ssyncset.s32 @!p0 $0xFFFFF086;
	s6 =	sadd.s32 @!p0 s3, s7;
	s7 =	simm.s32 @!p0 $0x108  }
0x21: {  	s3 =	sadd.s32 s3, s9;
	s6 =	sadd.s32 @!p0 $0x88, s6;
	s7 =	simm.s32 @p2 $0x1082  }
0x22: {  	[simem:s7], [sflag:s8] =	dma.local @!p0 [hbm:s6], $0xF7A  }
0x23: {  	s9 =	sor.u32 $0xD0000000, s2;
	s6 =	simm.s32 $0x108;
	_ =	swait.ge @!p0 [sflag:s8], $0x0  }
0x24: {  	s3 =	sadd.s32 $0x88, s3;
	s6 =	simm.s32 @!p1 $0x1082;
	[sflag:s4] =	ssyncset.s32 $0xFFFFF086  }
0x25: {  	[simem:s6], [sflag:s4] =	dma.local [hbm:s3], $0xF7A  }
0x26: {  	[smem:$0x3F91] =	sst s1;
	(tag) =	ssettag s2;
	_ =	strace s9  }
0x27: {  	s1 =	sld [smem:$0x3FA1]  }
0x28: {  	s2 =	sld [smem:$0x3FA2]  }
0x29: {  	s4 =	sld [smem:$0x3FA4]  }
0x2a: {  	p0 =	seq.s32 s5, $0x0;
	s5 =	sld [smem:$0x3FA5]  }
0x2b: {  	s6 =	sld [smem:$0x3FA6]  }
0x2c: {  	s7 =	sld [smem:$0x3FA7]  }
0x2d: {  	s3 =	simm.s32 $0x108;
	s8 =	sld [smem:$0x3FA8]  }
0x2e: {  	s3 =	simm.s32 @!p0 $0x1082;
	s9 =	sld [smem:$0x3FA9]  }
0x2f: {  	lr =	sadd.s32 s0, s3;
	s0 =	sld [smem:$0x3FA0]  }
0x30: {  	s3 =	sld [smem:$0x3FA3]  }
0x31: {  	[smem:$0x3FAC] =	sst s10  }
0x32: {  	s10 =	sld [smem:$0x3FAA];
	_ =	sdelay $0x3  }
0x33: {  	p0 =	seq.s32 s10, $0x1;
	s10 =	sld [smem:$0x3FAC];
	_ =	sdelay $0x3  }
0x34: {  	[smem:$0x3FAC] =	sst s10  }
0x35: {  	s10 =	sld [smem:$0x3FAB];
	_ =	sdelay $0x3  }
0x36: {  	p1 =	seq.s32 s10, $0x1;
	s10 =	sld [smem:$0x3FAC];
	_ =	sdelay $0x3  }
0x37: {  	[smem:$0x3FAC] =	sst s10  }
0x38: {  	s10 =	sld [smem:$0x3FAD]  }
0x39: {  	_ = 	snop;
	(pc) =	sbr.ind lr, $3  }
0x3a: {  	_ = 	snop  }
0x3b: {  	_ = 	snop  }
0x3c: {  	p2 =	seq.s32 s10, $0x1;
	s10 =	sld [smem:$0x3FAC]  }
0x3d: {  	_ =	shalt  }
0x3e: {  	_ =	shalt  }
0x3f: {  	_ =	shalt  }
0x40: {  	_ =	shalt  }
0x41: {  	_ =	shalt  }
0x42: {  	_ =	shalt  }
0x43: {  	_ =	shalt  }
0x44: {  	_ =	shalt  }
0x45: {  	_ =	shalt  }
0x46: {  	_ =	shalt  }
0x47: {  	_ =	shalt  }
0x48: {  	_ =	shalt  }
0x49: {  	_ =	shalt  }
0x4a: {  	_ =	shalt  }
0x4b: {  	_ =	shalt  }
0x4c: {  	_ =	shalt  }
0x4d: {  	_ =	shalt  }
0x4e: {  	_ =	shalt  }
0x4f: {  	_ =	shalt  }
0x50: {  	_ =	shalt  }
0x51: {  	_ =	shalt  }
0x52: {  	_ =	shalt  }
0x53: {  	_ =	shalt  }
0x54: {  	_ =	shalt  }
0x55: {  	_ =	shalt  }
0x56: {  	_ =	shalt  }
0x57: {  	_ =	shalt  }
0x58: {  	_ =	shalt  }
0x59: {  	_ =	shalt  }
0x5a: {  	_ =	shalt  }
0x5b: {  	_ =	shalt  }
0x5c: {  	_ =	shalt  }
0x5d: {  	_ =	shalt  }
0x5e: {  	_ =	shalt  }
0x5f: {  	_ =	shalt  }
0x60: {  	_ =	shalt  }
0x61: {  	_ =	shalt  }
0x62: {  	_ =	shalt  }
0x63: {  	_ =	shalt  }
0x64: {  	_ =	shalt  }
0x65: {  	_ =	shalt  }
0x66: {  	_ =	shalt  }
0x67: {  	_ =	shalt  }
0x68: {  	_ =	shalt  }
0x69: {  	_ =	shalt  }
0x6a: {  	_ =	shalt  }
0x6b: {  	_ =	shalt  }
0x6c: {  	_ =	shalt  }
0x6d: {  	_ =	shalt  }
0x6e: {  	_ =	shalt  }
0x6f: {  	_ =	shalt  }
0x70: {  	_ =	shalt  }
0x71: {  	_ =	shalt  }
0x72: {  	_ =	shalt  }
0x73: {  	_ =	shalt  }
0x74: {  	_ =	shalt  }
0x75: {  	_ =	shalt  }
0x76: {  	_ =	shalt  }
0x77: {  	_ =	shalt  }
0x78: {  	_ =	shalt  }
0x79: {  	_ =	shalt  }
0x7a: {  	_ =	shalt  }
0x7b: {  	_ =	shalt  }
0x7c: {  	_ =	shalt  }
0x7d: {  	_ =	shalt  }
0x7e: {  	_ =	shalt  }
0x7f: {  	_ =	shalt  }
0x80: {  	_ =	shalt  }
0x81: {  	_ =	shalt  }
0x82: {  	_ =	shalt  }
0x83: {  	_ =	shalt  }
0x84: {  	_ =	shalt  }
0x85: {  	_ =	shalt  }
0x86: {  	_ =	shalt  }
0x87: {  	_ =	shalt  }
.Lfunc_end0:
.L_simem_size_0:
called_computation_lowered:
.L_overlay_start_0:
0x88: {  	s2 =	sld [smem:$0x3FD9]  }
0x89: {  	s3 =	sld [smem:$0x3FFE];
	_ =	sdelay $0x1  }
0x8a: {  	s1 =	srdreg.scid  }
0x8b: {  	s0 =	sand.u32 $0x1, s1  }
0x8c: {  	s16 =	sshll.u32 s0, $0xA;
	s2 =	sadd.s32 s3, s2  }
0x8d: {  	s2 =	sadd.s32 s2, s16  }
0x8e: {  	[smem:$0x3FB8] =	sst s2  }
0x8f: {  	_ = 	snop  }
0x90: {  	(tm) =	ssettm $0x1  }
0x91: {  	s17 =	sld [smem:$0x3FFB];
	_ =	sdelay $0x3  }
0x92: {  	_ =	strace s17  }
0x93: {  	s2 =	sld [smem:$0x3FFC];
	_ =	sdelay $0x3  }
0x94: {  	_ =	strace s2  }
0x95: {  	s2 =	sld [smem:$0x3FFD];
	_ =	sdelay $0x3  }
0x96: {  	_ =	strace s2  }
0x97: {  	_ =	strace $0x8FFFFFFF  }
0x98: {  	s18 =	sld [smem:$0x3FDB];
	_ =	sdelay $0x1  }
0x99: {  	s19 =	simm.s32 $_scs_section_size  }
0x9a: {  	s4 =	simm.s32 $_size__tile_overlayer_lowered;
	s5 =	simm.s32 $_tile_overlayer_lowered  }
0x9b: {  	s22 =	simm.s32 $0x1BFF;
	s21 =	sshll.u32 s5, $0x1;
	s2 =	sadd.s32 s19, s18  }
0x9c: {  	s6 =	simm.s32 $0x0;
	s20 =	sshll.u32 s4, $0x1;
	s4 =	sadd.s32 s21, s2  }
0x9d: {  	[timem:s6], [sflag:s22] =	dma.local [hbm:s4], s20  }
0x9e: {  	_ =	swait.ge [sflag:s22], s20  }
0x9f: {  	s3 =	ssub.s32 $0x0, s20;
	[sflag:s22] =	ssyncset.done $0x0  }
0xa0: {  	[sflag:s22] =	ssyncadd.s32 s3;
	_ =	sdelay $0x1  }
0xa1: {  	s23 =	simm.s32 $0x1B8B  }
0xa2: {  	_ =	swait.ge [sflag:s23], $0x1  }
0xa3: {  	[sflag:s23] =	ssyncset.done $0x0  }
0xa4: {  	s25 =	simm.s32 $0x1B8E;
	s24 =	sld [smem:$0x3FFE];
	[sflag:s23] =	ssyncadd.s32 $0xFFFFFFFF  }
0xa5: {  	s26 =	simm.s32 $execute0_lowered;
	[smem:$0x3FD2] =	sst s25  }
0xa6: {  	s4 =	sshll.u32 s26, $0x1;
	_ =	strace $0x80000046;
	[dreg:$0x1] =	wrdreg $0xFFFFFFFF  }
0xa7: {  	s28 =	simm.s32 $_size_execute0_lowered;
	s2 =	sadd.s32 s2, s4;
	[dreg:$0x0] =	wrdreg $0x0  }
0xa8: {  	s4 =	sshll.u32 s28, $0x1;
	[dreg:$0x2] =	wrdreg s2  }
0xa9: {  	[dreg:$0x3] =	wrdreg s4  }
0xaa: {  	[dreg:$0x4] =	wrdreg $0xC0  }
0xab: {  	_ =	task [dreg:s6], $0x5FFFF  }
0xac: {  	[dreg:$0x1] =	wrdreg $0xFFFFFFFF  }
0xad: {  	[dreg:$0x0] =	wrdreg $0x60  }
0xae: {  	[dreg:$0x2] =	wrdreg s24  }
0xaf: {  	[dreg:$0x3] =	wrdreg $0x42A00  }
0xb0: {  	[dreg:$0x4] =	wrdreg $0x9  }
0xb1: {  	_ =	task.clear_ibuf [dreg:s6], $0x5FFFF;
	_ =	strace $0x90000046  }
0xb2: {  	s29 =	simm.s32 $0x9;
	_ =	strace $0x80000048  }
0xb3: {  	_ =	swait.ge [sflag:s29], $0x1  }
0xb4: {  	[sflag:s29] =	ssyncadd.s32 $0xFFFFFFFF  }
0xb5: {  	_ =	strace $0x90000048  }
0xb6: {  	_ =	sfence  }
0xb7: {  	s30 =	sld [smem:$0x0];
	_ =	sdelay $0x2  }
0xb8: {  	s31 =	sshll.u32 s1, $0xD;
	s1 =	sshrl.u32 s1, $0x2  }
0xb9: {  	s3 =	sand.u32 $0x4000, s31;
	s1 =	sadd.s32 s1, s30  }
0xba: {  	s0 =	sor.u32 s3, s0;
	s1 =	sshll.u32 s1, $0x11  }
0xbb: {  	s0 =	sor.u32 s1, s0  }
0xbc: {  	s0 =	sadd.s32 $0x8F2B, s0  }
0xbd: {  	[sflag:s0] =	ssyncadd.remote.s32 $0x1  }
0xbe: {  	_ =	sfence.sel $0xFFFF  }
0xbf: {  	[dreg:$0x0] =	wrdreg $0xFFFFFFFF;
	(pc) =	sbr.abs _section_cstart, $3  }
0xc0: {  	[dreg:$0x1] =	wrdreg $0xFFFFFFFF  }
0xc1: {  	_ =	task.clear_ibuf [dreg:s6], $0x2FFFF;
	_ =	strace $0x9FFFFFFF  }
0xc2: {  	(tm) =	ssettm $0x7FFFFFFF  }
0xc3: {  	_ =	shalt  }
tec
execute0_lowered:
.L_overlay_start_1:
0x0: {  	(tag) =	ssettag $0x1  }
0x1: {  	s5 =	rddreg [dreg:$0x0]  }
0x2: {  	s2 =	rddreg [dreg:$0x1];
	s3 =	srdreg.scid  }
0x3: {  	s1 =	stileid.u32;
	s0 =	rddreg [dreg:$0x2];
	s12 =	simm.s32 $0x28A0  }
0x4: {  	s13 =	simm.s32 $0x68;
	s14 =	simm.s32 $0x1;
	s15 =	simm.s32 $0x0  }
0x5: {  	s6 =	sand.u32 $0x1, s3;
	s7 =	smul.u32 $0xA000, s1;
	s3 =	simm.s32 $0x0  }
0x6: {  	s31 =	sshll.u32 s1, $0x6;
	s4 =	sshll.u32 s6, $0x4;
	s8 =	smul.u32 $0xA0000, s6  }
0x7: {  	[smem:$0x7FF] =	sst s3;
	s6 =	ssub.s32 $0x2, s6;
	s4 =	sor.u32 s1, s4  }
0x8: {  	_ =	strace $0x80000047;
	s29 =	sshrl.u32 s6, $0x1;
	s30 =	sshrl.u32 s7, $0x3  }
0x9: {  	s11 =	sadd.s32 s7, s2;
	s9 =	smul.u32 $0x514, s4;
	s8 =	sadd.s32 s7, s8  }
0xa: {  	s4 =	sadd.s32 $0xD200, s5;
	s10 =	ssub.s32 s6, s29;
	s8 =	sshrl.u32 s8, $0x3  }
0xb: {  	s6 =	sor.u32 $0x1C02, s31;
	s9 =	sadd.s32 s9, s5;
	s8 =	sadd.s32 s8, s5  }
0xc: {  	s5 =	sadd.s32 s4, s30;
	s7 =	sadd.s32 $0x2E00, s9;
	s8 =	sadd.s32 $0x21200, s8  }
0xd: {  	s9 =	smax.u32 s10, $0x1;
	s10 =	sshrl.u32 s11, $0x3;
	s11 =	simm.s32 $0x2  }
.LBB2_1:
0xe: {  	[spmem:s10], [sflag:s6] =	dma.local [hbm:s5], $0x1400  }
0xf: {  	_ =	swait.ge [sflag:s11], $0x1400  }
0x10: {  	[sflag:s11] =	ssyncset.done $0x0  }
0x11: {  	[sflag:s11] =	ssyncadd.s32 $0xFFFFEC00  }
0x12: {  	[tilespmem:s12], [sflag:$0x2] =	stream.linear.gather [hbm4b:s4+s3], $0x1A00, $0x38;
	[tilespmem:$0xE2A0] =	vst v63  }
0x13: {  	_ =	swait.ge [sflag:s11], $0x1A00  }
0x14: {  	[sflag:s11] =	ssyncset.done $0x0  }
0x15: {  	[sflag:s11] =	ssyncadd.s32 $0xFFFFE600  }
0x16: {  	[tilespmem:s3], [sflag:$0x2] =	stream.linear.gather [hbm4b:s7+s3], $0x28A0, $0x38;
	[tilespmem:$0xE2A0] =	vst v63  }
0x17: {  	_ =	swait.ge [sflag:s11], $0x28A0  }
0x18: {  	[sflag:s11] =	ssyncset.done $0x0  }
0x19: {  	[sflag:s11] =	ssyncadd.s32 $0xFFFFD760  }
0x1a: {  	s16 =	simm.s32 $0x0;
	[bflag:$0x0] =	sbarrier.arrive $0xFFFF  }
0x1b: {  	[spmem:s2] =	stream.indirect.scatter.add.f32 [tilespmem:s12], [sflag:$0x1], $0x40, s16, s13, $0xb8;
	[tilespmem:$0xE2A0] =	vst v63  }
0x1c: {  	s22 =	simm.s32 $0x68  }
0x1d: {  	[spmem:s2] =	stream.indirect.scatter.add.f32 [tilespmem:s12], [sflag:$0x1], $0x40, s22, s13, $0xb8;
	[tilespmem:$0xE2A0] =	vst v63  }
0x1e: {  	s23 =	simm.s32 $0xD0  }
0x1f: {  	[spmem:s2] =	stream.indirect.scatter.add.f32 [tilespmem:s12], [sflag:$0x1], $0x40, s23, s13, $0xb8;
	[tilespmem:$0xE2A0] =	vst v63  }
0x20: {  	s24 =	simm.s32 $0x138  }
0x21: {  	[spmem:s2] =	stream.indirect.scatter.add.f32 [tilespmem:s12], [sflag:$0x1], $0x40, s24, s13, $0xb8;
	[tilespmem:$0xE2A0] =	vst v63  }
0x22: {  	s25 =	simm.s32 $0x1A0  }
0x23: {  	[spmem:s2] =	stream.indirect.scatter.add.f32 [tilespmem:s12], [sflag:$0x1], $0x40, s25, s13, $0xb8;
	[tilespmem:$0xE2A0] =	vst v63  }
0x24: {  	s26 =	simm.s32 $0x208  }
0x25: {  	[spmem:s2] =	stream.indirect.scatter.add.f32 [tilespmem:s12], [sflag:$0x1], $0x40, s26, s13, $0xb8;
	[tilespmem:$0xE2A0] =	vst v63  }
0x26: {  	s28 =	simm.s32 $0x270  }
0x27: {  	[spmem:s2] =	stream.indirect.scatter.add.f32 [tilespmem:s12], [sflag:$0x1], $0x40, s28, s13, $0xb8;
	[tilespmem:$0xE2A0] =	vst v63  }
0x28: {  	s29 =	simm.s32 $0x2D8  }
0x29: {  	[spmem:s2] =	stream.indirect.scatter.add.f32 [tilespmem:s12], [sflag:$0x1], $0x40, s29, s13, $0xb8;
	[tilespmem:$0xE2A0] =	vst v63  }
0x2a: {  	s30 =	simm.s32 $0x340  }
0x2b: {  	[spmem:s2] =	stream.indirect.scatter.add.f32 [tilespmem:s12], [sflag:$0x1], $0x40, s30, s13, $0xb8;
	[tilespmem:$0xE2A0] =	vst v63  }
0x2c: {  	s31 =	simm.s32 $0x3A8  }
0x2d: {  	[spmem:s2] =	stream.indirect.scatter.add.f32 [tilespmem:s12], [sflag:$0x1], $0x40, s31, s13, $0xb8;
	[tilespmem:$0xE2A0] =	vst v63  }
0x2e: {  	_ =	swait.ge [sflag:s14], $0x1A00  }
0x2f: {  	[sflag:s14] =	ssyncset.done $0x0  }
0x30: {  	[sflag:s14] =	ssyncadd.s32 $0xFFFFE600  }
0x31: {  	_ =	swait.ge [sflag:s14], $0x1A00  }
0x32: {  	[sflag:s14] =	ssyncset.done $0x0  }
0x33: {  	[sflag:s14] =	ssyncadd.s32 $0xFFFFE600  }
0x34: {  	_ =	swait.ge [sflag:s14], $0x1A00  }
0x35: {  	[sflag:s14] =	ssyncset.done $0x0  }
0x36: {  	[sflag:s14] =	ssyncadd.s32 $0xFFFFE600  }
0x37: {  	_ =	swait.ge [sflag:s14], $0x1A00  }
0x38: {  	[sflag:s14] =	ssyncset.done $0x0  }
0x39: {  	[sflag:s14] =	ssyncadd.s32 $0xFFFFE600  }
0x3a: {  	_ =	swait.ge [sflag:s14], $0x1A00  }
0x3b: {  	[sflag:s14] =	ssyncset.done $0x0  }
0x3c: {  	[sflag:s14] =	ssyncadd.s32 $0xFFFFE600  }
0x3d: {  	_ =	swait.ge [sflag:s14], $0x1A00  }
0x3e: {  	[sflag:s14] =	ssyncset.done $0x0  }
0x3f: {  	[sflag:s14] =	ssyncadd.s32 $0xFFFFE600  }
0x40: {  	_ =	swait.ge [sflag:s14], $0x1A00  }
0x41: {  	[sflag:s14] =	ssyncset.done $0x0  }
0x42: {  	[sflag:s14] =	ssyncadd.s32 $0xFFFFE600  }
0x43: {  	_ =	swait.ge [sflag:s14], $0x1A00  }
0x44: {  	[sflag:s14] =	ssyncset.done $0x0  }
0x45: {  	[sflag:s14] =	ssyncadd.s32 $0xFFFFE600  }
0x46: {  	_ =	swait.ge [sflag:s14], $0x1A00  }
0x47: {  	[sflag:s14] =	ssyncset.done $0x0  }
0x48: {  	[sflag:s14] =	ssyncadd.s32 $0xFFFFE600  }
0x49: {  	_ =	swait.ge [sflag:s14], $0x1A00  }
0x4a: {  	s18 =	simm.s32 $0x2080;
	s16 =	simm.s32 $0x1040;
	[sflag:s14] =	ssyncset.done $0x0  }
.LBB2_2:
0x4b: {  	s19 =	sshra.s32 s16, $0x2  }
0x4c: {  	[sflag:s14] =	ssyncadd.s32 $0xFFFFE600;
	s16 =	smov.u32 s18;
	s17 =	sadd.s32 $0x1040, s18  }
0x4d: {  	[spmem:s2] =	stream.indirect.scatter.add.f32 [tilespmem:s12], [sflag:$0x1], $0x40, s19, s13, $0xb8;
	[tilespmem:$0xE2A0] =	vst v63  }
0x4e: {  	p0 =	sne.s32 s18, $0x9240;
	s18 =	sadd.s32 $0x68, s19  }
0x4f: {  	[spmem:s2] =	stream.indirect.scatter.add.f32 [tilespmem:s12], [sflag:$0x1], $0x40, s18, s13, $0xb8;
	[tilespmem:$0xE2A0] =	vst v63  }
0x50: {  	s18 =	sadd.s32 $0xD0, s19  }
0x51: {  	[spmem:s2] =	stream.indirect.scatter.add.f32 [tilespmem:s12], [sflag:$0x1], $0x40, s18, s13, $0xb8;
	[tilespmem:$0xE2A0] =	vst v63  }
0x52: {  	s18 =	sadd.s32 $0x138, s19  }
0x53: {  	[spmem:s2] =	stream.indirect.scatter.add.f32 [tilespmem:s12], [sflag:$0x1], $0x40, s18, s13, $0xb8;
	[tilespmem:$0xE2A0] =	vst v63  }
0x54: {  	s18 =	sadd.s32 $0x1A0, s19  }
0x55: {  	[spmem:s2] =	stream.indirect.scatter.add.f32 [tilespmem:s12], [sflag:$0x1], $0x40, s18, s13, $0xb8;
	[tilespmem:$0xE2A0] =	vst v63  }
0x56: {  	s18 =	sadd.s32 $0x208, s19  }
0x57: {  	[spmem:s2] =	stream.indirect.scatter.add.f32 [tilespmem:s12], [sflag:$0x1], $0x40, s18, s13, $0xb8;
	[tilespmem:$0xE2A0] =	vst v63  }
0x58: {  	s18 =	sadd.s32 $0x270, s19  }
0x59: {  	[spmem:s2] =	stream.indirect.scatter.add.f32 [tilespmem:s12], [sflag:$0x1], $0x40, s18, s13, $0xb8;
	[tilespmem:$0xE2A0] =	vst v63  }
0x5a: {  	s18 =	sadd.s32 $0x2D8, s19  }
0x5b: {  	[spmem:s2] =	stream.indirect.scatter.add.f32 [tilespmem:s12], [sflag:$0x1], $0x40, s18, s13, $0xb8;
	[tilespmem:$0xE2A0] =	vst v63  }
0x5c: {  	s18 =	sadd.s32 $0x340, s19  }
0x5d: {  	[spmem:s2] =	stream.indirect.scatter.add.f32 [tilespmem:s12], [sflag:$0x1], $0x40, s18, s13, $0xb8;
	[tilespmem:$0xE2A0] =	vst v63  }
0x5e: {  	s18 =	sadd.s32 $0x3A8, s19  }
0x5f: {  	[spmem:s2] =	stream.indirect.scatter.add.f32 [tilespmem:s12], [sflag:$0x1], $0x40, s18, s13, $0xb8;
	[tilespmem:$0xE2A0] =	vst v63  }
0x60: {  	_ =	swait.ge [sflag:s14], $0x1A00  }
0x61: {  	[sflag:s14] =	ssyncset.done $0x0  }
0x62: {  	[sflag:s14] =	ssyncadd.s32 $0xFFFFE600  }
0x63: {  	_ =	swait.ge [sflag:s14], $0x1A00  }
0x64: {  	[sflag:s14] =	ssyncset.done $0x0  }
0x65: {  	[sflag:s14] =	ssyncadd.s32 $0xFFFFE600  }
0x66: {  	_ =	swait.ge [sflag:s14], $0x1A00  }
0x67: {  	[sflag:s14] =	ssyncset.done $0x0  }
0x68: {  	[sflag:s14] =	ssyncadd.s32 $0xFFFFE600  }
0x69: {  	_ =	swait.ge [sflag:s14], $0x1A00  }
0x6a: {  	[sflag:s14] =	ssyncset.done $0x0  }
0x6b: {  	[sflag:s14] =	ssyncadd.s32 $0xFFFFE600  }
0x6c: {  	_ =	swait.ge [sflag:s14], $0x1A00  }
0x6d: {  	[sflag:s14] =	ssyncset.done $0x0  }
0x6e: {  	[sflag:s14] =	ssyncadd.s32 $0xFFFFE600  }
0x6f: {  	_ =	swait.ge [sflag:s14], $0x1A00  }
0x70: {  	[sflag:s14] =	ssyncset.done $0x0  }
0x71: {  	[sflag:s14] =	ssyncadd.s32 $0xFFFFE600  }
0x72: {  	_ =	swait.ge [sflag:s14], $0x1A00  }
0x73: {  	[sflag:s14] =	ssyncset.done $0x0  }
0x74: {  	[sflag:s14] =	ssyncadd.s32 $0xFFFFE600  }
0x75: {  	_ =	swait.ge [sflag:s14], $0x1A00  }
0x76: {  	[sflag:s14] =	ssyncset.done $0x0  }
0x77: {  	[sflag:s14] =	ssyncadd.s32 $0xFFFFE600  }
.Ltmp0:
0x78: {  	_ =	swait.ge [sflag:s14], $0x1A00;
	(pc) =	sbr.rel @p0 .LBB2_2-.Ltmp0, $4  }
0x79: {  	[sflag:s14] =	ssyncset.done $0x0  }
0x7a: {  	[sflag:s14] =	ssyncadd.s32 $0xFFFFE600  }
0x7b: {  	_ =	swait.ge [sflag:s14], $0x1A00  }
0x7c: {  	s18 =	smov.u32 s17;
	[sflag:s14] =	ssyncset.done $0x0  }
0x7d: {  	s16 =	sshra.s32 s16, $0x2;
	[sflag:s14] =	ssyncadd.s32 $0xFFFFE600  }
0x7e: {  	[spmem:s2] =	stream.indirect.scatter.add.f32 [tilespmem:s12], [sflag:$0x1], $0x40, s16, s13, $0xb8;
	[tilespmem:$0xE2A0] =	vst v63  }
0x7f: {  	s17 =	sadd.s32 $0x68, s16  }
0x80: {  	[spmem:s2] =	stream.indirect.scatter.add.f32 [tilespmem:s12], [sflag:$0x1], $0x40, s17, s13, $0xb8;
	[tilespmem:$0xE2A0] =	vst v63  }
0x81: {  	s24 =	sadd.s32 $0xD0, s16  }
0x82: {  	[spmem:s2] =	stream.indirect.scatter.add.f32 [tilespmem:s12], [sflag:$0x1], $0x40, s24, s13, $0xb8;
	[tilespmem:$0xE2A0] =	vst v63  }
0x83: {  	s25 =	sadd.s32 $0x138, s16  }
0x84: {  	[spmem:s2] =	stream.indirect.scatter.add.f32 [tilespmem:s12], [sflag:$0x1], $0x40, s25, s13, $0xb8;
	[tilespmem:$0xE2A0] =	vst v63  }
0x85: {  	s26 =	sadd.s32 $0x1A0, s16  }
0x86: {  	[spmem:s2] =	stream.indirect.scatter.add.f32 [tilespmem:s12], [sflag:$0x1], $0x40, s26, s13, $0xb8;
	[tilespmem:$0xE2A0] =	vst v63  }
0x87: {  	s28 =	sadd.s32 $0x208, s16  }
0x88: {  	[spmem:s2] =	stream.indirect.scatter.add.f32 [tilespmem:s12], [sflag:$0x1], $0x40, s28, s13, $0xb8;
	[tilespmem:$0xE2A0] =	vst v63  }
0x89: {  	s29 =	sadd.s32 $0x270, s16  }
0x8a: {  	[spmem:s2] =	stream.indirect.scatter.add.f32 [tilespmem:s12], [sflag:$0x1], $0x40, s29, s13, $0xb8;
	[tilespmem:$0xE2A0] =	vst v63  }
0x8b: {  	s30 =	sadd.s32 $0x2D8, s16  }
0x8c: {  	[spmem:s2] =	stream.indirect.scatter.add.f32 [tilespmem:s12], [sflag:$0x1], $0x40, s30, s13, $0xb8;
	[tilespmem:$0xE2A0] =	vst v63  }
0x8d: {  	s31 =	sadd.s32 $0x340, s16  }
0x8e: {  	[spmem:s2] =	stream.indirect.scatter.add.f32 [tilespmem:s12], [sflag:$0x1], $0x40, s31, s13, $0xb8;
	[tilespmem:$0xE2A0] =	vst v63  }
0x8f: {  	s16 =	sadd.s32 $0x3A8, s16  }
0x90: {  	[spmem:s2] =	stream.indirect.scatter.add.f32 [tilespmem:s12], [sflag:$0x1], $0x40, s16, s13, $0xb8;
	[tilespmem:$0xE2A0] =	vst v63  }
0x91: {  	_ =	swait.ge [sflag:s14], $0x1A00  }
0x92: {  	[sflag:s14] =	ssyncset.done $0x0  }
0x93: {  	[sflag:s14] =	ssyncadd.s32 $0xFFFFE600  }
0x94: {  	_ =	swait.ge [sflag:s14], $0x1A00  }
0x95: {  	[sflag:s14] =	ssyncset.done $0x0  }
0x96: {  	[sflag:s14] =	ssyncadd.s32 $0xFFFFE600  }
0x97: {  	_ =	swait.ge [sflag:s14], $0x1A00  }
0x98: {  	[sflag:s14] =	ssyncset.done $0x0  }
0x99: {  	[sflag:s14] =	ssyncadd.s32 $0xFFFFE600  }
0x9a: {  	_ =	swait.ge [sflag:s14], $0x1A00  }
0x9b: {  	[sflag:s14] =	ssyncset.done $0x0  }
0x9c: {  	[sflag:s14] =	ssyncadd.s32 $0xFFFFE600  }
0x9d: {  	_ =	swait.ge [sflag:s14], $0x1A00  }
0x9e: {  	[sflag:s14] =	ssyncset.done $0x0  }
0x9f: {  	[sflag:s14] =	ssyncadd.s32 $0xFFFFE600  }
0xa0: {  	_ =	swait.ge [sflag:s14], $0x1A00  }
0xa1: {  	[sflag:s14] =	ssyncset.done $0x0  }
0xa2: {  	[sflag:s14] =	ssyncadd.s32 $0xFFFFE600  }
0xa3: {  	_ =	swait.ge [sflag:s14], $0x1A00  }
0xa4: {  	[sflag:s14] =	ssyncset.done $0x0  }
0xa5: {  	[sflag:s14] =	ssyncadd.s32 $0xFFFFE600  }
0xa6: {  	_ =	swait.ge [sflag:s14], $0x1A00  }
0xa7: {  	[sflag:s14] =	ssyncset.done $0x0  }
0xa8: {  	[sflag:s14] =	ssyncadd.s32 $0xFFFFE600  }
0xa9: {  	_ =	swait.ge [sflag:s14], $0x1A00  }
0xaa: {  	[sflag:s14] =	ssyncset.done $0x0  }
0xab: {  	[sflag:s14] =	ssyncadd.s32 $0xFFFFE600  }
0xac: {  	_ =	swait.ge [sflag:s14], $0x1A00  }
0xad: {  	s15 =	sadd.s32 $0x1, s15;
	[sflag:s14] =	ssyncset.done $0x0  }
0xae: {  	p0 =	sne.s32 s15, s9;
	[sflag:s14] =	ssyncadd.s32 $0xFFFFE600  }
.Ltmp1:
0xaf: {  	[bflag:$0x0] =	sbarrier.arrive $0xFFFF;
	(pc) =	sbr.rel @p0 .LBB2_1-.Ltmp1, $4  }
0xb0: {  	[hbm:s8], [sflag:s6] =	dma.local [spmem:s10], $0x1400  }
0xb1: {  	_ =	swait.ge [sflag:s11], $0x1400  }
0xb2: {  	[sflag:s11] =	ssyncset.done $0x0  }
0xb3: {  	[sflag:s11] =	ssyncadd.s32 $0xFFFFEC00  }
0xb4: {  	_ =	sfence.sel $0x180000  }
0xb5: {  	[bflag:$0x0] =	sbarrier.arrive $0xFFFF  }
0xb6: {  	p0 =	sne.s32 s1, $0x0;
	_ =	strace $0x90000047  }
0xb7: {  	s0 =	sadd.s32 @!p0 $0x100000, s0;
	[bflag:$0x2] =	sbarrier.arrive $0xFFFF  }
0xb8: {  	[sflag:s0] =	ssyncadd.tile.s32 @!p0 $0x1;
	_ =	shalt  }
.Lfunc_end2:
_tile_overlayer_lowered:
.L_overlay_start_2:
0xb9: {  	(tag) =	ssettag $0x2  }
0xba: {  	s0 =	rddreg [dreg:$0x0];
	s2 =	stileid.u32  }
0xbb: {  	s1 =	rddreg [dreg:$0x1];
	p0 =	sne.s32 s2, $0x0  }
0xbc: {  	s3 =	rddreg [dreg:$0x2];
	[bflag:$0x3] =	sbarrier.arrive $0xFFFF;
	s2 =	simm.s32 @!p0 $0x1C02  }
0xbd: {  	[timem:s3], [sflag:s2] =	dma.local @!p0 [hbm:s0], s1  }
0xbe: {  	s0 =	simm.s32 @!p0 $0x2  }
0xbf: {  	_ =	swait.ge @!p0 [sflag:s0], s1  }
0xc0: {  	s1 =	ssub.s32 @!p0 $0x0, s1;
	[sflag:s0] =	ssyncset.done @!p0 $0x0  }
0xc1: {  	[sflag:s0] =	ssyncadd.s32 @!p0 s1  }
0xc2: {  	[bflag:$0x3] =	sbarrier.arrive $0xFFFF  }
0xc3: {  	_ =	shalt  }

// kernel: kernel.13.cloned.1.call-start
scs
__scs_entry_jumppad:
0x0: {  	(pc) =	sbr.rel $0x88, $3  }
0x1: {  	(tag) =	ssettag $0x0;
	lr =	simm.s32 $0x1  }
0x2: {  	[smem:$0x3F91] =	sst lr;
	_ =	strace $0xD0000000  }
0x3: {  	_ = 	snop  }
0x4: {  	_ = 	snop  }
0x5: {  	_ = 	snop  }
0x6: {  	_ = 	snop  }
0x7: {  	_ = 	snop  }
__scs_overlays_trampoline_lowered:
0x8: {  	[smem:$0x3FA0] =	sst s0  }
0x9: {  	[smem:$0x3FA1] =	sst s1  }
0xa: {  	[smem:$0x3FA2] =	sst s2  }
0xb: {  	[smem:$0x3FA3] =	sst s3  }
0xc: {  	[smem:$0x3FA4] =	sst s4  }
0xd: {  	[smem:$0x3FA5] =	sst s5  }
0xe: {  	[smem:$0x3FA6] =	sst s6  }
0xf: {  	[smem:$0x3FA7] =	sst s7  }
0x10: {  	[smem:$0x3FA8] =	sst s8  }
0x11: {  	[smem:$0x3FA9] =	sst s9;
	s0 =	simm.s32 @!p0 $0x0  }
0x12: {  	s1 =	sld [smem:$0x3F8F];
	s0 =	simm.s32 @p0 $0x1  }
0x13: {  	[smem:$0x3FAA] =	sst s0;
	s0 =	simm.s32 @!p1 $0x0  }
0x14: {  	s2 =	sld [smem:$0x3F8E];
	s0 =	simm.s32 @p1 $0x1  }
0x15: {  	[smem:$0x3FAB] =	sst s0;
	s0 =	simm.s32 @!p2 $0x0  }
0x16: {  	s3 =	sld [smem:$0x3FDB];
	s0 =	simm.s32 @p2 $0x1  }
0x17: {  	s4 =	simm.s32 $0x1BF5;
	[smem:$0x3FAD] =	sst s0  }
0x18: {  	s0 =	sld [smem:$0x3F90];
	_ =	swait.ge [sflag:s4], $0x0  }
0x19: {  	s7 =	sld [smem:$0x3F91]  }
0x1a: {  	s8 =	sadd.s32 $0xFFFFE003, lr  }
0x1b: {  	s9 =	sadd.s32 $0xFFFFFEF7, lr;
	s5 =	simm.s32 $0xFFFFFFFF;
	p2 =	slt.u32 s8, $0xFFFFF086  }
0x1c: {  	p1 =	slt.u32 s9, $0xF7A;
	s5 =	simm.s32 @!p2 $0x0  }
0x1d: {  	s5 =	simm.s32 @p1 $0x1;
	p0 =	seq.s32 s7, s2  }
0x1e: {  	s7 =	smul.u32 @!p0 $0xF7A, s2;
	p2 =	seq.s32 @!p0 s5, $0x0  }
0x1f: {  	s9 =	smul.u32 $0xF7A, s1;
	s8 =	simm.s32 @!p0 $0x1BF5;
	p2 =	por !p2, p0  }
0x20: {  	[sflag:s8] =	ssyncset.s32 @!p0 $0xFFFFF086;
	s6 =	sadd.s32 @!p0 s3, s7;
	s7 =	simm.s32 @!p0 $0x108  }
0x21: {  	s3 =	sadd.s32 s3, s9;
	s6 =	sadd.s32 @!p0 $0x88, s6;
	s7 =	simm.s32 @p2 $0x1082  }
0x22: {  	[simem:s7], [sflag:s8] =	dma.local @!p0 [hbm:s6], $0xF7A  }
0x23: {  	s9 =	sor.u32 $0xD0000000, s2;
	s6 =	simm.s32 $0x108;
	_ =	swait.ge @!p0 [sflag:s8], $0x0  }
0x24: {  	s3 =	sadd.s32 $0x88, s3;
	s6 =	simm.s32 @!p1 $0x1082;
	[sflag:s4] =	ssyncset.s32 $0xFFFFF086  }
0x25: {  	[simem:s6], [sflag:s4] =	dma.local [hbm:s3], $0xF7A  }
0x26: {  	[smem:$0x3F91] =	sst s1;
	(tag) =	ssettag s2;
	_ =	strace s9  }
0x27: {  	s1 =	sld [smem:$0x3FA1]  }
0x28: {  	s2 =	sld [smem:$0x3FA2]  }
0x29: {  	s4 =	sld [smem:$0x3FA4]  }
0x2a: {  	p0 =	seq.s32 s5, $0x0;
	s5 =	sld [smem:$0x3FA5]  }
0x2b: {  	s6 =	sld [smem:$0x3FA6]  }
0x2c: {  	s7 =	sld [smem:$0x3FA7]  }
0x2d: {  	s3 =	simm.s32 $0x108;
	s8 =	sld [smem:$0x3FA8]  }
0x2e: {  	s3 =	simm.s32 @!p0 $0x1082;
	s9 =	sld [smem:$0x3FA9]  }
0x2f: {  	lr =	sadd.s32 s0, s3;
	s0 =	sld [smem:$0x3FA0]  }
0x30: {  	s3 =	sld [smem:$0x3FA3]  }
0x31: {  	[smem:$0x3FAC] =	sst s10  }
0x32: {  	s10 =	sld [smem:$0x3FAA];
	_ =	sdelay $0x3  }
0x33: {  	p0 =	seq.s32 s10, $0x1;
	s10 =	sld [smem:$0x3FAC];
	_ =	sdelay $0x3  }
0x34: {  	[smem:$0x3FAC] =	sst s10  }
0x35: {  	s10 =	sld [smem:$0x3FAB];
	_ =	sdelay $0x3  }
0x36: {  	p1 =	seq.s32 s10, $0x1;
	s10 =	sld [smem:$0x3FAC];
	_ =	sdelay $0x3  }
0x37: {  	[smem:$0x3FAC] =	sst s10  }
0x38: {  	s10 =	sld [smem:$0x3FAD]  }
0x39: {  	_ = 	snop;
	(pc) =	sbr.ind lr, $3  }
0x3a: {  	_ = 	snop  }
0x3b: {  	_ = 	snop  }
0x3c: {  	p2 =	seq.s32 s10, $0x1;
	s10 =	sld [smem:$0x3FAC]  }
0x3d: {  	_ =	shalt  }
0x3e: {  	_ =	shalt  }
0x3f: {  	_ =	shalt  }
0x40: {  	_ =	shalt  }
0x41: {  	_ =	shalt  }
0x42: {  	_ =	shalt  }
0x43: {  	_ =	shalt  }
0x44: {  	_ =	shalt  }
0x45: {  	_ =	shalt  }
0x46: {  	_ =	shalt  }
0x47: {  	_ =	shalt  }
0x48: {  	_ =	shalt  }
0x49: {  	_ =	shalt  }
0x4a: {  	_ =	shalt  }
0x4b: {  	_ =	shalt  }
0x4c: {  	_ =	shalt  }
0x4d: {  	_ =	shalt  }
0x4e: {  	_ =	shalt  }
0x4f: {  	_ =	shalt  }
0x50: {  	_ =	shalt  }
0x51: {  	_ =	shalt  }
0x52: {  	_ =	shalt  }
0x53: {  	_ =	shalt  }
0x54: {  	_ =	shalt  }
0x55: {  	_ =	shalt  }
0x56: {  	_ =	shalt  }
0x57: {  	_ =	shalt  }
0x58: {  	_ =	shalt  }
0x59: {  	_ =	shalt  }
0x5a: {  	_ =	shalt  }
0x5b: {  	_ =	shalt  }
0x5c: {  	_ =	shalt  }
0x5d: {  	_ =	shalt  }
0x5e: {  	_ =	shalt  }
0x5f: {  	_ =	shalt  }
0x60: {  	_ =	shalt  }
0x61: {  	_ =	shalt  }
0x62: {  	_ =	shalt  }
0x63: {  	_ =	shalt  }
0x64: {  	_ =	shalt  }
0x65: {  	_ =	shalt  }
0x66: {  	_ =	shalt  }
0x67: {  	_ =	shalt  }
0x68: {  	_ =	shalt  }
0x69: {  	_ =	shalt  }
0x6a: {  	_ =	shalt  }
0x6b: {  	_ =	shalt  }
0x6c: {  	_ =	shalt  }
0x6d: {  	_ =	shalt  }
0x6e: {  	_ =	shalt  }
0x6f: {  	_ =	shalt  }
0x70: {  	_ =	shalt  }
0x71: {  	_ =	shalt  }
0x72: {  	_ =	shalt  }
0x73: {  	_ =	shalt  }
0x74: {  	_ =	shalt  }
0x75: {  	_ =	shalt  }
0x76: {  	_ =	shalt  }
0x77: {  	_ =	shalt  }
0x78: {  	_ =	shalt  }
0x79: {  	_ =	shalt  }
0x7a: {  	_ =	shalt  }
0x7b: {  	_ =	shalt  }
0x7c: {  	_ =	shalt  }
0x7d: {  	_ =	shalt  }
0x7e: {  	_ =	shalt  }
0x7f: {  	_ =	shalt  }
0x80: {  	_ =	shalt  }
0x81: {  	_ =	shalt  }
0x82: {  	_ =	shalt  }
0x83: {  	_ =	shalt  }
0x84: {  	_ =	shalt  }
0x85: {  	_ =	shalt  }
0x86: {  	_ =	shalt  }
0x87: {  	_ =	shalt  }
.Lfunc_end0:
.L_simem_size_0:
called_computation.1_lowered:
.L_overlay_start_0:
0x88: {  	s2 =	sld [smem:$0x3FD9]  }
0x89: {  	s3 =	sld [smem:$0x3FFE];
	_ =	sdelay $0x1  }
0x8a: {  	s1 =	srdreg.scid  }
0x8b: {  	s0 =	sand.u32 $0x1, s1  }
0x8c: {  	s16 =	sshll.u32 s0, $0xA;
	s2 =	sadd.s32 s3, s2  }
0x8d: {  	s2 =	sadd.s32 s2, s16  }
0x8e: {  	[smem:$0x3FB8] =	sst s2  }
0x8f: {  	_ = 	snop  }
0x90: {  	(tm) =	ssettm $0x1  }
0x91: {  	s17 =	sld [smem:$0x3FFB];
	_ =	sdelay $0x3  }
0x92: {  	_ =	strace s17  }
0x93: {  	s2 =	sld [smem:$0x3FFC];
	_ =	sdelay $0x3  }
0x94: {  	_ =	strace s2  }
0x95: {  	s2 =	sld [smem:$0x3FFD];
	_ =	sdelay $0x3  }
0x96: {  	_ =	strace s2  }
0x97: {  	_ =	strace $0x8FFFFFFF  }
0x98: {  	s18 =	sld [smem:$0x3FDB];
	_ =	sdelay $0x1  }
0x99: {  	s19 =	simm.s32 $_scs_section_size  }
0x9a: {  	s4 =	simm.s32 $_size__tile_overlayer_lowered;
	s5 =	simm.s32 $_tile_overlayer_lowered  }
0x9b: {  	s22 =	simm.s32 $0x1BFF;
	s21 =	sshll.u32 s5, $0x1;
	s2 =	sadd.s32 s19, s18  }
0x9c: {  	s6 =	simm.s32 $0x0;
	s20 =	sshll.u32 s4, $0x1;
	s4 =	sadd.s32 s21, s2  }
0x9d: {  	[timem:s6], [sflag:s22] =	dma.local [hbm:s4], s20  }
0x9e: {  	_ =	swait.ge [sflag:s22], s20  }
0x9f: {  	s3 =	ssub.s32 $0x0, s20;
	[sflag:s22] =	ssyncset.done $0x0  }
0xa0: {  	[sflag:s22] =	ssyncadd.s32 s3;
	_ =	sdelay $0x1  }
0xa1: {  	s23 =	simm.s32 $0x1B8B  }
0xa2: {  	_ =	swait.ge [sflag:s23], $0x1  }
0xa3: {  	[sflag:s23] =	ssyncset.done $0x0  }
0xa4: {  	s25 =	simm.s32 $0x1B8E;
	s24 =	sld [smem:$0x3FFE];
	[sflag:s23] =	ssyncadd.s32 $0xFFFFFFFF  }
0xa5: {  	s26 =	simm.s32 $execute0_lowered;
	[smem:$0x3FD2] =	sst s25  }
0xa6: {  	s4 =	sshll.u32 s26, $0x1;
	_ =	strace $0x80000049;
	[dreg:$0x1] =	wrdreg $0xFFFFFFFF  }
0xa7: {  	s28 =	simm.s32 $_size_execute0_lowered;
	s2 =	sadd.s32 s2, s4;
	[dreg:$0x0] =	wrdreg $0x0  }
0xa8: {  	s4 =	sshll.u32 s28, $0x1;
	[dreg:$0x2] =	wrdreg s2  }
0xa9: {  	[dreg:$0x3] =	wrdreg s4  }
0xaa: {  	[dreg:$0x4] =	wrdreg $0xC0  }
0xab: {  	_ =	task [dreg:s6], $0x5FFFF  }
0xac: {  	[dreg:$0x1] =	wrdreg $0xFFFFFFFF  }
0xad: {  	[dreg:$0x0] =	wrdreg $0x60  }
0xae: {  	[dreg:$0x2] =	wrdreg s24  }
0xaf: {  	[dreg:$0x3] =	wrdreg $0xB9400  }
0xb0: {  	[dreg:$0x4] =	wrdreg $0x159400  }
0xb1: {  	[dreg:$0x5] =	wrdreg $0x9  }
0xb2: {  	_ =	task.clear_ibuf [dreg:s6], $0x6FFFF;
	_ =	strace $0x90000049  }
0xb3: {  	s29 =	simm.s32 $0x9;
	_ =	strace $0x8000004B  }
0xb4: {  	_ =	swait.ge [sflag:s29], $0x1  }
0xb5: {  	[sflag:s29] =	ssyncadd.s32 $0xFFFFFFFF  }
0xb6: {  	_ =	strace $0x9000004B  }
0xb7: {  	_ =	sfence  }
0xb8: {  	s30 =	sld [smem:$0x0];
	_ =	sdelay $0x2  }
0xb9: {  	s31 =	sshll.u32 s1, $0xD;
	s1 =	sshrl.u32 s1, $0x2  }
0xba: {  	s3 =	sand.u32 $0x4000, s31;
	s1 =	sadd.s32 s1, s30  }
0xbb: {  	s0 =	sor.u32 s3, s0;
	s1 =	sshll.u32 s1, $0x11  }
0xbc: {  	s0 =	sor.u32 s1, s0  }
0xbd: {  	s0 =	sadd.s32 $0x8F2B, s0  }
0xbe: {  	[sflag:s0] =	ssyncadd.remote.s32 $0x1  }
0xbf: {  	_ =	sfence.sel $0xFFFF  }
0xc0: {  	[dreg:$0x0] =	wrdreg $0xFFFFFFFF;
	(pc) =	sbr.abs _section_cstart, $3  }
0xc1: {  	[dreg:$0x1] =	wrdreg $0xFFFFFFFF  }
0xc2: {  	_ =	task.clear_ibuf [dreg:s6], $0x2FFFF;
	_ =	strace $0x9FFFFFFF  }
0xc3: {  	(tm) =	ssettm $0x7FFFFFFF  }
tec
execute0_lowered:
.L_overlay_start_1:
0x0: {  	(tag) =	ssettag $0x1  }
0x1: {  	s5 =	rddreg [dreg:$0x0]  }
0x2: {  	s2 =	rddreg [dreg:$0x1]  }
0x3: {  	s3 =	rddreg [dreg:$0x2]  }
0x4: {  	s0 =	rddreg [dreg:$0x3]  }
0x5: {  	s1 =	stileid.u32;
	s6 =	srdreg.scid  }
0x6: {  	s4 =	simm.s32 $0x0;
	s14 =	simm.s32 $0x28A0;
	s15 =	simm.s32 $0x68  }
0x7: {  	s16 =	simm.s32 $0x5140;
	s17 =	simm.s32 $0x6B40;
	s18 =	simm.s32 $0x8540  }
0x8: {  	s19 =	simm.s32 $0x9F40;
	s20 =	simm.s32 $0x1;
	s21 =	simm.s32 $0x2  }
0x9: {  	s22 =	simm.s32 $0x0;
	s7 =	smul.u32 $0xA000, s1;
	s6 =	sand.u32 $0x1, s6  }
0xa: {  	[smem:$0x7FF] =	sst s4;
	s31 =	sshll.u32 s1, $0x6;
	s8 =	sshll.u32 s6, $0x4  }
0xb: {  	s9 =	smul.u32 $0xA0000, s6;
	_ =	strace $0x8000004A;
	s6 =	ssub.s32 $0x2, s6  }
0xc: {  	s10 =	sshrl.u32 s7, $0x3;
	s8 =	sor.u32 s1, s8;
	s11 =	sshrl.u32 s6, $0x1  }
0xd: {  	s12 =	sadd.s32 s7, s2;
	s13 =	sadd.s32 s7, s3;
	s8 =	smul.u32 $0x514, s8  }
0xe: {  	s9 =	sadd.s32 s7, s9;
	s10 =	sadd.s32 s10, s5;
	s11 =	ssub.s32 s6, s11  }
0xf: {  	s6 =	sor.u32 $0x1C03, s31;
	s13 =	sshrl.u32 s13, $0x3;
	s9 =	sshrl.u32 s9, $0x3  }
0x10: {  	s8 =	sadd.s32 s8, s5;
	s9 =	sadd.s32 s9, s5;
	s5 =	sadd.s32 $0xD200, s10  }
0x11: {  	s10 =	smax.u32 s11, $0x1;
	s11 =	sshrl.u32 s12, $0x3;
	s12 =	simm.s32 $0x3  }
0x12: {  	s7 =	sadd.s32 $0x49200, s8;
	s8 =	sadd.s32 $0x2E00, s8;
	s9 =	sadd.s32 $0x21200, s9  }
.LBB2_1:
0x13: {  	[spmem:s11], [sflag:s6] =	dma.local [hbm:s5], $0x1400  }
0x14: {  	_ =	swait.ge [sflag:s12], $0x1400  }
0x15: {  	[sflag:s12] =	ssyncset.done $0x0  }
0x16: {  	[sflag:s12] =	ssyncadd.s32 $0xFFFFEC00  }
0x17: {  	[spmem:s13], [sflag:s6] =	dma.local [hbm:s5], $0x1400  }
0x18: {  	_ =	swait.ge [sflag:s12], $0x1400  }
0x19: {  	[sflag:s12] =	ssyncset.done $0x0  }
0x1a: {  	[sflag:s12] =	ssyncadd.s32 $0xFFFFEC00  }
0x1b: {  	[tilespmem:s4], [sflag:$0x3] =	stream.linear.gather [hbm4b:s7+s4], $0x28A0, $0x38;
	[tilespmem:$0x1F940] =	vst v63  }
0x1c: {  	_ =	swait.ge [sflag:s12], $0x28A0  }
0x1d: {  	[sflag:s12] =	ssyncset.done $0x0  }
0x1e: {  	[sflag:s12] =	ssyncadd.s32 $0xFFFFD760  }
0x1f: {  	[tilespmem:s14], [sflag:$0x3] =	stream.linear.gather [hbm4b:s8+s4], $0x28A0, $0x38;
	[tilespmem:$0x1F940] =	vst v63  }
0x20: {  	_ =	swait.ge [sflag:s12], $0x28A0  }
0x21: {  	[sflag:s12] =	ssyncset.done $0x0  }
0x22: {  	[sflag:s12] =	ssyncadd.s32 $0xFFFFD760  }
0x23: {  	s23 =	simm.s32 $0x0;
	[bflag:$0x0] =	sbarrier.arrive $0xFFFF  }
0x24: {  	[tilespmem:s16], [sflag:$0x1] =	stream.indirect.gather [spmem:s2], $0x40, s23, s15, $0xb8;
	[tilespmem:$0x1F940] =	vst v63  }
0x25: {  	s24 =	simm.s32 $0x68  }
0x26: {  	[tilespmem:s17], [sflag:$0x1] =	stream.indirect.gather [spmem:s2], $0x40, s24, s15, $0xb8;
	[tilespmem:$0x1F940] =	vst v63  }
0x27: {  	s25 =	simm.s32 $0xD0  }
0x28: {  	[tilespmem:s18], [sflag:$0x1] =	stream.indirect.gather [spmem:s2], $0x40, s25, s15, $0xb8;
	[tilespmem:$0x1F940] =	vst v63  }
0x29: {  	s26 =	simm.s32 $0x138  }
0x2a: {  	[tilespmem:s19], [sflag:$0x1] =	stream.indirect.gather [spmem:s2], $0x40, s26, s15, $0xb8;
	[tilespmem:$0x1F940] =	vst v63  }
0x2b: {  	_ =	swait.ge [sflag:s20], $0x1A00  }
0x2c: {  	[sflag:s20] =	ssyncset.done $0x0  }
0x2d: {  	s28 =	simm.s32 $0x28A0;
	[sflag:s20] =	ssyncadd.s32 $0xFFFFE600  }
0x2e: {  	[spmem:s3] =	stream.indirect.scatter.add.f32 [tilespmem:s16], [sflag:$0x2], $0x40, s28, s15, $0xb8;
	[tilespmem:$0x1F940] =	vst v63  }
0x2f: {  	_ =	swait.ge [sflag:s20], $0x1A00  }
0x30: {  	[sflag:s20] =	ssyncset.done $0x0  }
0x31: {  	s29 =	simm.s32 $0x2908;
	[sflag:s20] =	ssyncadd.s32 $0xFFFFE600  }
0x32: {  	[spmem:s3] =	stream.indirect.scatter.add.f32 [tilespmem:s17], [sflag:$0x2], $0x40, s29, s15, $0xb8;
	[tilespmem:$0x1F940] =	vst v63  }
0x33: {  	_ =	swait.ge [sflag:s20], $0x1A00  }
0x34: {  	[sflag:s20] =	ssyncset.done $0x0  }
0x35: {  	s30 =	simm.s32 $0x2970;
	[sflag:s20] =	ssyncadd.s32 $0xFFFFE600  }
0x36: {  	[spmem:s3] =	stream.indirect.scatter.add.f32 [tilespmem:s18], [sflag:$0x2], $0x40, s30, s15, $0xb8;
	[tilespmem:$0x1F940] =	vst v63  }
0x37: {  	_ =	swait.ge [sflag:s20], $0x1A00  }
0x38: {  	[sflag:s20] =	ssyncset.done $0x0  }
0x39: {  	s31 =	simm.s32 $0x29D8;
	[sflag:s20] =	ssyncadd.s32 $0xFFFFE600  }
0x3a: {  	[spmem:s3] =	stream.indirect.scatter.add.f32 [tilespmem:s19], [sflag:$0x2], $0x40, s31, s15, $0xb8;
	[tilespmem:$0x1F940] =	vst v63  }
0x3b: {  	_ =	swait.ge [sflag:s21], $0x1A00  }
0x3c: {  	[sflag:s21] =	ssyncset.done $0x0  }
0x3d: {  	[sflag:s21] =	ssyncadd.s32 $0xFFFFE600  }
0x3e: {  	_ =	swait.ge [sflag:s21], $0x1A00  }
0x3f: {  	[sflag:s21] =	ssyncset.done $0x0  }
0x40: {  	[sflag:s21] =	ssyncadd.s32 $0xFFFFE600  }
0x41: {  	_ =	swait.ge [sflag:s21], $0x1A00  }
0x42: {  	[sflag:s21] =	ssyncset.done $0x0  }
0x43: {  	[sflag:s21] =	ssyncadd.s32 $0xFFFFE600  }
0x44: {  	_ =	swait.ge [sflag:s21], $0x1A00  }
0x45: {  	s23 =	simm.s32 $0x680;
	s25 =	simm.s32 $0xD00;
	[sflag:s21] =	ssyncset.done $0x0  }
.LBB2_2:
0x46: {  	s26 =	sshra.s32 s23, $0x2  }
0x47: {  	[sflag:s21] =	ssyncadd.s32 $0xFFFFE600;
	s23 =	smov.u32 s25;
	s24 =	sadd.s32 $0x680, s25  }
0x48: {  	[tilespmem:s16], [sflag:$0x1] =	stream.indirect.gather [spmem:s2], $0x40, s26, s15, $0xb8;
	[tilespmem:$0x1F940] =	vst v63  }
0x49: {  	p0 =	sne.s32 s25, $0x9C00;
	s25 =	sadd.s32 $0x68, s26  }
0x4a: {  	[tilespmem:s17], [sflag:$0x1] =	stream.indirect.gather [spmem:s2], $0x40, s25, s15, $0xb8;
	[tilespmem:$0x1F940] =	vst v63  }
0x4b: {  	s25 =	sadd.s32 $0xD0, s26  }
0x4c: {  	[tilespmem:s18], [sflag:$0x1] =	stream.indirect.gather [spmem:s2], $0x40, s25, s15, $0xb8;
	[tilespmem:$0x1F940] =	vst v63  }
0x4d: {  	s25 =	sadd.s32 $0x138, s26  }
0x4e: {  	[tilespmem:s19], [sflag:$0x1] =	stream.indirect.gather [spmem:s2], $0x40, s25, s15, $0xb8;
	[tilespmem:$0x1F940] =	vst v63  }
0x4f: {  	_ =	swait.ge [sflag:s20], $0x1A00  }
0x50: {  	[sflag:s20] =	ssyncset.done $0x0  }
0x51: {  	s25 =	sadd.s32 $0x28A0, s26;
	[sflag:s20] =	ssyncadd.s32 $0xFFFFE600  }
0x52: {  	[spmem:s3] =	stream.indirect.scatter.add.f32 [tilespmem:s16], [sflag:$0x2], $0x40, s25, s15, $0xb8;
	[tilespmem:$0x1F940] =	vst v63  }
0x53: {  	_ =	swait.ge [sflag:s20], $0x1A00  }
0x54: {  	[sflag:s20] =	ssyncset.done $0x0  }
0x55: {  	s25 =	sadd.s32 $0x2908, s26;
	[sflag:s20] =	ssyncadd.s32 $0xFFFFE600  }
0x56: {  	[spmem:s3] =	stream.indirect.scatter.add.f32 [tilespmem:s17], [sflag:$0x2], $0x40, s25, s15, $0xb8;
	[tilespmem:$0x1F940] =	vst v63  }
0x57: {  	_ =	swait.ge [sflag:s20], $0x1A00  }
0x58: {  	[sflag:s20] =	ssyncset.done $0x0  }
0x59: {  	s25 =	sadd.s32 $0x2970, s26;
	[sflag:s20] =	ssyncadd.s32 $0xFFFFE600  }
0x5a: {  	[spmem:s3] =	stream.indirect.scatter.add.f32 [tilespmem:s18], [sflag:$0x2], $0x40, s25, s15, $0xb8;
	[tilespmem:$0x1F940] =	vst v63  }
0x5b: {  	_ =	swait.ge [sflag:s20], $0x1A00  }
0x5c: {  	[sflag:s20] =	ssyncset.done $0x0  }
0x5d: {  	s25 =	sadd.s32 $0x29D8, s26;
	[sflag:s20] =	ssyncadd.s32 $0xFFFFE600  }
0x5e: {  	[spmem:s3] =	stream.indirect.scatter.add.f32 [tilespmem:s19], [sflag:$0x2], $0x40, s25, s15, $0xb8;
	[tilespmem:$0x1F940] =	vst v63  }
0x5f: {  	_ =	swait.ge [sflag:s21], $0x1A00  }
0x60: {  	[sflag:s21] =	ssyncset.done $0x0  }
0x61: {  	[sflag:s21] =	ssyncadd.s32 $0xFFFFE600  }
0x62: {  	_ =	swait.ge [sflag:s21], $0x1A00  }
0x63: {  	[sflag:s21] =	ssyncset.done $0x0  }
0x64: {  	[sflag:s21] =	ssyncadd.s32 $0xFFFFE600  }
.Ltmp0:
0x65: {  	_ =	swait.ge [sflag:s21], $0x1A00;
	(pc) =	sbr.rel @p0 .LBB2_2-.Ltmp0, $4  }
0x66: {  	[sflag:s21] =	ssyncset.done $0x0  }
0x67: {  	[sflag:s21] =	ssyncadd.s32 $0xFFFFE600  }
0x68: {  	_ =	swait.ge [sflag:s21], $0x1A00  }
0x69: {  	s25 =	smov.u32 s24;
	[sflag:s21] =	ssyncset.done $0x0  }
0x6a: {  	s23 =	sshra.s32 s23, $0x2;
	[sflag:s21] =	ssyncadd.s32 $0xFFFFE600  }
0x6b: {  	[tilespmem:s16], [sflag:$0x1] =	stream.indirect.gather [spmem:s2], $0x40, s23, s15, $0xb8;
	[tilespmem:$0x1F940] =	vst v63  }
0x6c: {  	s24 =	sadd.s32 $0x68, s23  }
0x6d: {  	[tilespmem:s17], [sflag:$0x1] =	stream.indirect.gather [spmem:s2], $0x40, s24, s15, $0xb8;
	[tilespmem:$0x1F940] =	vst v63  }
0x6e: {  	s26 =	sadd.s32 $0xD0, s23  }
0x6f: {  	[tilespmem:s18], [sflag:$0x1] =	stream.indirect.gather [spmem:s2], $0x40, s26, s15, $0xb8;
	[tilespmem:$0x1F940] =	vst v63  }
0x70: {  	s28 =	sadd.s32 $0x138, s23  }
0x71: {  	[tilespmem:s19], [sflag:$0x1] =	stream.indirect.gather [spmem:s2], $0x40, s28, s15, $0xb8;
	[tilespmem:$0x1F940] =	vst v63  }
0x72: {  	_ =	swait.ge [sflag:s20], $0x1A00  }
0x73: {  	[sflag:s20] =	ssyncset.done $0x0  }
0x74: {  	s29 =	sadd.s32 $0x28A0, s23;
	[sflag:s20] =	ssyncadd.s32 $0xFFFFE600  }
0x75: {  	[spmem:s3] =	stream.indirect.scatter.add.f32 [tilespmem:s16], [sflag:$0x2], $0x40, s29, s15, $0xb8;
	[tilespmem:$0x1F940] =	vst v63  }
0x76: {  	_ =	swait.ge [sflag:s20], $0x1A00  }
0x77: {  	[sflag:s20] =	ssyncset.done $0x0  }
0x78: {  	s30 =	sadd.s32 $0x2908, s23;
	[sflag:s20] =	ssyncadd.s32 $0xFFFFE600  }
0x79: {  	[spmem:s3] =	stream.indirect.scatter.add.f32 [tilespmem:s17], [sflag:$0x2], $0x40, s30, s15, $0xb8;
	[tilespmem:$0x1F940] =	vst v63  }
0x7a: {  	_ =	swait.ge [sflag:s20], $0x1A00  }
0x7b: {  	[sflag:s20] =	ssyncset.done $0x0  }
0x7c: {  	s31 =	sadd.s32 $0x2970, s23;
	[sflag:s20] =	ssyncadd.s32 $0xFFFFE600  }
0x7d: {  	[spmem:s3] =	stream.indirect.scatter.add.f32 [tilespmem:s18], [sflag:$0x2], $0x40, s31, s15, $0xb8;
	[tilespmem:$0x1F940] =	vst v63  }
0x7e: {  	_ =	swait.ge [sflag:s20], $0x1A00  }
0x7f: {  	[sflag:s20] =	ssyncset.done $0x0  }
0x80: {  	s23 =	sadd.s32 $0x29D8, s23;
	[sflag:s20] =	ssyncadd.s32 $0xFFFFE600  }
0x81: {  	[spmem:s3] =	stream.indirect.scatter.add.f32 [tilespmem:s19], [sflag:$0x2], $0x40, s23, s15, $0xb8;
	[tilespmem:$0x1F940] =	vst v63  }
0x82: {  	_ =	swait.ge [sflag:s21], $0x1A00  }
0x83: {  	[sflag:s21] =	ssyncset.done $0x0  }
0x84: {  	[sflag:s21] =	ssyncadd.s32 $0xFFFFE600  }
0x85: {  	_ =	swait.ge [sflag:s21], $0x1A00  }
0x86: {  	[sflag:s21] =	ssyncset.done $0x0  }
0x87: {  	[sflag:s21] =	ssyncadd.s32 $0xFFFFE600  }
0x88: {  	_ =	swait.ge [sflag:s21], $0x1A00  }
0x89: {  	[sflag:s21] =	ssyncset.done $0x0  }
0x8a: {  	[sflag:s21] =	ssyncadd.s32 $0xFFFFE600  }
0x8b: {  	_ =	swait.ge [sflag:s21], $0x1A00  }
0x8c: {  	s22 =	sadd.s32 $0x1, s22;
	[sflag:s21] =	ssyncset.done $0x0  }
0x8d: {  	p0 =	sne.s32 s22, s10;
	[sflag:s21] =	ssyncadd.s32 $0xFFFFE600  }
.Ltmp1:
0x8e: {  	[bflag:$0x0] =	sbarrier.arrive $0xFFFF;
	(pc) =	sbr.rel @p0 .LBB2_1-.Ltmp1, $4  }
0x8f: {  	[hbm:s9], [sflag:s6] =	dma.local [spmem:s13], $0x1400  }
0x90: {  	_ =	swait.ge [sflag:s12], $0x1400  }
0x91: {  	[sflag:s12] =	ssyncset.done $0x0  }
0x92: {  	[sflag:s12] =	ssyncadd.s32 $0xFFFFEC00  }
0x93: {  	_ =	sfence.sel $0x180000  }
0x94: {  	[bflag:$0x0] =	sbarrier.arrive $0xFFFF  }
0x95: {  	p0 =	sne.s32 s1, $0x0;
	_ =	strace $0x9000004A  }
0x96: {  	s0 =	sadd.s32 @!p0 $0x100000, s0;
	[bflag:$0x2] =	sbarrier.arrive $0xFFFF  }
0x97: {  	[sflag:s0] =	ssyncadd.tile.s32 @!p0 $0x1;
	_ =	shalt  }
.Lfunc_end2:
_tile_overlayer_lowered:
.L_overlay_start_2:
0x98: {  	(tag) =	ssettag $0x2  }
0x99: {  	s0 =	rddreg [dreg:$0x0];
	s2 =	stileid.u32  }
0x9a: {  	s1 =	rddreg [dreg:$0x1];
	p0 =	sne.s32 s2, $0x0  }
0x9b: {  	s3 =	rddreg [dreg:$0x2];
	[bflag:$0x3] =	sbarrier.arrive $0xFFFF;
	s2 =	simm.s32 @!p0 $0x1C03  }
0x9c: {  	[timem:s3], [sflag:s2] =	dma.local @!p0 [hbm:s0], s1  }
0x9d: {  	s0 =	simm.s32 @!p0 $0x3  }
0x9e: {  	_ =	swait.ge @!p0 [sflag:s0], s1  }
0x9f: {  	s1 =	ssub.s32 @!p0 $0x0, s1;
	[sflag:s0] =	ssyncset.done @!p0 $0x0  }
0xa0: {  	[sflag:s0] =	ssyncadd.s32 @!p0 s1  }
0xa1: {  	[bflag:$0x3] =	sbarrier.arrive $0xFFFF  }
0xa2: {  	_ =	shalt  }

// kernel: kernel.16.cloned.1.call-start
scs
__scs_entry_jumppad:
0x0: {  	(pc) =	sbr.rel $0x88, $3  }
0x1: {  	(tag) =	ssettag $0x0;
	lr =	simm.s32 $0x1  }
0x2: {  	[smem:$0x3F91] =	sst lr;
	_ =	strace $0xD0000000  }
0x3: {  	_ = 	snop  }
0x4: {  	_ = 	snop  }
0x5: {  	_ = 	snop  }
0x6: {  	_ = 	snop  }
0x7: {  	_ = 	snop  }
__scs_overlays_trampoline_lowered:
0x8: {  	[smem:$0x3FA0] =	sst s0  }
0x9: {  	[smem:$0x3FA1] =	sst s1  }
0xa: {  	[smem:$0x3FA2] =	sst s2  }
0xb: {  	[smem:$0x3FA3] =	sst s3  }
0xc: {  	[smem:$0x3FA4] =	sst s4  }
0xd: {  	[smem:$0x3FA5] =	sst s5  }
0xe: {  	[smem:$0x3FA6] =	sst s6  }
0xf: {  	[smem:$0x3FA7] =	sst s7  }
0x10: {  	[smem:$0x3FA8] =	sst s8  }
0x11: {  	[smem:$0x3FA9] =	sst s9;
	s0 =	simm.s32 @!p0 $0x0  }
0x12: {  	s1 =	sld [smem:$0x3F8F];
	s0 =	simm.s32 @p0 $0x1  }
0x13: {  	[smem:$0x3FAA] =	sst s0;
	s0 =	simm.s32 @!p1 $0x0  }
0x14: {  	s2 =	sld [smem:$0x3F8E];
	s0 =	simm.s32 @p1 $0x1  }
0x15: {  	[smem:$0x3FAB] =	sst s0;
	s0 =	simm.s32 @!p2 $0x0  }
0x16: {  	s3 =	sld [smem:$0x3FDB];
	s0 =	simm.s32 @p2 $0x1  }
0x17: {  	s4 =	simm.s32 $0x1BF5;
	[smem:$0x3FAD] =	sst s0  }
0x18: {  	s0 =	sld [smem:$0x3F90];
	_ =	swait.ge [sflag:s4], $0x0  }
0x19: {  	s7 =	sld [smem:$0x3F91]  }
0x1a: {  	s8 =	sadd.s32 $0xFFFFE003, lr  }
0x1b: {  	s9 =	sadd.s32 $0xFFFFFEF7, lr;
	s5 =	simm.s32 $0xFFFFFFFF;
	p2 =	slt.u32 s8, $0xFFFFF086  }
0x1c: {  	p1 =	slt.u32 s9, $0xF7A;
	s5 =	simm.s32 @!p2 $0x0  }
0x1d: {  	s5 =	simm.s32 @p1 $0x1;
	p0 =	seq.s32 s7, s2  }
0x1e: {  	s7 =	smul.u32 @!p0 $0xF7A, s2;
	p2 =	seq.s32 @!p0 s5, $0x0  }
0x1f: {  	s9 =	smul.u32 $0xF7A, s1;
	s8 =	simm.s32 @!p0 $0x1BF5;
	p2 =	por !p2, p0  }
0x20: {  	[sflag:s8] =	ssyncset.s32 @!p0 $0xFFFFF086;
	s6 =	sadd.s32 @!p0 s3, s7;
	s7 =	simm.s32 @!p0 $0x108  }
0x21: {  	s3 =	sadd.s32 s3, s9;
	s6 =	sadd.s32 @!p0 $0x88, s6;
	s7 =	simm.s32 @p2 $0x1082  }
0x22: {  	[simem:s7], [sflag:s8] =	dma.local @!p0 [hbm:s6], $0xF7A  }
0x23: {  	s9 =	sor.u32 $0xD0000000, s2;
	s6 =	simm.s32 $0x108;
	_ =	swait.ge @!p0 [sflag:s8], $0x0  }
0x24: {  	s3 =	sadd.s32 $0x88, s3;
	s6 =	simm.s32 @!p1 $0x1082;
	[sflag:s4] =	ssyncset.s32 $0xFFFFF086  }
0x25: {  	[simem:s6], [sflag:s4] =	dma.local [hbm:s3], $0xF7A  }
0x26: {  	[smem:$0x3F91] =	sst s1;
	(tag) =	ssettag s2;
	_ =	strace s9  }
0x27: {  	s1 =	sld [smem:$0x3FA1]  }
0x28: {  	s2 =	sld [smem:$0x3FA2]  }
0x29: {  	s4 =	sld [smem:$0x3FA4]  }
0x2a: {  	p0 =	seq.s32 s5, $0x0;
	s5 =	sld [smem:$0x3FA5]  }
0x2b: {  	s6 =	sld [smem:$0x3FA6]  }
0x2c: {  	s7 =	sld [smem:$0x3FA7]  }
0x2d: {  	s3 =	simm.s32 $0x108;
	s8 =	sld [smem:$0x3FA8]  }
0x2e: {  	s3 =	simm.s32 @!p0 $0x1082;
	s9 =	sld [smem:$0x3FA9]  }
0x2f: {  	lr =	sadd.s32 s0, s3;
	s0 =	sld [smem:$0x3FA0]  }
0x30: {  	s3 =	sld [smem:$0x3FA3]  }
0x31: {  	[smem:$0x3FAC] =	sst s10  }
0x32: {  	s10 =	sld [smem:$0x3FAA];
	_ =	sdelay $0x3  }
0x33: {  	p0 =	seq.s32 s10, $0x1;
	s10 =	sld [smem:$0x3FAC];
	_ =	sdelay $0x3  }
0x34: {  	[smem:$0x3FAC] =	sst s10  }
0x35: {  	s10 =	sld [smem:$0x3FAB];
	_ =	sdelay $0x3  }
0x36: {  	p1 =	seq.s32 s10, $0x1;
	s10 =	sld [smem:$0x3FAC];
	_ =	sdelay $0x3  }
0x37: {  	[smem:$0x3FAC] =	sst s10  }
0x38: {  	s10 =	sld [smem:$0x3FAD]  }
0x39: {  	_ = 	snop;
	(pc) =	sbr.ind lr, $3  }
0x3a: {  	_ = 	snop  }
0x3b: {  	_ = 	snop  }
0x3c: {  	p2 =	seq.s32 s10, $0x1;
	s10 =	sld [smem:$0x3FAC]  }
0x3d: {  	_ =	shalt  }
0x3e: {  	_ =	shalt  }
0x3f: {  	_ =	shalt  }
0x40: {  	_ =	shalt  }
0x41: {  	_ =	shalt  }
0x42: {  	_ =	shalt  }
0x43: {  	_ =	shalt  }
0x44: {  	_ =	shalt  }
0x45: {  	_ =	shalt  }
0x46: {  	_ =	shalt  }
0x47: {  	_ =	shalt  }
0x48: {  	_ =	shalt  }
0x49: {  	_ =	shalt  }
0x4a: {  	_ =	shalt  }
0x4b: {  	_ =	shalt  }
0x4c: {  	_ =	shalt  }
0x4d: {  	_ =	shalt  }
0x4e: {  	_ =	shalt  }
0x4f: {  	_ =	shalt  }
0x50: {  	_ =	shalt  }
0x51: {  	_ =	shalt  }
0x52: {  	_ =	shalt  }
0x53: {  	_ =	shalt  }
0x54: {  	_ =	shalt  }
0x55: {  	_ =	shalt  }
0x56: {  	_ =	shalt  }
0x57: {  	_ =	shalt  }
0x58: {  	_ =	shalt  }
0x59: {  	_ =	shalt  }
0x5a: {  	_ =	shalt  }
0x5b: {  	_ =	shalt  }
0x5c: {  	_ =	shalt  }
0x5d: {  	_ =	shalt  }
0x5e: {  	_ =	shalt  }
0x5f: {  	_ =	shalt  }
0x60: {  	_ =	shalt  }
0x61: {  	_ =	shalt  }
0x62: {  	_ =	shalt  }
0x63: {  	_ =	shalt  }
0x64: {  	_ =	shalt  }
0x65: {  	_ =	shalt  }
0x66: {  	_ =	shalt  }
0x67: {  	_ =	shalt  }
0x68: {  	_ =	shalt  }
0x69: {  	_ =	shalt  }
0x6a: {  	_ =	shalt  }
0x6b: {  	_ =	shalt  }
0x6c: {  	_ =	shalt  }
0x6d: {  	_ =	shalt  }
0x6e: {  	_ =	shalt  }
0x6f: {  	_ =	shalt  }
0x70: {  	_ =	shalt  }
0x71: {  	_ =	shalt  }
0x72: {  	_ =	shalt  }
0x73: {  	_ =	shalt  }
0x74: {  	_ =	shalt  }
0x75: {  	_ =	shalt  }
0x76: {  	_ =	shalt  }
0x77: {  	_ =	shalt  }
0x78: {  	_ =	shalt  }
0x79: {  	_ =	shalt  }
0x7a: {  	_ =	shalt  }
0x7b: {  	_ =	shalt  }
0x7c: {  	_ =	shalt  }
0x7d: {  	_ =	shalt  }
0x7e: {  	_ =	shalt  }
0x7f: {  	_ =	shalt  }
0x80: {  	_ =	shalt  }
0x81: {  	_ =	shalt  }
0x82: {  	_ =	shalt  }
0x83: {  	_ =	shalt  }
0x84: {  	_ =	shalt  }
0x85: {  	_ =	shalt  }
0x86: {  	_ =	shalt  }
0x87: {  	_ =	shalt  }
.Lfunc_end0:
.L_simem_size_0:
called_computation.2_lowered:
.L_overlay_start_0:
0x88: {  	s2 =	sld [smem:$0x3FD9]  }
0x89: {  	s3 =	sld [smem:$0x3FFE];
	_ =	sdelay $0x1  }
0x8a: {  	s1 =	srdreg.scid  }
0x8b: {  	s0 =	sand.u32 $0x1, s1  }
0x8c: {  	s16 =	sshll.u32 s0, $0xA;
	s2 =	sadd.s32 s3, s2  }
0x8d: {  	s2 =	sadd.s32 s2, s16  }
0x8e: {  	[smem:$0x3FB8] =	sst s2  }
0x8f: {  	_ = 	snop  }
0x90: {  	(tm) =	ssettm $0x1  }
0x91: {  	s17 =	sld [smem:$0x3FFB];
	_ =	sdelay $0x3  }
0x92: {  	_ =	strace s17  }
0x93: {  	s2 =	sld [smem:$0x3FFC];
	_ =	sdelay $0x3  }
0x94: {  	_ =	strace s2  }
0x95: {  	s2 =	sld [smem:$0x3FFD];
	_ =	sdelay $0x3  }
0x96: {  	_ =	strace s2  }
0x97: {  	_ =	strace $0x8FFFFFFF  }
0x98: {  	s18 =	sld [smem:$0x3FDB];
	_ =	sdelay $0x1  }
0x99: {  	s19 =	simm.s32 $_scs_section_size  }
0x9a: {  	s4 =	simm.s32 $_size__tile_overlayer_lowered;
	s5 =	simm.s32 $_tile_overlayer_lowered  }
0x9b: {  	s22 =	simm.s32 $0x1BFF;
	s21 =	sshll.u32 s5, $0x1;
	s2 =	sadd.s32 s19, s18  }
0x9c: {  	s6 =	simm.s32 $0x0;
	s20 =	sshll.u32 s4, $0x1;
	s4 =	sadd.s32 s21, s2  }
0x9d: {  	[timem:s6], [sflag:s22] =	dma.local [hbm:s4], s20  }
0x9e: {  	_ =	swait.ge [sflag:s22], s20  }
0x9f: {  	s3 =	ssub.s32 $0x0, s20;
	[sflag:s22] =	ssyncset.done $0x0  }
0xa0: {  	[sflag:s22] =	ssyncadd.s32 s3;
	_ =	sdelay $0x1  }
0xa1: {  	s23 =	simm.s32 $0x1B8B  }
0xa2: {  	_ =	swait.ge [sflag:s23], $0x1  }
0xa3: {  	[sflag:s23] =	ssyncset.done $0x0  }
0xa4: {  	s25 =	simm.s32 $0x1B8E;
	s24 =	sld [smem:$0x3FFE];
	[sflag:s23] =	ssyncadd.s32 $0xFFFFFFFF  }
0xa5: {  	s26 =	simm.s32 $execute0_lowered;
	[smem:$0x3FD2] =	sst s25  }
0xa6: {  	s4 =	sshll.u32 s26, $0x1;
	_ =	strace $0x8000004C;
	[dreg:$0x1] =	wrdreg $0xFFFFFFFF  }
0xa7: {  	s28 =	simm.s32 $_size_execute0_lowered;
	s2 =	sadd.s32 s2, s4;
	[dreg:$0x0] =	wrdreg $0x0  }
0xa8: {  	s4 =	sshll.u32 s28, $0x1;
	[dreg:$0x2] =	wrdreg s2  }
0xa9: {  	[dreg:$0x3] =	wrdreg s4  }
0xaa: {  	[dreg:$0x4] =	wrdreg $0xC0  }
0xab: {  	_ =	task [dreg:s6], $0x5FFFF  }
0xac: {  	[dreg:$0x1] =	wrdreg $0xFFFFFFFF  }
0xad: {  	[dreg:$0x0] =	wrdreg $0x60  }
0xae: {  	[dreg:$0x2] =	wrdreg s24  }
0xaf: {  	[dreg:$0x3] =	wrdreg $0xB9400  }
0xb0: {  	[dreg:$0x4] =	wrdreg $0x159400  }
0xb1: {  	[dreg:$0x5] =	wrdreg $0x9  }
0xb2: {  	_ =	task.clear_ibuf [dreg:s6], $0x6FFFF;
	_ =	strace $0x9000004C  }
0xb3: {  	s29 =	simm.s32 $0x9;
	_ =	strace $0x8000004E  }
0xb4: {  	_ =	swait.ge [sflag:s29], $0x1  }
0xb5: {  	[sflag:s29] =	ssyncadd.s32 $0xFFFFFFFF  }
0xb6: {  	_ =	strace $0x9000004E  }
0xb7: {  	_ =	sfence  }
0xb8: {  	s30 =	sld [smem:$0x0];
	_ =	sdelay $0x2  }
0xb9: {  	s31 =	sshll.u32 s1, $0xD;
	s1 =	sshrl.u32 s1, $0x2  }
0xba: {  	s3 =	sand.u32 $0x4000, s31;
	s1 =	sadd.s32 s1, s30  }
0xbb: {  	s0 =	sor.u32 s3, s0;
	s1 =	sshll.u32 s1, $0x11  }
0xbc: {  	s0 =	sor.u32 s1, s0  }
0xbd: {  	s0 =	sadd.s32 $0x8F2B, s0  }
0xbe: {  	[sflag:s0] =	ssyncadd.remote.s32 $0x1  }
0xbf: {  	_ =	sfence.sel $0xFFFF  }
0xc0: {  	[dreg:$0x0] =	wrdreg $0xFFFFFFFF;
	(pc) =	sbr.abs _section_cstart, $3  }
0xc1: {  	[dreg:$0x1] =	wrdreg $0xFFFFFFFF  }
0xc2: {  	_ =	task.clear_ibuf [dreg:s6], $0x2FFFF;
	_ =	strace $0x9FFFFFFF  }
0xc3: {  	(tm) =	ssettm $0x7FFFFFFF  }
tec
execute0_lowered:
.L_overlay_start_1:
0x0: {  	(tag) =	ssettag $0x1  }
0x1: {  	s5 =	rddreg [dreg:$0x0]  }
0x2: {  	s2 =	rddreg [dreg:$0x1]  }
0x3: {  	s3 =	rddreg [dreg:$0x2]  }
0x4: {  	s0 =	rddreg [dreg:$0x3]  }
0x5: {  	s1 =	stileid.u32;
	s6 =	srdreg.scid  }
0x6: {  	s4 =	simm.s32 $0x0;
	s14 =	simm.s32 $0x28A0;
	s15 =	simm.s32 $0x68  }
0x7: {  	s16 =	simm.s32 $0x5140;
	s17 =	simm.s32 $0x6B40;
	s18 =	simm.s32 $0x8540  }
0x8: {  	s19 =	simm.s32 $0x9F40;
	s20 =	simm.s32 $0x1;
	s21 =	simm.s32 $0x2  }
0x9: {  	s22 =	simm.s32 $0x0;
	s7 =	smul.u32 $0xA000, s1;
	s6 =	sand.u32 $0x1, s6  }
0xa: {  	[smem:$0x7FF] =	sst s4;
	s31 =	sshll.u32 s1, $0x6;
	s8 =	sshll.u32 s6, $0x4  }
0xb: {  	s9 =	smul.u32 $0xA0000, s6;
	_ =	strace $0x8000004D;
	s6 =	ssub.s32 $0x2, s6  }
0xc: {  	s10 =	sshrl.u32 s7, $0x3;
	s8 =	sor.u32 s1, s8;
	s11 =	sshrl.u32 s6, $0x1  }
0xd: {  	s12 =	sadd.s32 s7, s2;
	s13 =	sadd.s32 s7, s3;
	s8 =	smul.u32 $0x514, s8  }
0xe: {  	s9 =	sadd.s32 s7, s9;
	s10 =	sadd.s32 s10, s5;
	s11 =	ssub.s32 s6, s11  }
0xf: {  	s6 =	sor.u32 $0x1C03, s31;
	s13 =	sshrl.u32 s13, $0x3;
	s9 =	sshrl.u32 s9, $0x3  }
0x10: {  	s8 =	sadd.s32 s8, s5;
	s9 =	sadd.s32 s9, s5;
	s5 =	sadd.s32 $0xD200, s10  }
0x11: {  	s10 =	smax.u32 s11, $0x1;
	s11 =	sshrl.u32 s12, $0x3;
	s12 =	simm.s32 $0x3  }
0x12: {  	s7 =	sadd.s32 $0x49200, s8;
	s8 =	sadd.s32 $0x2E00, s8;
	s9 =	sadd.s32 $0x21200, s9  }
.LBB2_1:
0x13: {  	[spmem:s11], [sflag:s6] =	dma.local [hbm:s5], $0x1400  }
0x14: {  	_ =	swait.ge [sflag:s12], $0x1400  }
0x15: {  	[sflag:s12] =	ssyncset.done $0x0  }
0x16: {  	[sflag:s12] =	ssyncadd.s32 $0xFFFFEC00  }
0x17: {  	[spmem:s13], [sflag:s6] =	dma.local [hbm:s5], $0x1400  }
0x18: {  	_ =	swait.ge [sflag:s12], $0x1400  }
0x19: {  	[sflag:s12] =	ssyncset.done $0x0  }
0x1a: {  	[sflag:s12] =	ssyncadd.s32 $0xFFFFEC00  }
0x1b: {  	[tilespmem:s4], [sflag:$0x3] =	stream.linear.gather [hbm4b:s7+s4], $0x28A0, $0x38;
	[tilespmem:$0x1F940] =	vst v63  }
0x1c: {  	_ =	swait.ge [sflag:s12], $0x28A0  }
0x1d: {  	[sflag:s12] =	ssyncset.done $0x0  }
0x1e: {  	[sflag:s12] =	ssyncadd.s32 $0xFFFFD760  }
0x1f: {  	[tilespmem:s14], [sflag:$0x3] =	stream.linear.gather [hbm4b:s8+s4], $0x28A0, $0x38;
	[tilespmem:$0x1F940] =	vst v63  }
0x20: {  	_ =	swait.ge [sflag:s12], $0x28A0  }
0x21: {  	[sflag:s12] =	ssyncset.done $0x0  }
0x22: {  	[sflag:s12] =	ssyncadd.s32 $0xFFFFD760  }
0x23: {  	s23 =	simm.s32 $0x0;
	[bflag:$0x0] =	sbarrier.arrive $0xFFFF  }
0x24: {  	[tilespmem:s16], [sflag:$0x1] =	stream.indirect.gather [spmem:s2], $0x40, s23, s15, $0xb8;
	[tilespmem:$0x1F940] =	vst v63  }
0x25: {  	s24 =	simm.s32 $0x68  }
0x26: {  	[tilespmem:s17], [sflag:$0x1] =	stream.indirect.gather [spmem:s2], $0x40, s24, s15, $0xb8;
	[tilespmem:$0x1F940] =	vst v63  }
0x27: {  	s25 =	simm.s32 $0xD0  }
0x28: {  	[tilespmem:s18], [sflag:$0x1] =	stream.indirect.gather [spmem:s2], $0x40, s25, s15, $0xb8;
	[tilespmem:$0x1F940] =	vst v63  }
0x29: {  	s26 =	simm.s32 $0x138  }
0x2a: {  	[tilespmem:s19], [sflag:$0x1] =	stream.indirect.gather [spmem:s2], $0x40, s26, s15, $0xb8;
	[tilespmem:$0x1F940] =	vst v63  }
0x2b: {  	_ =	swait.ge [sflag:s20], $0x1A00  }
0x2c: {  	[sflag:s20] =	ssyncset.done $0x0  }
0x2d: {  	s28 =	simm.s32 $0x28A0;
	[sflag:s20] =	ssyncadd.s32 $0xFFFFE600  }
0x2e: {  	[spmem:s3] =	stream.indirect.scatter.add.f32 [tilespmem:s16], [sflag:$0x2], $0x40, s28, s15, $0xb8;
	[tilespmem:$0x1F940] =	vst v63  }
0x2f: {  	_ =	swait.ge [sflag:s20], $0x1A00  }
0x30: {  	[sflag:s20] =	ssyncset.done $0x0  }
0x31: {  	s29 =	simm.s32 $0x2908;
	[sflag:s20] =	ssyncadd.s32 $0xFFFFE600  }
0x32: {  	[spmem:s3] =	stream.indirect.scatter.add.f32 [tilespmem:s17], [sflag:$0x2], $0x40, s29, s15, $0xb8;
	[tilespmem:$0x1F940] =	vst v63  }
0x33: {  	_ =	swait.ge [sflag:s20], $0x1A00  }
0x34: {  	[sflag:s20] =	ssyncset.done $0x0  }
0x35: {  	s30 =	simm.s32 $0x2970;
	[sflag:s20] =	ssyncadd.s32 $0xFFFFE600  }
0x36: {  	[spmem:s3] =	stream.indirect.scatter.add.f32 [tilespmem:s18], [sflag:$0x2], $0x40, s30, s15, $0xb8;
	[tilespmem:$0x1F940] =	vst v63  }
0x37: {  	_ =	swait.ge [sflag:s20], $0x1A00  }
0x38: {  	[sflag:s20] =	ssyncset.done $0x0  }
0x39: {  	s31 =	simm.s32 $0x29D8;
	[sflag:s20] =	ssyncadd.s32 $0xFFFFE600  }
0x3a: {  	[spmem:s3] =	stream.indirect.scatter.add.f32 [tilespmem:s19], [sflag:$0x2], $0x40, s31, s15, $0xb8;
	[tilespmem:$0x1F940] =	vst v63  }
0x3b: {  	_ =	swait.ge [sflag:s21], $0x1A00  }
0x3c: {  	[sflag:s21] =	ssyncset.done $0x0  }
0x3d: {  	[sflag:s21] =	ssyncadd.s32 $0xFFFFE600  }
0x3e: {  	_ =	swait.ge [sflag:s21], $0x1A00  }
0x3f: {  	[sflag:s21] =	ssyncset.done $0x0  }
0x40: {  	[sflag:s21] =	ssyncadd.s32 $0xFFFFE600  }
0x41: {  	_ =	swait.ge [sflag:s21], $0x1A00  }
0x42: {  	[sflag:s21] =	ssyncset.done $0x0  }
0x43: {  	[sflag:s21] =	ssyncadd.s32 $0xFFFFE600  }
0x44: {  	_ =	swait.ge [sflag:s21], $0x1A00  }
0x45: {  	s23 =	simm.s32 $0x680;
	s25 =	simm.s32 $0xD00;
	[sflag:s21] =	ssyncset.done $0x0  }
.LBB2_2:
0x46: {  	s26 =	sshra.s32 s23, $0x2  }
0x47: {  	[sflag:s21] =	ssyncadd.s32 $0xFFFFE600;
	s23 =	smov.u32 s25;
	s24 =	sadd.s32 $0x680, s25  }
0x48: {  	[tilespmem:s16], [sflag:$0x1] =	stream.indirect.gather [spmem:s2], $0x40, s26, s15, $0xb8;
	[tilespmem:$0x1F940] =	vst v63  }
0x49: {  	p0 =	sne.s32 s25, $0x9C00;
	s25 =	sadd.s32 $0x68, s26  }
0x4a: {  	[tilespmem:s17], [sflag:$0x1] =	stream.indirect.gather [spmem:s2], $0x40, s25, s15, $0xb8;
	[tilespmem:$0x1F940] =	vst v63  }
0x4b: {  	s25 =	sadd.s32 $0xD0, s26  }
0x4c: {  	[tilespmem:s18], [sflag:$0x1] =	stream.indirect.gather [spmem:s2], $0x40, s25, s15, $0xb8;
	[tilespmem:$0x1F940] =	vst v63  }
0x4d: {  	s25 =	sadd.s32 $0x138, s26  }
0x4e: {  	[tilespmem:s19], [sflag:$0x1] =	stream.indirect.gather [spmem:s2], $0x40, s25, s15, $0xb8;
	[tilespmem:$0x1F940] =	vst v63  }
0x4f: {  	_ =	swait.ge [sflag:s20], $0x1A00  }
0x50: {  	[sflag:s20] =	ssyncset.done $0x0  }
0x51: {  	s25 =	sadd.s32 $0x28A0, s26;
	[sflag:s20] =	ssyncadd.s32 $0xFFFFE600  }
0x52: {  	[spmem:s3] =	stream.indirect.scatter.add.f32 [tilespmem:s16], [sflag:$0x2], $0x40, s25, s15, $0xb8;
	[tilespmem:$0x1F940] =	vst v63  }
0x53: {  	_ =	swait.ge [sflag:s20], $0x1A00  }
0x54: {  	[sflag:s20] =	ssyncset.done $0x0  }
0x55: {  	s25 =	sadd.s32 $0x2908, s26;
	[sflag:s20] =	ssyncadd.s32 $0xFFFFE600  }
0x56: {  	[spmem:s3] =	stream.indirect.scatter.add.f32 [tilespmem:s17], [sflag:$0x2], $0x40, s25, s15, $0xb8;
	[tilespmem:$0x1F940] =	vst v63  }
0x57: {  	_ =	swait.ge [sflag:s20], $0x1A00  }
0x58: {  	[sflag:s20] =	ssyncset.done $0x0  }
0x59: {  	s25 =	sadd.s32 $0x2970, s26;
	[sflag:s20] =	ssyncadd.s32 $0xFFFFE600  }
0x5a: {  	[spmem:s3] =	stream.indirect.scatter.add.f32 [tilespmem:s18], [sflag:$0x2], $0x40, s25, s15, $0xb8;
	[tilespmem:$0x1F940] =	vst v63  }
0x5b: {  	_ =	swait.ge [sflag:s20], $0x1A00  }
0x5c: {  	[sflag:s20] =	ssyncset.done $0x0  }
0x5d: {  	s25 =	sadd.s32 $0x29D8, s26;
	[sflag:s20] =	ssyncadd.s32 $0xFFFFE600  }
0x5e: {  	[spmem:s3] =	stream.indirect.scatter.add.f32 [tilespmem:s19], [sflag:$0x2], $0x40, s25, s15, $0xb8;
	[tilespmem:$0x1F940] =	vst v63  }
0x5f: {  	_ =	swait.ge [sflag:s21], $0x1A00  }
0x60: {  	[sflag:s21] =	ssyncset.done $0x0  }
0x61: {  	[sflag:s21] =	ssyncadd.s32 $0xFFFFE600  }
0x62: {  	_ =	swait.ge [sflag:s21], $0x1A00  }
0x63: {  	[sflag:s21] =	ssyncset.done $0x0  }
0x64: {  	[sflag:s21] =	ssyncadd.s32 $0xFFFFE600  }
.Ltmp0:
0x65: {  	_ =	swait.ge [sflag:s21], $0x1A00;
	(pc) =	sbr.rel @p0 .LBB2_2-.Ltmp0, $4  }
0x66: {  	[sflag:s21] =	ssyncset.done $0x0  }
0x67: {  	[sflag:s21] =	ssyncadd.s32 $0xFFFFE600  }
0x68: {  	_ =	swait.ge [sflag:s21], $0x1A00  }
0x69: {  	s25 =	smov.u32 s24;
	[sflag:s21] =	ssyncset.done $0x0  }
0x6a: {  	s23 =	sshra.s32 s23, $0x2;
	[sflag:s21] =	ssyncadd.s32 $0xFFFFE600  }
0x6b: {  	[tilespmem:s16], [sflag:$0x1] =	stream.indirect.gather [spmem:s2], $0x40, s23, s15, $0xb8;
	[tilespmem:$0x1F940] =	vst v63  }
0x6c: {  	s24 =	sadd.s32 $0x68, s23  }
0x6d: {  	[tilespmem:s17], [sflag:$0x1] =	stream.indirect.gather [spmem:s2], $0x40, s24, s15, $0xb8;
	[tilespmem:$0x1F940] =	vst v63  }
0x6e: {  	s26 =	sadd.s32 $0xD0, s23  }
0x6f: {  	[tilespmem:s18], [sflag:$0x1] =	stream.indirect.gather [spmem:s2], $0x40, s26, s15, $0xb8;
	[tilespmem:$0x1F940] =	vst v63  }
0x70: {  	s28 =	sadd.s32 $0x138, s23  }
0x71: {  	[tilespmem:s19], [sflag:$0x1] =	stream.indirect.gather [spmem:s2], $0x40, s28, s15, $0xb8;
	[tilespmem:$0x1F940] =	vst v63  }
0x72: {  	_ =	swait.ge [sflag:s20], $0x1A00  }
0x73: {  	[sflag:s20] =	ssyncset.done $0x0  }
0x74: {  	s29 =	sadd.s32 $0x28A0, s23;
	[sflag:s20] =	ssyncadd.s32 $0xFFFFE600  }
0x75: {  	[spmem:s3] =	stream.indirect.scatter.add.f32 [tilespmem:s16], [sflag:$0x2], $0x40, s29, s15, $0xb8;
	[tilespmem:$0x1F940] =	vst v63  }
0x76: {  	_ =	swait.ge [sflag:s20], $0x1A00  }
0x77: {  	[sflag:s20] =	ssyncset.done $0x0  }
0x78: {  	s30 =	sadd.s32 $0x2908, s23;
	[sflag:s20] =	ssyncadd.s32 $0xFFFFE600  }
0x79: {  	[spmem:s3] =	stream.indirect.scatter.add.f32 [tilespmem:s17], [sflag:$0x2], $0x40, s30, s15, $0xb8;
	[tilespmem:$0x1F940] =	vst v63  }
0x7a: {  	_ =	swait.ge [sflag:s20], $0x1A00  }
0x7b: {  	[sflag:s20] =	ssyncset.done $0x0  }
0x7c: {  	s31 =	sadd.s32 $0x2970, s23;
	[sflag:s20] =	ssyncadd.s32 $0xFFFFE600  }
0x7d: {  	[spmem:s3] =	stream.indirect.scatter.add.f32 [tilespmem:s18], [sflag:$0x2], $0x40, s31, s15, $0xb8;
	[tilespmem:$0x1F940] =	vst v63  }
0x7e: {  	_ =	swait.ge [sflag:s20], $0x1A00  }
0x7f: {  	[sflag:s20] =	ssyncset.done $0x0  }
0x80: {  	s23 =	sadd.s32 $0x29D8, s23;
	[sflag:s20] =	ssyncadd.s32 $0xFFFFE600  }
0x81: {  	[spmem:s3] =	stream.indirect.scatter.add.f32 [tilespmem:s19], [sflag:$0x2], $0x40, s23, s15, $0xb8;
	[tilespmem:$0x1F940] =	vst v63  }
0x82: {  	_ =	swait.ge [sflag:s21], $0x1A00  }
0x83: {  	[sflag:s21] =	ssyncset.done $0x0  }
0x84: {  	[sflag:s21] =	ssyncadd.s32 $0xFFFFE600  }
0x85: {  	_ =	swait.ge [sflag:s21], $0x1A00  }
0x86: {  	[sflag:s21] =	ssyncset.done $0x0  }
0x87: {  	[sflag:s21] =	ssyncadd.s32 $0xFFFFE600  }
0x88: {  	_ =	swait.ge [sflag:s21], $0x1A00  }
0x89: {  	[sflag:s21] =	ssyncset.done $0x0  }
0x8a: {  	[sflag:s21] =	ssyncadd.s32 $0xFFFFE600  }
0x8b: {  	_ =	swait.ge [sflag:s21], $0x1A00  }
0x8c: {  	s22 =	sadd.s32 $0x1, s22;
	[sflag:s21] =	ssyncset.done $0x0  }
0x8d: {  	p0 =	sne.s32 s22, s10;
	[sflag:s21] =	ssyncadd.s32 $0xFFFFE600  }
.Ltmp1:
0x8e: {  	[bflag:$0x0] =	sbarrier.arrive $0xFFFF;
	(pc) =	sbr.rel @p0 .LBB2_1-.Ltmp1, $4  }
0x8f: {  	[hbm:s9], [sflag:s6] =	dma.local [spmem:s13], $0x1400  }
0x90: {  	_ =	swait.ge [sflag:s12], $0x1400  }
0x91: {  	[sflag:s12] =	ssyncset.done $0x0  }
0x92: {  	[sflag:s12] =	ssyncadd.s32 $0xFFFFEC00  }
0x93: {  	_ =	sfence.sel $0x180000  }
0x94: {  	[bflag:$0x0] =	sbarrier.arrive $0xFFFF  }
0x95: {  	p0 =	sne.s32 s1, $0x0;
	_ =	strace $0x9000004D  }
0x96: {  	s0 =	sadd.s32 @!p0 $0x100000, s0;
	[bflag:$0x2] =	sbarrier.arrive $0xFFFF  }
0x97: {  	[sflag:s0] =	ssyncadd.tile.s32 @!p0 $0x1;
	_ =	shalt  }
.Lfunc_end2:
_tile_overlayer_lowered:
.L_overlay_start_2:
0x98: {  	(tag) =	ssettag $0x2  }
0x99: {  	s0 =	rddreg [dreg:$0x0];
	s2 =	stileid.u32  }
0x9a: {  	s1 =	rddreg [dreg:$0x1];
	p0 =	sne.s32 s2, $0x0  }
0x9b: {  	s3 =	rddreg [dreg:$0x2];
	[bflag:$0x3] =	sbarrier.arrive $0xFFFF;
	s2 =	simm.s32 @!p0 $0x1C03  }
0x9c: {  	[timem:s3], [sflag:s2] =	dma.local @!p0 [hbm:s0], s1  }
0x9d: {  	s0 =	simm.s32 @!p0 $0x3  }
0x9e: {  	_ =	swait.ge @!p0 [sflag:s0], s1  }
0x9f: {  	s1 =	ssub.s32 @!p0 $0x0, s1;
	[sflag:s0] =	ssyncset.done @!p0 $0x0  }
0xa0: {  	[sflag:s0] =	ssyncadd.s32 @!p0 s1  }
0xa1: {  	[bflag:$0x3] =	sbarrier.arrive $0xFFFF  }
0xa2: {  	_ =	shalt  }

// kernel: kernel.19.cloned.1.call-start
scs
__scs_entry_jumppad:
0x0: {  	(pc) =	sbr.rel $0x88, $3  }
0x1: {  	(tag) =	ssettag $0x0;
	lr =	simm.s32 $0x1  }
0x2: {  	[smem:$0x3F91] =	sst lr;
	_ =	strace $0xD0000000  }
0x3: {  	_ = 	snop  }
0x4: {  	_ = 	snop  }
0x5: {  	_ = 	snop  }
0x6: {  	_ = 	snop  }
0x7: {  	_ = 	snop  }
__scs_overlays_trampoline_lowered:
0x8: {  	[smem:$0x3FA0] =	sst s0  }
0x9: {  	[smem:$0x3FA1] =	sst s1  }
0xa: {  	[smem:$0x3FA2] =	sst s2  }
0xb: {  	[smem:$0x3FA3] =	sst s3  }
0xc: {  	[smem:$0x3FA4] =	sst s4  }
0xd: {  	[smem:$0x3FA5] =	sst s5  }
0xe: {  	[smem:$0x3FA6] =	sst s6  }
0xf: {  	[smem:$0x3FA7] =	sst s7  }
0x10: {  	[smem:$0x3FA8] =	sst s8  }
0x11: {  	[smem:$0x3FA9] =	sst s9;
	s0 =	simm.s32 @!p0 $0x0  }
0x12: {  	s1 =	sld [smem:$0x3F8F];
	s0 =	simm.s32 @p0 $0x1  }
0x13: {  	[smem:$0x3FAA] =	sst s0;
	s0 =	simm.s32 @!p1 $0x0  }
0x14: {  	s2 =	sld [smem:$0x3F8E];
	s0 =	simm.s32 @p1 $0x1  }
0x15: {  	[smem:$0x3FAB] =	sst s0;
	s0 =	simm.s32 @!p2 $0x0  }
0x16: {  	s3 =	sld [smem:$0x3FDB];
	s0 =	simm.s32 @p2 $0x1  }
0x17: {  	s4 =	simm.s32 $0x1BF5;
	[smem:$0x3FAD] =	sst s0  }
0x18: {  	s0 =	sld [smem:$0x3F90];
	_ =	swait.ge [sflag:s4], $0x0  }
0x19: {  	s7 =	sld [smem:$0x3F91]  }
0x1a: {  	s8 =	sadd.s32 $0xFFFFE003, lr  }
0x1b: {  	s9 =	sadd.s32 $0xFFFFFEF7, lr;
	s5 =	simm.s32 $0xFFFFFFFF;
	p2 =	slt.u32 s8, $0xFFFFF086  }
0x1c: {  	p1 =	slt.u32 s9, $0xF7A;
	s5 =	simm.s32 @!p2 $0x0  }
0x1d: {  	s5 =	simm.s32 @p1 $0x1;
	p0 =	seq.s32 s7, s2  }
0x1e: {  	s7 =	smul.u32 @!p0 $0xF7A, s2;
	p2 =	seq.s32 @!p0 s5, $0x0  }
0x1f: {  	s9 =	smul.u32 $0xF7A, s1;
	s8 =	simm.s32 @!p0 $0x1BF5;
	p2 =	por !p2, p0  }
0x20: {  	[sflag:s8] =	ssyncset.s32 @!p0 $0xFFFFF086;
	s6 =	sadd.s32 @!p0 s3, s7;
	s7 =	simm.s32 @!p0 $0x108  }
0x21: {  	s3 =	sadd.s32 s3, s9;
	s6 =	sadd.s32 @!p0 $0x88, s6;
	s7 =	simm.s32 @p2 $0x1082  }
0x22: {  	[simem:s7], [sflag:s8] =	dma.local @!p0 [hbm:s6], $0xF7A  }
0x23: {  	s9 =	sor.u32 $0xD0000000, s2;
	s6 =	simm.s32 $0x108;
	_ =	swait.ge @!p0 [sflag:s8], $0x0  }
0x24: {  	s3 =	sadd.s32 $0x88, s3;
	s6 =	simm.s32 @!p1 $0x1082;
	[sflag:s4] =	ssyncset.s32 $0xFFFFF086  }
0x25: {  	[simem:s6], [sflag:s4] =	dma.local [hbm:s3], $0xF7A  }
0x26: {  	[smem:$0x3F91] =	sst s1;
	(tag) =	ssettag s2;
	_ =	strace s9  }
0x27: {  	s1 =	sld [smem:$0x3FA1]  }
0x28: {  	s2 =	sld [smem:$0x3FA2]  }
0x29: {  	s4 =	sld [smem:$0x3FA4]  }
0x2a: {  	p0 =	seq.s32 s5, $0x0;
	s5 =	sld [smem:$0x3FA5]  }
0x2b: {  	s6 =	sld [smem:$0x3FA6]  }
0x2c: {  	s7 =	sld [smem:$0x3FA7]  }
0x2d: {  	s3 =	simm.s32 $0x108;
	s8 =	sld [smem:$0x3FA8]  }
0x2e: {  	s3 =	simm.s32 @!p0 $0x1082;
	s9 =	sld [smem:$0x3FA9]  }
0x2f: {  	lr =	sadd.s32 s0, s3;
	s0 =	sld [smem:$0x3FA0]  }
0x30: {  	s3 =	sld [smem:$0x3FA3]  }
0x31: {  	[smem:$0x3FAC] =	sst s10  }
0x32: {  	s10 =	sld [smem:$0x3FAA];
	_ =	sdelay $0x3  }
0x33: {  	p0 =	seq.s32 s10, $0x1;
	s10 =	sld [smem:$0x3FAC];
	_ =	sdelay $0x3  }
0x34: {  	[smem:$0x3FAC] =	sst s10  }
0x35: {  	s10 =	sld [smem:$0x3FAB];
	_ =	sdelay $0x3  }
0x36: {  	p1 =	seq.s32 s10, $0x1;
	s10 =	sld [smem:$0x3FAC];
	_ =	sdelay $0x3  }
0x37: {  	[smem:$0x3FAC] =	sst s10  }
0x38: {  	s10 =	sld [smem:$0x3FAD]  }
0x39: {  	_ = 	snop;
	(pc) =	sbr.ind lr, $3  }
0x3a: {  	_ = 	snop  }
0x3b: {  	_ = 	snop  }
0x3c: {  	p2 =	seq.s32 s10, $0x1;
	s10 =	sld [smem:$0x3FAC]  }
0x3d: {  	_ =	shalt  }
0x3e: {  	_ =	shalt  }
0x3f: {  	_ =	shalt  }
0x40: {  	_ =	shalt  }
0x41: {  	_ =	shalt  }
0x42: {  	_ =	shalt  }
0x43: {  	_ =	shalt  }
0x44: {  	_ =	shalt  }
0x45: {  	_ =	shalt  }
0x46: {  	_ =	shalt  }
0x47: {  	_ =	shalt  }
0x48: {  	_ =	shalt  }
0x49: {  	_ =	shalt  }
0x4a: {  	_ =	shalt  }
0x4b: {  	_ =	shalt  }
0x4c: {  	_ =	shalt  }
0x4d: {  	_ =	shalt  }
0x4e: {  	_ =	shalt  }
0x4f: {  	_ =	shalt  }
0x50: {  	_ =	shalt  }
0x51: {  	_ =	shalt  }
0x52: {  	_ =	shalt  }
0x53: {  	_ =	shalt  }
0x54: {  	_ =	shalt  }
0x55: {  	_ =	shalt  }
0x56: {  	_ =	shalt  }
0x57: {  	_ =	shalt  }
0x58: {  	_ =	shalt  }
0x59: {  	_ =	shalt  }
0x5a: {  	_ =	shalt  }
0x5b: {  	_ =	shalt  }
0x5c: {  	_ =	shalt  }
0x5d: {  	_ =	shalt  }
0x5e: {  	_ =	shalt  }
0x5f: {  	_ =	shalt  }
0x60: {  	_ =	shalt  }
0x61: {  	_ =	shalt  }
0x62: {  	_ =	shalt  }
0x63: {  	_ =	shalt  }
0x64: {  	_ =	shalt  }
0x65: {  	_ =	shalt  }
0x66: {  	_ =	shalt  }
0x67: {  	_ =	shalt  }
0x68: {  	_ =	shalt  }
0x69: {  	_ =	shalt  }
0x6a: {  	_ =	shalt  }
0x6b: {  	_ =	shalt  }
0x6c: {  	_ =	shalt  }
0x6d: {  	_ =	shalt  }
0x6e: {  	_ =	shalt  }
0x6f: {  	_ =	shalt  }
0x70: {  	_ =	shalt  }
0x71: {  	_ =	shalt  }
0x72: {  	_ =	shalt  }
0x73: {  	_ =	shalt  }
0x74: {  	_ =	shalt  }
0x75: {  	_ =	shalt  }
0x76: {  	_ =	shalt  }
0x77: {  	_ =	shalt  }
0x78: {  	_ =	shalt  }
0x79: {  	_ =	shalt  }
0x7a: {  	_ =	shalt  }
0x7b: {  	_ =	shalt  }
0x7c: {  	_ =	shalt  }
0x7d: {  	_ =	shalt  }
0x7e: {  	_ =	shalt  }
0x7f: {  	_ =	shalt  }
0x80: {  	_ =	shalt  }
0x81: {  	_ =	shalt  }
0x82: {  	_ =	shalt  }
0x83: {  	_ =	shalt  }
0x84: {  	_ =	shalt  }
0x85: {  	_ =	shalt  }
0x86: {  	_ =	shalt  }
0x87: {  	_ =	shalt  }
.Lfunc_end0:
.L_simem_size_0:
called_computation.3_lowered:
.L_overlay_start_0:
0x88: {  	s2 =	sld [smem:$0x3FD9]  }
0x89: {  	s3 =	sld [smem:$0x3FFE];
	_ =	sdelay $0x1  }
0x8a: {  	s1 =	srdreg.scid  }
0x8b: {  	s0 =	sand.u32 $0x1, s1  }
0x8c: {  	s16 =	sshll.u32 s0, $0xA;
	s2 =	sadd.s32 s3, s2  }
0x8d: {  	s2 =	sadd.s32 s2, s16  }
0x8e: {  	[smem:$0x3FB8] =	sst s2  }
0x8f: {  	_ = 	snop  }
0x90: {  	(tm) =	ssettm $0x1  }
0x91: {  	s17 =	sld [smem:$0x3FFB];
	_ =	sdelay $0x3  }
0x92: {  	_ =	strace s17  }
0x93: {  	s2 =	sld [smem:$0x3FFC];
	_ =	sdelay $0x3  }
0x94: {  	_ =	strace s2  }
0x95: {  	s2 =	sld [smem:$0x3FFD];
	_ =	sdelay $0x3  }
0x96: {  	_ =	strace s2  }
0x97: {  	_ =	strace $0x8FFFFFFF  }
0x98: {  	s18 =	sld [smem:$0x3FDB];
	_ =	sdelay $0x1  }
0x99: {  	s19 =	simm.s32 $_scs_section_size  }
0x9a: {  	s4 =	simm.s32 $_size__tile_overlayer_lowered;
	s5 =	simm.s32 $_tile_overlayer_lowered  }
0x9b: {  	s22 =	simm.s32 $0x1BFF;
	s21 =	sshll.u32 s5, $0x1;
	s2 =	sadd.s32 s19, s18  }
0x9c: {  	s6 =	simm.s32 $0x0;
	s20 =	sshll.u32 s4, $0x1;
	s4 =	sadd.s32 s21, s2  }
0x9d: {  	[timem:s6], [sflag:s22] =	dma.local [hbm:s4], s20  }
0x9e: {  	_ =	swait.ge [sflag:s22], s20  }
0x9f: {  	s3 =	ssub.s32 $0x0, s20;
	[sflag:s22] =	ssyncset.done $0x0  }
0xa0: {  	[sflag:s22] =	ssyncadd.s32 s3;
	_ =	sdelay $0x1  }
0xa1: {  	s23 =	simm.s32 $0x1B8B  }
0xa2: {  	_ =	swait.ge [sflag:s23], $0x1  }
0xa3: {  	[sflag:s23] =	ssyncset.done $0x0  }
0xa4: {  	s25 =	simm.s32 $0x1B8E;
	s24 =	sld [smem:$0x3FFE];
	[sflag:s23] =	ssyncadd.s32 $0xFFFFFFFF  }
0xa5: {  	s26 =	simm.s32 $execute0_lowered;
	[smem:$0x3FD2] =	sst s25  }
0xa6: {  	s4 =	sshll.u32 s26, $0x1;
	_ =	strace $0x8000004F;
	[dreg:$0x1] =	wrdreg $0xFFFFFFFF  }
0xa7: {  	s28 =	simm.s32 $_size_execute0_lowered;
	s2 =	sadd.s32 s2, s4;
	[dreg:$0x0] =	wrdreg $0x0  }
0xa8: {  	s4 =	sshll.u32 s28, $0x1;
	[dreg:$0x2] =	wrdreg s2  }
0xa9: {  	[dreg:$0x3] =	wrdreg s4  }
0xaa: {  	[dreg:$0x4] =	wrdreg $0xC0  }
0xab: {  	_ =	task [dreg:s6], $0x5FFFF  }
0xac: {  	[dreg:$0x1] =	wrdreg $0xFFFFFFFF  }
0xad: {  	[dreg:$0x0] =	wrdreg $0x60  }
0xae: {  	[dreg:$0x2] =	wrdreg s24  }
0xaf: {  	[dreg:$0x3] =	wrdreg $0xB9400  }
0xb0: {  	[dreg:$0x4] =	wrdreg $0x159400  }
0xb1: {  	[dreg:$0x5] =	wrdreg $0x9  }
0xb2: {  	_ =	task.clear_ibuf [dreg:s6], $0x6FFFF;
	_ =	strace $0x9000004F  }
0xb3: {  	s29 =	simm.s32 $0x9;
	_ =	strace $0x80000051  }
0xb4: {  	_ =	swait.ge [sflag:s29], $0x1  }
0xb5: {  	[sflag:s29] =	ssyncadd.s32 $0xFFFFFFFF  }
0xb6: {  	_ =	strace $0x90000051  }
0xb7: {  	_ =	sfence  }
0xb8: {  	s30 =	sld [smem:$0x0];
	_ =	sdelay $0x2  }
0xb9: {  	s31 =	sshll.u32 s1, $0xD;
	s1 =	sshrl.u32 s1, $0x2  }
0xba: {  	s3 =	sand.u32 $0x4000, s31;
	s1 =	sadd.s32 s1, s30  }
0xbb: {  	s0 =	sor.u32 s3, s0;
	s1 =	sshll.u32 s1, $0x11  }
0xbc: {  	s0 =	sor.u32 s1, s0  }
0xbd: {  	s0 =	sadd.s32 $0x8F2B, s0  }
0xbe: {  	[sflag:s0] =	ssyncadd.remote.s32 $0x1  }
0xbf: {  	_ =	sfence.sel $0xFFFF  }
0xc0: {  	[dreg:$0x0] =	wrdreg $0xFFFFFFFF;
	(pc) =	sbr.abs _section_cstart, $3  }
0xc1: {  	[dreg:$0x1] =	wrdreg $0xFFFFFFFF  }
0xc2: {  	_ =	task.clear_ibuf [dreg:s6], $0x2FFFF;
	_ =	strace $0x9FFFFFFF  }
0xc3: {  	(tm) =	ssettm $0x7FFFFFFF  }
tec
execute0_lowered:
.L_overlay_start_1:
0x0: {  	(tag) =	ssettag $0x1  }
0x1: {  	s5 =	rddreg [dreg:$0x0]  }
0x2: {  	s2 =	rddreg [dreg:$0x1]  }
0x3: {  	s3 =	rddreg [dreg:$0x2]  }
0x4: {  	s0 =	rddreg [dreg:$0x3]  }
0x5: {  	s1 =	stileid.u32;
	s6 =	srdreg.scid  }
0x6: {  	s4 =	simm.s32 $0x0;
	s14 =	simm.s32 $0x28A0;
	s15 =	simm.s32 $0x68  }
0x7: {  	s16 =	simm.s32 $0x5140;
	s17 =	simm.s32 $0x6B40;
	s18 =	simm.s32 $0x8540  }
0x8: {  	s19 =	simm.s32 $0x9F40;
	s20 =	simm.s32 $0x1;
	s21 =	simm.s32 $0x2  }
0x9: {  	s22 =	simm.s32 $0x0;
	s7 =	smul.u32 $0xA000, s1;
	s6 =	sand.u32 $0x1, s6  }
0xa: {  	[smem:$0x7FF] =	sst s4;
	s31 =	sshll.u32 s1, $0x6;
	s8 =	sshll.u32 s6, $0x4  }
0xb: {  	s9 =	smul.u32 $0xA0000, s6;
	_ =	strace $0x80000050;
	s6 =	ssub.s32 $0x2, s6  }
0xc: {  	s10 =	sshrl.u32 s7, $0x3;
	s8 =	sor.u32 s1, s8;
	s11 =	sshrl.u32 s6, $0x1  }
0xd: {  	s12 =	sadd.s32 s7, s2;
	s13 =	sadd.s32 s7, s3;
	s8 =	smul.u32 $0x514, s8  }
0xe: {  	s9 =	sadd.s32 s7, s9;
	s10 =	sadd.s32 s10, s5;
	s11 =	ssub.s32 s6, s11  }
0xf: {  	s6 =	sor.u32 $0x1C03, s31;
	s13 =	sshrl.u32 s13, $0x3;
	s9 =	sshrl.u32 s9, $0x3  }
0x10: {  	s8 =	sadd.s32 s8, s5;
	s9 =	sadd.s32 s9, s5;
	s5 =	sadd.s32 $0xD200, s10  }
0x11: {  	s10 =	smax.u32 s11, $0x1;
	s11 =	sshrl.u32 s12, $0x3;
	s12 =	simm.s32 $0x3  }
0x12: {  	s7 =	sadd.s32 $0x49200, s8;
	s8 =	sadd.s32 $0x2E00, s8;
	s9 =	sadd.s32 $0x21200, s9  }
.LBB2_1:
0x13: {  	[spmem:s11], [sflag:s6] =	dma.local [hbm:s5], $0x1400  }
0x14: {  	_ =	swait.ge [sflag:s12], $0x1400  }
0x15: {  	[sflag:s12] =	ssyncset.done $0x0  }
0x16: {  	[sflag:s12] =	ssyncadd.s32 $0xFFFFEC00  }
0x17: {  	[spmem:s13], [sflag:s6] =	dma.local [hbm:s5], $0x1400  }
0x18: {  	_ =	swait.ge [sflag:s12], $0x1400  }
0x19: {  	[sflag:s12] =	ssyncset.done $0x0  }
0x1a: {  	[sflag:s12] =	ssyncadd.s32 $0xFFFFEC00  }
0x1b: {  	[tilespmem:s4], [sflag:$0x3] =	stream.linear.gather [hbm4b:s7+s4], $0x28A0, $0x38;
	[tilespmem:$0x1F940] =	vst v63  }
0x1c: {  	_ =	swait.ge [sflag:s12], $0x28A0  }
0x1d: {  	[sflag:s12] =	ssyncset.done $0x0  }
0x1e: {  	[sflag:s12] =	ssyncadd.s32 $0xFFFFD760  }
0x1f: {  	[tilespmem:s14], [sflag:$0x3] =	stream.linear.gather [hbm4b:s8+s4], $0x28A0, $0x38;
	[tilespmem:$0x1F940] =	vst v63  }
0x20: {  	_ =	swait.ge [sflag:s12], $0x28A0  }
0x21: {  	[sflag:s12] =	ssyncset.done $0x0  }
0x22: {  	[sflag:s12] =	ssyncadd.s32 $0xFFFFD760  }
0x23: {  	s23 =	simm.s32 $0x0;
	[bflag:$0x0] =	sbarrier.arrive $0xFFFF  }
0x24: {  	[tilespmem:s16], [sflag:$0x1] =	stream.indirect.gather [spmem:s2], $0x40, s23, s15, $0xb8;
	[tilespmem:$0x1F940] =	vst v63  }
0x25: {  	s24 =	simm.s32 $0x68  }
0x26: {  	[tilespmem:s17], [sflag:$0x1] =	stream.indirect.gather [spmem:s2], $0x40, s24, s15, $0xb8;
	[tilespmem:$0x1F940] =	vst v63  }
0x27: {  	s25 =	simm.s32 $0xD0  }
0x28: {  	[tilespmem:s18], [sflag:$0x1] =	stream.indirect.gather [spmem:s2], $0x40, s25, s15, $0xb8;
	[tilespmem:$0x1F940] =	vst v63  }
0x29: {  	s26 =	simm.s32 $0x138  }
0x2a: {  	[tilespmem:s19], [sflag:$0x1] =	stream.indirect.gather [spmem:s2], $0x40, s26, s15, $0xb8;
	[tilespmem:$0x1F940] =	vst v63  }
0x2b: {  	_ =	swait.ge [sflag:s20], $0x1A00  }
0x2c: {  	[sflag:s20] =	ssyncset.done $0x0  }
0x2d: {  	s28 =	simm.s32 $0x28A0;
	[sflag:s20] =	ssyncadd.s32 $0xFFFFE600  }
0x2e: {  	[spmem:s3] =	stream.indirect.scatter.add.f32 [tilespmem:s16], [sflag:$0x2], $0x40, s28, s15, $0xb8;
	[tilespmem:$0x1F940] =	vst v63  }
0x2f: {  	_ =	swait.ge [sflag:s20], $0x1A00  }
0x30: {  	[sflag:s20] =	ssyncset.done $0x0  }
0x31: {  	s29 =	simm.s32 $0x2908;
	[sflag:s20] =	ssyncadd.s32 $0xFFFFE600  }
0x32: {  	[spmem:s3] =	stream.indirect.scatter.add.f32 [tilespmem:s17], [sflag:$0x2], $0x40, s29, s15, $0xb8;
	[tilespmem:$0x1F940] =	vst v63  }
0x33: {  	_ =	swait.ge [sflag:s20], $0x1A00  }
0x34: {  	[sflag:s20] =	ssyncset.done $0x0  }
0x35: {  	s30 =	simm.s32 $0x2970;
	[sflag:s20] =	ssyncadd.s32 $0xFFFFE600  }
0x36: {  	[spmem:s3] =	stream.indirect.scatter.add.f32 [tilespmem:s18], [sflag:$0x2], $0x40, s30, s15, $0xb8;
	[tilespmem:$0x1F940] =	vst v63  }
0x37: {  	_ =	swait.ge [sflag:s20], $0x1A00  }
0x38: {  	[sflag:s20] =	ssyncset.done $0x0  }
0x39: {  	s31 =	simm.s32 $0x29D8;
	[sflag:s20] =	ssyncadd.s32 $0xFFFFE600  }
0x3a: {  	[spmem:s3] =	stream.indirect.scatter.add.f32 [tilespmem:s19], [sflag:$0x2], $0x40, s31, s15, $0xb8;
	[tilespmem:$0x1F940] =	vst v63  }
0x3b: {  	_ =	swait.ge [sflag:s21], $0x1A00  }
0x3c: {  	[sflag:s21] =	ssyncset.done $0x0  }
0x3d: {  	[sflag:s21] =	ssyncadd.s32 $0xFFFFE600  }
0x3e: {  	_ =	swait.ge [sflag:s21], $0x1A00  }
0x3f: {  	[sflag:s21] =	ssyncset.done $0x0  }
0x40: {  	[sflag:s21] =	ssyncadd.s32 $0xFFFFE600  }
0x41: {  	_ =	swait.ge [sflag:s21], $0x1A00  }
0x42: {  	[sflag:s21] =	ssyncset.done $0x0  }
0x43: {  	[sflag:s21] =	ssyncadd.s32 $0xFFFFE600  }
0x44: {  	_ =	swait.ge [sflag:s21], $0x1A00  }
0x45: {  	s23 =	simm.s32 $0x680;
	s25 =	simm.s32 $0xD00;
	[sflag:s21] =	ssyncset.done $0x0  }
.LBB2_2:
0x46: {  	s26 =	sshra.s32 s23, $0x2  }
0x47: {  	[sflag:s21] =	ssyncadd.s32 $0xFFFFE600;
	s23 =	smov.u32 s25;
	s24 =	sadd.s32 $0x680, s25  }
0x48: {  	[tilespmem:s16], [sflag:$0x1] =	stream.indirect.gather [spmem:s2], $0x40, s26, s15, $0xb8;
	[tilespmem:$0x1F940] =	vst v63  }
0x49: {  	p0 =	sne.s32 s25, $0x9C00;
	s25 =	sadd.s32 $0x68, s26  }
0x4a: {  	[tilespmem:s17], [sflag:$0x1] =	stream.indirect.gather [spmem:s2], $0x40, s25, s15, $0xb8;
	[tilespmem:$0x1F940] =	vst v63  }
0x4b: {  	s25 =	sadd.s32 $0xD0, s26  }
0x4c: {  	[tilespmem:s18], [sflag:$0x1] =	stream.indirect.gather [spmem:s2], $0x40, s25, s15, $0xb8;
	[tilespmem:$0x1F940] =	vst v63  }
0x4d: {  	s25 =	sadd.s32 $0x138, s26  }
0x4e: {  	[tilespmem:s19], [sflag:$0x1] =	stream.indirect.gather [spmem:s2], $0x40, s25, s15, $0xb8;
	[tilespmem:$0x1F940] =	vst v63  }
0x4f: {  	_ =	swait.ge [sflag:s20], $0x1A00  }
0x50: {  	[sflag:s20] =	ssyncset.done $0x0  }
0x51: {  	s25 =	sadd.s32 $0x28A0, s26;
	[sflag:s20] =	ssyncadd.s32 $0xFFFFE600  }
0x52: {  	[spmem:s3] =	stream.indirect.scatter.add.f32 [tilespmem:s16], [sflag:$0x2], $0x40, s25, s15, $0xb8;
	[tilespmem:$0x1F940] =	vst v63  }
0x53: {  	_ =	swait.ge [sflag:s20], $0x1A00  }
0x54: {  	[sflag:s20] =	ssyncset.done $0x0  }
0x55: {  	s25 =	sadd.s32 $0x2908, s26;
	[sflag:s20] =	ssyncadd.s32 $0xFFFFE600  }
0x56: {  	[spmem:s3] =	stream.indirect.scatter.add.f32 [tilespmem:s17], [sflag:$0x2], $0x40, s25, s15, $0xb8;
	[tilespmem:$0x1F940] =	vst v63  }
0x57: {  	_ =	swait.ge [sflag:s20], $0x1A00  }
0x58: {  	[sflag:s20] =	ssyncset.done $0x0  }
0x59: {  	s25 =	sadd.s32 $0x2970, s26;
	[sflag:s20] =	ssyncadd.s32 $0xFFFFE600  }
0x5a: {  	[spmem:s3] =	stream.indirect.scatter.add.f32 [tilespmem:s18], [sflag:$0x2], $0x40, s25, s15, $0xb8;
	[tilespmem:$0x1F940] =	vst v63  }
0x5b: {  	_ =	swait.ge [sflag:s20], $0x1A00  }
0x5c: {  	[sflag:s20] =	ssyncset.done $0x0  }
0x5d: {  	s25 =	sadd.s32 $0x29D8, s26;
	[sflag:s20] =	ssyncadd.s32 $0xFFFFE600  }
0x5e: {  	[spmem:s3] =	stream.indirect.scatter.add.f32 [tilespmem:s19], [sflag:$0x2], $0x40, s25, s15, $0xb8;
	[tilespmem:$0x1F940] =	vst v63  }
0x5f: {  	_ =	swait.ge [sflag:s21], $0x1A00  }
0x60: {  	[sflag:s21] =	ssyncset.done $0x0  }
0x61: {  	[sflag:s21] =	ssyncadd.s32 $0xFFFFE600  }
0x62: {  	_ =	swait.ge [sflag:s21], $0x1A00  }
0x63: {  	[sflag:s21] =	ssyncset.done $0x0  }
0x64: {  	[sflag:s21] =	ssyncadd.s32 $0xFFFFE600  }
.Ltmp0:
0x65: {  	_ =	swait.ge [sflag:s21], $0x1A00;
	(pc) =	sbr.rel @p0 .LBB2_2-.Ltmp0, $4  }
0x66: {  	[sflag:s21] =	ssyncset.done $0x0  }
0x67: {  	[sflag:s21] =	ssyncadd.s32 $0xFFFFE600  }
0x68: {  	_ =	swait.ge [sflag:s21], $0x1A00  }
0x69: {  	s25 =	smov.u32 s24;
	[sflag:s21] =	ssyncset.done $0x0  }
0x6a: {  	s23 =	sshra.s32 s23, $0x2;
	[sflag:s21] =	ssyncadd.s32 $0xFFFFE600  }
0x6b: {  	[tilespmem:s16], [sflag:$0x1] =	stream.indirect.gather [spmem:s2], $0x40, s23, s15, $0xb8;
	[tilespmem:$0x1F940] =	vst v63  }
0x6c: {  	s24 =	sadd.s32 $0x68, s23  }
0x6d: {  	[tilespmem:s17], [sflag:$0x1] =	stream.indirect.gather [spmem:s2], $0x40, s24, s15, $0xb8;
	[tilespmem:$0x1F940] =	vst v63  }
0x6e: {  	s26 =	sadd.s32 $0xD0, s23  }
0x6f: {  	[tilespmem:s18], [sflag:$0x1] =	stream.indirect.gather [spmem:s2], $0x40, s26, s15, $0xb8;
	[tilespmem:$0x1F940] =	vst v63  }
0x70: {  	s28 =	sadd.s32 $0x138, s23  }
0x71: {  	[tilespmem:s19], [sflag:$0x1] =	stream.indirect.gather [spmem:s2], $0x40, s28, s15, $0xb8;
	[tilespmem:$0x1F940] =	vst v63  }
0x72: {  	_ =	swait.ge [sflag:s20], $0x1A00  }
0x73: {  	[sflag:s20] =	ssyncset.done $0x0  }
0x74: {  	s29 =	sadd.s32 $0x28A0, s23;
	[sflag:s20] =	ssyncadd.s32 $0xFFFFE600  }
0x75: {  	[spmem:s3] =	stream.indirect.scatter.add.f32 [tilespmem:s16], [sflag:$0x2], $0x40, s29, s15, $0xb8;
	[tilespmem:$0x1F940] =	vst v63  }
0x76: {  	_ =	swait.ge [sflag:s20], $0x1A00  }
0x77: {  	[sflag:s20] =	ssyncset.done $0x0  }
0x78: {  	s30 =	sadd.s32 $0x2908, s23;
	[sflag:s20] =	ssyncadd.s32 $0xFFFFE600  }
0x79: {  	[spmem:s3] =	stream.indirect.scatter.add.f32 [tilespmem:s17], [sflag:$0x2], $0x40, s30, s15, $0xb8;
	[tilespmem:$0x1F940] =	vst v63  }
0x7a: {  	_ =	swait.ge [sflag:s20], $0x1A00  }
0x7b: {  	[sflag:s20] =	ssyncset.done $0x0  }
0x7c: {  	s31 =	sadd.s32 $0x2970, s23;
	[sflag:s20] =	ssyncadd.s32 $0xFFFFE600  }
0x7d: {  	[spmem:s3] =	stream.indirect.scatter.add.f32 [tilespmem:s18], [sflag:$0x2], $0x40, s31, s15, $0xb8;
	[tilespmem:$0x1F940] =	vst v63  }
0x7e: {  	_ =	swait.ge [sflag:s20], $0x1A00  }
0x7f: {  	[sflag:s20] =	ssyncset.done $0x0  }
0x80: {  	s23 =	sadd.s32 $0x29D8, s23;
	[sflag:s20] =	ssyncadd.s32 $0xFFFFE600  }
0x81: {  	[spmem:s3] =	stream.indirect.scatter.add.f32 [tilespmem:s19], [sflag:$0x2], $0x40, s23, s15, $0xb8;
	[tilespmem:$0x1F940] =	vst v63  }
0x82: {  	_ =	swait.ge [sflag:s21], $0x1A00  }
0x83: {  	[sflag:s21] =	ssyncset.done $0x0  }
0x84: {  	[sflag:s21] =	ssyncadd.s32 $0xFFFFE600  }
0x85: {  	_ =	swait.ge [sflag:s21], $0x1A00  }
0x86: {  	[sflag:s21] =	ssyncset.done $0x0  }
0x87: {  	[sflag:s21] =	ssyncadd.s32 $0xFFFFE600  }
0x88: {  	_ =	swait.ge [sflag:s21], $0x1A00  }
0x89: {  	[sflag:s21] =	ssyncset.done $0x0  }
0x8a: {  	[sflag:s21] =	ssyncadd.s32 $0xFFFFE600  }
0x8b: {  	_ =	swait.ge [sflag:s21], $0x1A00  }
0x8c: {  	s22 =	sadd.s32 $0x1, s22;
	[sflag:s21] =	ssyncset.done $0x0  }
0x8d: {  	p0 =	sne.s32 s22, s10;
	[sflag:s21] =	ssyncadd.s32 $0xFFFFE600  }
.Ltmp1:
0x8e: {  	[bflag:$0x0] =	sbarrier.arrive $0xFFFF;
	(pc) =	sbr.rel @p0 .LBB2_1-.Ltmp1, $4  }
0x8f: {  	[hbm:s9], [sflag:s6] =	dma.local [spmem:s13], $0x1400  }
0x90: {  	_ =	swait.ge [sflag:s12], $0x1400  }
0x91: {  	[sflag:s12] =	ssyncset.done $0x0  }
0x92: {  	[sflag:s12] =	ssyncadd.s32 $0xFFFFEC00  }
0x93: {  	_ =	sfence.sel $0x180000  }
0x94: {  	[bflag:$0x0] =	sbarrier.arrive $0xFFFF  }
0x95: {  	p0 =	sne.s32 s1, $0x0;
	_ =	strace $0x90000050  }
0x96: {  	s0 =	sadd.s32 @!p0 $0x100000, s0;
	[bflag:$0x2] =	sbarrier.arrive $0xFFFF  }
0x97: {  	[sflag:s0] =	ssyncadd.tile.s32 @!p0 $0x1;
	_ =	shalt  }
.Lfunc_end2:
_tile_overlayer_lowered:
.L_overlay_start_2:
0x98: {  	(tag) =	ssettag $0x2  }
0x99: {  	s0 =	rddreg [dreg:$0x0];
	s2 =	stileid.u32  }
0x9a: {  	s1 =	rddreg [dreg:$0x1];
	p0 =	sne.s32 s2, $0x0  }
0x9b: {  	s3 =	rddreg [dreg:$0x2];
	[bflag:$0x3] =	sbarrier.arrive $0xFFFF;
	s2 =	simm.s32 @!p0 $0x1C03  }
0x9c: {  	[timem:s3], [sflag:s2] =	dma.local @!p0 [hbm:s0], s1  }
0x9d: {  	s0 =	simm.s32 @!p0 $0x3  }
0x9e: {  	_ =	swait.ge @!p0 [sflag:s0], s1  }
0x9f: {  	s1 =	ssub.s32 @!p0 $0x0, s1;
	[sflag:s0] =	ssyncset.done @!p0 $0x0  }
0xa0: {  	[sflag:s0] =	ssyncadd.s32 @!p0 s1  }
0xa1: {  	[bflag:$0x3] =	sbarrier.arrive $0xFFFF  }
0xa2: {  	_ =	shalt  }

</sc_bundles>
